<compile_context>
chip_gen: v7x
topology: tpu7x:2x2x1
jax: 0.10.2.dev20260603
libtpu: 0.0.44.dev20260713+nightly
codegen_flags: <defaults>
</compile_context>

<pallas_src>
import functools

import jax
import jax.numpy as jnp
from jax import lax
from jax.experimental import pallas as pl
from jax.experimental.pallas import tpu as pltpu
from jax.experimental.pallas import tpu_sc as plsc

N = 10000
D = 256
H = D // 2
E = 160000
NSC = 2
NTILE = 16
CH = 40
NCH = 256
GSZ = 8
GN = NCH // GSZ
EPT = NCH * CH
EPAD = NTILE * EPT
EPW = EPAD // (NSC * NTILE)
NROW = 10112
RPT = NROW // NTILE
NHR = 640
HPT = NHR // NTILE
D_OUT = 16

_FP = jnp.float32


def _sc_mesh():
    return plsc.VectorSubcoreMesh(core_axis_name="c", subcore_axis_name="s")



NH = NHR * 16
HS = NH // NTILE


def _deg_body(dst_hbm, out_hbm, hist_v, dst_v, tmp_v, acc_v, stage_sh):
    c = lax.axis_index("c")
    s = lax.axis_index("s")
    w = s * NSC + c

    def _zero(i, carry):
        hist_v[pl.ds(i * 16, 16)] = jnp.zeros((16,), _FP)
        return carry
    lax.fori_loop(0, NH // 16, _zero, 0)

    pltpu.sync_copy(dst_hbm.at[pl.ds(w * EPW, EPW)], dst_v)
    ones = jnp.ones((16,), _FP)

    def _acc(i, carry):
        idx = dst_v[pl.ds(i * 16, 16)]
        plsc.addupdate_scatter(hist_v, [idx], ones)
        return carry
    lax.fori_loop(0, EPW // 16, _acc, 0)

    pltpu.sync_copy(hist_v, stage_sh.at[s])
    plsc.subcore_barrier()

    def _zacc(i, carry):
        acc_v[pl.ds(i * 16, 16)] = jnp.zeros((16,), _FP)
        return carry
    lax.fori_loop(0, HS // 16, _zacc, 0)

    for t in range(NTILE):
        pltpu.sync_copy(stage_sh.at[t].at[pl.ds(s * HS, HS)], tmp_v)

        def _sum(i, carry):
            sl = pl.ds(i * 16, 16)
            acc_v[sl] = acc_v[sl] + tmp_v[sl]
            return carry
        lax.fori_loop(0, HS // 16, _sum, 0)

    pltpu.sync_copy(acc_v, out_hbm.at[c].at[pl.ds(s * HS, HS)])


def _deg_call(dstp):
    fn = pl.kernel(
        _deg_body,
        out_type=jax.ShapeDtypeStruct((NSC, NH), _FP),
        mesh=_sc_mesh(),
        compiler_params=pltpu.CompilerParams(needs_layout_passes=False),
        scratch_types=[
            pltpu.VMEM((NH,), _FP),
            pltpu.VMEM((EPW,), jnp.int32),
            pltpu.VMEM((HS,), _FP),
            pltpu.VMEM((HS,), _FP),
            pltpu.VMEM_SHARED((NTILE, NH), _FP),
        ],
    )
    return fn(dstp)



def _agg_body(y_hbm, src_hbm, dst_hbm, out_hbm, sidx, didx, buf0, buf1,
              buf2, buf3, acc_sh, semg0, semg1, semg2, semg3, semi):
    c = lax.axis_index("c")
    s = lax.axis_index("s")

    pltpu.sync_copy(src_hbm.at[s].at[0], sidx.at[0])
    pltpu.sync_copy(dst_hbm.at[s].at[0], didx.at[0])

    def _zb(i, carry):
        buf0[lax.shift_right_logical(i, 3),
             pl.ds(jnp.bitwise_and(i, 7) * 16, 16)] = jnp.zeros((16,), _FP)
        return carry
    lax.fori_loop(0, CH * 8, _zb, 0)


    plsc.subcore_barrier()

    bufs = (buf0, buf1, buf2, buf3)
    sems = (semg0, semg1, semg2, semg3)

    def _start(n, j):
        pltpu.async_copy(
            y_hbm.at[
                sidx.at[jnp.bitwise_and(lax.shift_right_logical(n, 3), 1)]
                .at[jnp.bitwise_and(n, 7)]],
            bufs[j], sems[j])

    for j in range(3):
        _start(jnp.int32(j), j)

    def _quad(m, carry):
        modd = jnp.bitwise_and(m, 1)
        g = lax.shift_right_logical(m, 1)

        @pl.when((modd == 0) & (g + 1 < GN))
        def _():
            gm1 = jnp.bitwise_and(g + 1, 1)
            pltpu.async_copy(src_hbm.at[s].at[g + 1], sidx.at[gm1], semi)
            pltpu.async_copy(dst_hbm.at[s].at[g + 1], didx.at[gm1], semi)

        @pl.when((modd == 1) & (g + 1 < GN))
        def _():
            gm1 = jnp.bitwise_and(g + 1, 1)
            pltpu.make_async_copy(src_hbm.at[s].at[g + 1], sidx.at[gm1],
                                  semi).wait()
            pltpu.make_async_copy(dst_hbm.at[s].at[g + 1], didx.at[gm1],
                                  semi).wait()

        for j in range(4):
            n = m * 4 + j
            pltpu.make_async_copy(y_hbm.at[sidx.at[0].at[0]],
                                  bufs[j], sems[j]).wait()
            pass
            nn = n + 3

            @pl.when(nn < NCH)
            def _():
                _start(nn, (j + 3) % 4)
        return carry
    lax.fori_loop(0, NCH // 4, _quad, 0)

    plsc.subcore_barrier()

    pltpu.sync_copy(acc_sh.at[pl.ds(s * RPT, RPT)],
                    out_hbm.at[c].at[pl.ds(s * RPT, RPT)])


def _agg_call(y, src3, dst3):
    fn = pl.kernel(
        _agg_body,
        out_type=jax.ShapeDtypeStruct((NSC, NROW, H), _FP),
        mesh=_sc_mesh(),
        scratch_types=[
            pltpu.VMEM((2, GSZ, CH), jnp.int32),
            pltpu.VMEM((2, GSZ, CH), jnp.int32),
            pltpu.VMEM((CH, D), _FP),
            pltpu.VMEM((CH, D), _FP),
            pltpu.VMEM((CH, D), _FP),
            pltpu.VMEM((CH, D), _FP),
            pltpu.VMEM_SHARED((NROW, H), _FP),
            pltpu.SemaphoreType.DMA,
            pltpu.SemaphoreType.DMA,
            pltpu.SemaphoreType.DMA,
            pltpu.SemaphoreType.DMA,
            pltpu.SemaphoreType.DMA,
        ],
    )
    return fn(y, src3, dst3)



_PREC = lax.Precision.HIGHEST
BROW = 1000
NG = N // BROW


def _dinv_of(degp_ref):
    return lax.rsqrt(degp_ref[0] + degp_ref[1] + 1.0)


def _tc1_body(x_ref, w1_ref, degp_ref, y_ref):
    y = jnp.dot(x_ref[...], w1_ref[...], precision=_PREC,
                preferred_element_type=_FP) * _dinv_of(degp_ref)
    y_ref[0] = y[:, :H]
    y_ref[1] = y[:, H:]


def _tc2_body(acc_ref, y_ref, degp_ref, w2_ref, b1_ref, out_ref):
    dinv = _dinv_of(degp_ref)
    a = jnp.concatenate([acc_ref[0] + y_ref[0],
                         acc_ref[1] + y_ref[1]], axis=1)
    h = jnp.maximum(a * dinv + b1_ref[...], 0.0)
    y2 = jnp.dot(h, w2_ref[...], precision=_PREC,
                 preferred_element_type=_FP) * dinv
    out_ref[0] = y2[:, :H]
    out_ref[1] = y2[:, H:]


def _tc3_body(acc_ref, y_ref, degp_ref, b2_ref, wc1_ref, bc1_ref,
              wc2_ref, bc2_ref, out_ref, accum_ref):
    i = pl.program_id(0)
    dinv = _dinv_of(degp_ref)
    a = jnp.concatenate([acc_ref[0] + y_ref[0],
                         acc_ref[1] + y_ref[1]], axis=1)
    h = jnp.maximum(a * dinv + b2_ref[...], 0.0)
    part = jnp.sum(h, axis=0, keepdims=True)

    @pl.when(i == 0)
    def _():
        accum_ref[...] = part

    @pl.when(i > 0)
    def _():
        accum_ref[...] += part

    @pl.when(i == NG - 1)
    def _():
        g = accum_ref[...] * (1.0 / N)
        z = jnp.maximum(
            jnp.dot(g, wc1_ref[...], precision=_PREC,
                    preferred_element_type=_FP) + bc1_ref[...], 0.0)
        out_ref[...] = jnp.dot(z, wc2_ref[...], precision=_PREC,
                               preferred_element_type=_FP) + bc2_ref[...]



def kernel(x, edge_index, W1, b1, W2, b2, Wc1, bc1, Wc2, bc2):
    src = edge_index[0].astype(jnp.int32)
    dst = edge_index[1].astype(jnp.int32)

    pad = EPAD - E
    srcp = jnp.concatenate([src, jnp.zeros((pad,), jnp.int32)])
    dstp = jnp.concatenate([dst, jnp.full((pad,), N, jnp.int32)])
    src3 = srcp.reshape(NTILE, GN, GSZ, CH)
    dst3 = dstp.reshape(NTILE, GN, GSZ, CH)

    hist = _deg_call(dstp)
    degp = hist[:, :N, None]
    b1r = b1.reshape(1, D)
    b2r = b2.reshape(1, D)
    bc1r = bc1.reshape(1, D // 2)
    bc2r = bc2.reshape(1, D_OUT)

    blk_row = pl.BlockSpec((BROW, D), lambda i: (i, 0))
    blk_w = pl.BlockSpec((D, D), lambda i: (0, 0))
    blk_deg = pl.BlockSpec((NSC, BROW, 1), lambda i: (0, i, 0))
    blk_y = pl.BlockSpec((NSC, BROW, H), lambda i: (0, i, 0))

    y1 = pl.pallas_call(
        _tc1_body,
        grid=(NG,),
        in_specs=[blk_row, blk_w, blk_deg],
        out_specs=blk_y,
        out_shape=jax.ShapeDtypeStruct((NSC, N, H), _FP),
    )(x, W1, degp)

    acc1 = _agg_call(x, src3, dst3)

    y2 = pl.pallas_call(
        _tc2_body,
        grid=(NG,),
        in_specs=[blk_y, blk_y, blk_deg, blk_w,
                  pl.BlockSpec((1, D), lambda i: (0, 0))],
        out_specs=blk_y,
        out_shape=jax.ShapeDtypeStruct((NSC, N, H), _FP),
    )(acc1[:, :N], y1, degp, W2, b1r)

    acc2 = _agg_call(x, src3, dst3)

    out = pl.pallas_call(
        _tc3_body,
        grid=(NG,),
        in_specs=[blk_y, blk_y, blk_deg,
                  pl.BlockSpec((1, D), lambda i: (0, 0)),
                  pl.BlockSpec((D, D // 2), lambda i: (0, 0)),
                  pl.BlockSpec((1, D // 2), lambda i: (0, 0)),
                  pl.BlockSpec((D // 2, D_OUT), lambda i: (0, 0)),
                  pl.BlockSpec((1, D_OUT), lambda i: (0, 0))],
        out_specs=pl.BlockSpec((1, D_OUT), lambda i: (0, 0)),
        out_shape=jax.ShapeDtypeStruct((1, D_OUT), _FP),
        scratch_shapes=[pltpu.VMEM((1, D), _FP)],
    )(acc2[:, :N], y2, degp, b2r, Wc1, bc1r, Wc2, bc2r)
    return out

# --- scband reference (transcript-rebuilt; emitter-appended) ---
"""Pipeline reference for scband-gnnclassifier-21801253994503 (READ-ONLY COPY).

The authoritative reference and input builder live on the scoring server;
editing this copy changes nothing except your own understanding.
"""

import jax, jax.numpy as jnp
import numpy as np

N_NODES = 10000
D_IN = 256
D_HID = 256
D_OUT = 16
N_EDGES = 160000


def setup_inputs(seed: int = 0) -> dict:
    key = jax.random.key(seed)
    ks = jax.random.split(key, 12)
    x = jax.random.normal(ks[0], (N_NODES, D_IN), dtype=jnp.float32)
    edge_index = jax.random.randint(ks[1], (2, N_EDGES), 0, N_NODES, dtype=jnp.int64 if jax.config.read('jax_enable_x64') else jnp.int32)
    # GCN layer 1: in 256 -> 256
    W1 = jax.random.normal(ks[2], (D_IN, D_HID), dtype=jnp.float32) * (1.0 / np.sqrt(D_IN))
    b1 = jnp.zeros((D_HID,), dtype=jnp.float32)
    # GCN layer 2: 256 -> 256
    W2 = jax.random.normal(ks[3], (D_HID, D_HID), dtype=jnp.float32) * (1.0 / np.sqrt(D_HID))
    b2 = jnp.zeros((D_HID,), dtype=jnp.float32)
    # MLP classifier: [256, 128, 16]
    Wc1 = jax.random.normal(ks[4], (D_HID, D_HID // 2), dtype=jnp.float32) * (1.0 / np.sqrt(D_HID))
    bc1 = jnp.zeros((D_HID // 2,), dtype=jnp.float32)
    Wc2 = jax.random.normal(ks[5], (D_HID // 2, D_OUT), dtype=jnp.float32) * (1.0 / np.sqrt(D_HID // 2))
    bc2 = jnp.zeros((D_OUT,), dtype=jnp.float32)
    return {"x": x, "edge_index": edge_index, "W1": W1, "b1": b1, "W2": W2, "b2": b2,
            "Wc1": Wc1, "bc1": bc1, "Wc2": Wc2, "bc2": bc2}


def _gcn_conv(x, src, dst, W, b):
    # PyG GCNConv: add self-loops, symmetric normalization, x' = D^-1/2 A_hat D^-1/2 X W + b
    N = x.shape[0]
    loop = jnp.arange(N, dtype=src.dtype)
    src_sl = jnp.concatenate([src, loop])
    dst_sl = jnp.concatenate([dst, loop])
    deg = jnp.zeros((N,), dtype=x.dtype).at[dst_sl].add(1.0)
    dinv = jnp.where(deg > 0, jax.lax.rsqrt(deg), 0.0)
    norm = dinv[src_sl] * dinv[dst_sl]
    xw = x @ W
    msg = jnp.take(xw, src_sl, axis=0) * norm[:, None]
    out = jnp.zeros((N, W.shape[1]), dtype=x.dtype).at[dst_sl].add(msg)
    return out + b


def reference(x, edge_index, W1, b1, W2, b2, Wc1, bc1, Wc2, bc2):
    src = edge_index[0]
    dst = edge_index[1]
    # layer 1 (dropout inactive in eval)
    h = _gcn_conv(x, src, dst, W1, b1)
    h = jax.nn.relu(h)
    # layer 2
    h = _gcn_conv(h, src, dst, W2, b2)
    h = jax.nn.relu(h)
    # global mean pool (batch=None -> single graph)
    g = jnp.mean(h, axis=0, keepdims=True)  # [1, D_HID]
    # MLP classifier [256 -> 128 -> 16] (eval mode: batch-norm with fresh running stats is identity, dropout off)
    z = jax.nn.relu(g @ Wc1 + bc1)
    out = z @ Wc2 + bc2
    return out

if __name__ == "__main__":
    import jax
    _d = setup_inputs()
    print(jax.jit(kernel)(*tuple(_d.values())))

</pallas_src>

<mosaic_0001>
#map = affine_map<(d0, d1) -> (0, 0)>
#map1 = affine_map<(d0, d1) -> (0, 0, 0, 0)>
#map2 = affine_map<(d0, d1) -> (0, 0, 0)>
module attributes {stable_mosaic.version = 14 : i64} {
  func.func @_agg_body(%arg0: i32, %arg1: i32, %arg2: memref<10000x256xf32, #tpu.memory_space<hbm>>, %arg3: memref<16x32x8x40xi32, #tpu.memory_space<hbm>>, %arg4: memref<16x32x8x40xi32, #tpu.memory_space<hbm>>, %arg5: memref<2x10112x128xf32, #tpu.memory_space<hbm>>, %arg6: memref<2x8x40xi32, #tpu.memory_space<vmem>>, %arg7: memref<2x8x40xi32, #tpu.memory_space<vmem>>, %arg8: memref<40x256xf32, #tpu.memory_space<vmem>>, %arg9: memref<40x256xf32, #tpu.memory_space<vmem>>, %arg10: memref<40x256xf32, #tpu.memory_space<vmem>>, %arg11: memref<40x256xf32, #tpu.memory_space<vmem>>, %arg12: memref<10112x128xf32, #tpu.memory_space<vmem_shared>>, %arg13: memref<!tpu.dma_semaphore, #tpu.memory_space<semaphore_mem>>, %arg14: memref<!tpu.dma_semaphore, #tpu.memory_space<semaphore_mem>>, %arg15: memref<!tpu.dma_semaphore, #tpu.memory_space<semaphore_mem>>, %arg16: memref<!tpu.dma_semaphore, #tpu.memory_space<semaphore_mem>>, %arg17: memref<!tpu.dma_semaphore, #tpu.memory_space<semaphore_mem>>) attributes {dimension_semantics = [#tpu.dimension_semantics<core_parallel>, #tpu.dimension_semantics<subcore_parallel>], iteration_bounds = array<i64: 2, 16>, scalar_prefetch = 0 : i64, scratch_operands = 12 : i64, tpu.core_type = #tpu.core_type<sc_vector_subcore>, window_params = [{transform_indices = #map}, {transform_indices = #map1}, {transform_indices = #map1}, {transform_indices = #map2}]} {
    %run_scoped3A = arith.constant 0 : i32
    %run_scoped3A_0 = arith.constant 0 : i32
    "tpu.region"() ({
      %run_scoped3A_69 = tpu.sem_alloc : memref<!tpu.dma_semaphore, #tpu.memory_space<semaphore_mem>>
      %dma_start3A_70 = arith.constant 0 : i32
      %dma_start3A_71 = arith.constant 0 : i32
      %dma_start3A_72 = tpu.memref_slice %arg6[%run_scoped3A_0, %dma_start3A_70, %dma_start3A_71] : memref<2x8x40xi32, #tpu.memory_space<vmem>> -> memref<1x8x40xi32, #tpu.memory_space<vmem>>
      %dma_start3A_73 = tpu.memref_squeeze %dma_start3A_72 : memref<1x8x40xi32, #tpu.memory_space<vmem>> -> memref<8x40xi32, #tpu.memory_space<vmem>>
      %dma_start3A_74 = arith.constant 0 : i32
      %dma_start3A_75 = arith.constant 0 : i32
      %dma_start3A_76 = arith.constant 0 : i32
      %dma_start3A_77 = tpu.memref_slice %arg3[%arg1, %dma_start3A_74, %dma_start3A_75, %dma_start3A_76] : memref<16x32x8x40xi32, #tpu.memory_space<hbm>> -> memref<1x32x8x40xi32, #tpu.memory_space<hbm>>
      %dma_start3A_78 = tpu.memref_squeeze %dma_start3A_77 : memref<1x32x8x40xi32, #tpu.memory_space<hbm>> -> memref<32x8x40xi32, #tpu.memory_space<hbm>>
      %dma_start3A_79 = arith.constant 0 : i32
      %dma_start3A_80 = arith.constant 0 : i32
      %dma_start3A_81 = tpu.memref_slice %dma_start3A_78[%run_scoped3A, %dma_start3A_79, %dma_start3A_80] : memref<32x8x40xi32, #tpu.memory_space<hbm>> -> memref<1x8x40xi32, #tpu.memory_space<hbm>>
      %dma_start3A_82 = tpu.memref_squeeze %dma_start3A_81 : memref<1x8x40xi32, #tpu.memory_space<hbm>> -> memref<8x40xi32, #tpu.memory_space<hbm>>
      %dma_start3A_83 = arith.constant 0 : i32
      %dma_start3A_84 = arith.constant 0 : i32
      %dma_start3A_85 = tpu.memref_slice %arg6[%run_scoped3A_0, %dma_start3A_83, %dma_start3A_84] : memref<2x8x40xi32, #tpu.memory_space<vmem>> -> memref<1x8x40xi32, #tpu.memory_space<vmem>>
      %dma_start3A_86 = tpu.memref_squeeze %dma_start3A_85 : memref<1x8x40xi32, #tpu.memory_space<vmem>> -> memref<8x40xi32, #tpu.memory_space<vmem>>
      %dma_start3A_87 = arith.constant 0 : i32
      %dma_start3A_88 = arith.constant 0 : i32
      %dma_start3A_89 = arith.constant 0 : i32
      %dma_start3A_90 = tpu.memref_slice %arg3[%arg1, %dma_start3A_87, %dma_start3A_88, %dma_start3A_89] : memref<16x32x8x40xi32, #tpu.memory_space<hbm>> -> memref<1x32x8x40xi32, #tpu.memory_space<hbm>>
      %dma_start3A_91 = tpu.memref_squeeze %dma_start3A_90 : memref<1x32x8x40xi32, #tpu.memory_space<hbm>> -> memref<32x8x40xi32, #tpu.memory_space<hbm>>
      %dma_start3A_92 = arith.constant 0 : i32
      %dma_start3A_93 = arith.constant 0 : i32
      %dma_start3A_94 = tpu.memref_slice %dma_start3A_91[%run_scoped3A, %dma_start3A_92, %dma_start3A_93] : memref<32x8x40xi32, #tpu.memory_space<hbm>> -> memref<1x8x40xi32, #tpu.memory_space<hbm>>
      %dma_start3A_95 = tpu.memref_squeeze %dma_start3A_94 : memref<1x8x40xi32, #tpu.memory_space<hbm>> -> memref<8x40xi32, #tpu.memory_space<hbm>>
      tpu.enqueue_dma source(%dma_start3A_95 : memref<8x40xi32, #tpu.memory_space<hbm>>) target(%dma_start3A_86 : memref<8x40xi32, #tpu.memory_space<vmem>>) target_semaphore(%run_scoped3A_69 : memref<!tpu.dma_semaphore, #tpu.memory_space<semaphore_mem>>)
      %dma_wait3A = arith.constant 0 : i32
      %dma_wait3A_96 = arith.constant 0 : i32
      %dma_wait3A_97 = tpu.memref_slice %arg6[%run_scoped3A_0, %dma_wait3A, %dma_wait3A_96] : memref<2x8x40xi32, #tpu.memory_space<vmem>> -> memref<1x8x40xi32, #tpu.memory_space<vmem>>
      %dma_wait3A_98 = tpu.memref_squeeze %dma_wait3A_97 : memref<1x8x40xi32, #tpu.memory_space<vmem>> -> memref<8x40xi32, #tpu.memory_space<vmem>>
      %dma_wait3A_99 = arith.constant 0 : i32
      %dma_wait3A_100 = arith.constant 0 : i32
      %dma_wait3A_101 = arith.constant 0 : i32
      %dma_wait3A_102 = tpu.memref_slice %arg3[%arg1, %dma_wait3A_99, %dma_wait3A_100, %dma_wait3A_101] : memref<16x32x8x40xi32, #tpu.memory_space<hbm>> -> memref<1x32x8x40xi32, #tpu.memory_space<hbm>>
      %dma_wait3A_103 = tpu.memref_squeeze %dma_wait3A_102 : memref<1x32x8x40xi32, #tpu.memory_space<hbm>> -> memref<32x8x40xi32, #tpu.memory_space<hbm>>
      %dma_wait3A_104 = arith.constant 0 : i32
      %dma_wait3A_105 = arith.constant 0 : i32
      %dma_wait3A_106 = tpu.memref_slice %dma_wait3A_103[%run_scoped3A, %dma_wait3A_104, %dma_wait3A_105] : memref<32x8x40xi32, #tpu.memory_space<hbm>> -> memref<1x8x40xi32, #tpu.memory_space<hbm>>
      %dma_wait3A_107 = tpu.memref_squeeze %dma_wait3A_106 : memref<1x8x40xi32, #tpu.memory_space<hbm>> -> memref<8x40xi32, #tpu.memory_space<hbm>>
      %dma_wait3A_108 = arith.constant 0 : i32
      %dma_wait3A_109 = arith.constant 0 : i32
      %dma_wait3A_110 = tpu.memref_slice %arg6[%run_scoped3A_0, %dma_wait3A_108, %dma_wait3A_109] : memref<2x8x40xi32, #tpu.memory_space<vmem>> -> memref<1x8x40xi32, #tpu.memory_space<vmem>>
      %dma_wait3A_111 = tpu.memref_squeeze %dma_wait3A_110 : memref<1x8x40xi32, #tpu.memory_space<vmem>> -> memref<8x40xi32, #tpu.memory_space<vmem>>
      %dma_wait3A_112 = arith.constant 0 : i32
      %dma_wait3A_113 = arith.constant 0 : i32
      %dma_wait3A_114 = arith.constant 0 : i32
      %dma_wait3A_115 = tpu.memref_slice %arg3[%arg1, %dma_wait3A_112, %dma_wait3A_113, %dma_wait3A_114] : memref<16x32x8x40xi32, #tpu.memory_space<hbm>> -> memref<1x32x8x40xi32, #tpu.memory_space<hbm>>
      %dma_wait3A_116 = tpu.memref_squeeze %dma_wait3A_115 : memref<1x32x8x40xi32, #tpu.memory_space<hbm>> -> memref<32x8x40xi32, #tpu.memory_space<hbm>>
      %dma_wait3A_117 = arith.constant 0 : i32
      %dma_wait3A_118 = arith.constant 0 : i32
      %dma_wait3A_119 = tpu.memref_slice %dma_wait3A_116[%run_scoped3A, %dma_wait3A_117, %dma_wait3A_118] : memref<32x8x40xi32, #tpu.memory_space<hbm>> -> memref<1x8x40xi32, #tpu.memory_space<hbm>>
      %dma_wait3A_120 = tpu.memref_squeeze %dma_wait3A_119 : memref<1x8x40xi32, #tpu.memory_space<hbm>> -> memref<8x40xi32, #tpu.memory_space<hbm>>
      tpu.wait_dma2 semaphore(%run_scoped3A_69 : memref<!tpu.dma_semaphore, #tpu.memory_space<semaphore_mem>>) src(%dma_wait3A_120 : memref<8x40xi32, #tpu.memory_space<hbm>>) dst(%dma_wait3A_111 : memref<8x40xi32, #tpu.memory_space<vmem>>)
      tpu.yield
    }) : () -> ()
    %run_scoped3A_1 = arith.constant 0 : i32
    %run_scoped3A_2 = arith.constant 0 : i32
    "tpu.region"() ({
      %run_scoped3A_69 = tpu.sem_alloc : memref<!tpu.dma_semaphore, #tpu.memory_space<semaphore_mem>>
      %dma_start3A_70 = arith.constant 0 : i32
      %dma_start3A_71 = arith.constant 0 : i32
      %dma_start3A_72 = tpu.memref_slice %arg7[%run_scoped3A_2, %dma_start3A_70, %dma_start3A_71] : memref<2x8x40xi32, #tpu.memory_space<vmem>> -> memref<1x8x40xi32, #tpu.memory_space<vmem>>
      %dma_start3A_73 = tpu.memref_squeeze %dma_start3A_72 : memref<1x8x40xi32, #tpu.memory_space<vmem>> -> memref<8x40xi32, #tpu.memory_space<vmem>>
      %dma_start3A_74 = arith.constant 0 : i32
      %dma_start3A_75 = arith.constant 0 : i32
      %dma_start3A_76 = arith.constant 0 : i32
      %dma_start3A_77 = tpu.memref_slice %arg4[%arg1, %dma_start3A_74, %dma_start3A_75, %dma_start3A_76] : memref<16x32x8x40xi32, #tpu.memory_space<hbm>> -> memref<1x32x8x40xi32, #tpu.memory_space<hbm>>
      %dma_start3A_78 = tpu.memref_squeeze %dma_start3A_77 : memref<1x32x8x40xi32, #tpu.memory_space<hbm>> -> memref<32x8x40xi32, #tpu.memory_space<hbm>>
      %dma_start3A_79 = arith.constant 0 : i32
      %dma_start3A_80 = arith.constant 0 : i32
      %dma_start3A_81 = tpu.memref_slice %dma_start3A_78[%run_scoped3A_1, %dma_start3A_79, %dma_start3A_80] : memref<32x8x40xi32, #tpu.memory_space<hbm>> -> memref<1x8x40xi32, #tpu.memory_space<hbm>>
      %dma_start3A_82 = tpu.memref_squeeze %dma_start3A_81 : memref<1x8x40xi32, #tpu.memory_space<hbm>> -> memref<8x40xi32, #tpu.memory_space<hbm>>
      %dma_start3A_83 = arith.constant 0 : i32
      %dma_start3A_84 = arith.constant 0 : i32
      %dma_start3A_85 = tpu.memref_slice %arg7[%run_scoped3A_2, %dma_start3A_83, %dma_start3A_84] : memref<2x8x40xi32, #tpu.memory_space<vmem>> -> memref<1x8x40xi32, #tpu.memory_space<vmem>>
      %dma_start3A_86 = tpu.memref_squeeze %dma_start3A_85 : memref<1x8x40xi32, #tpu.memory_space<vmem>> -> memref<8x40xi32, #tpu.memory_space<vmem>>
      %dma_start3A_87 = arith.constant 0 : i32
      %dma_start3A_88 = arith.constant 0 : i32
      %dma_start3A_89 = arith.constant 0 : i32
      %dma_start3A_90 = tpu.memref_slice %arg4[%arg1, %dma_start3A_87, %dma_start3A_88, %dma_start3A_89] : memref<16x32x8x40xi32, #tpu.memory_space<hbm>> -> memref<1x32x8x40xi32, #tpu.memory_space<hbm>>
      %dma_start3A_91 = tpu.memref_squeeze %dma_start3A_90 : memref<1x32x8x40xi32, #tpu.memory_space<hbm>> -> memref<32x8x40xi32, #tpu.memory_space<hbm>>
      %dma_start3A_92 = arith.constant 0 : i32
      %dma_start3A_93 = arith.constant 0 : i32
      %dma_start3A_94 = tpu.memref_slice %dma_start3A_91[%run_scoped3A_1, %dma_start3A_92, %dma_start3A_93] : memref<32x8x40xi32, #tpu.memory_space<hbm>> -> memref<1x8x40xi32, #tpu.memory_space<hbm>>
      %dma_start3A_95 = tpu.memref_squeeze %dma_start3A_94 : memref<1x8x40xi32, #tpu.memory_space<hbm>> -> memref<8x40xi32, #tpu.memory_space<hbm>>
      tpu.enqueue_dma source(%dma_start3A_95 : memref<8x40xi32, #tpu.memory_space<hbm>>) target(%dma_start3A_86 : memref<8x40xi32, #tpu.memory_space<vmem>>) target_semaphore(%run_scoped3A_69 : memref<!tpu.dma_semaphore, #tpu.memory_space<semaphore_mem>>)
      %dma_wait3A = arith.constant 0 : i32
      %dma_wait3A_96 = arith.constant 0 : i32
      %dma_wait3A_97 = tpu.memref_slice %arg7[%run_scoped3A_2, %dma_wait3A, %dma_wait3A_96] : memref<2x8x40xi32, #tpu.memory_space<vmem>> -> memref<1x8x40xi32, #tpu.memory_space<vmem>>
      %dma_wait3A_98 = tpu.memref_squeeze %dma_wait3A_97 : memref<1x8x40xi32, #tpu.memory_space<vmem>> -> memref<8x40xi32, #tpu.memory_space<vmem>>
      %dma_wait3A_99 = arith.constant 0 : i32
      %dma_wait3A_100 = arith.constant 0 : i32
      %dma_wait3A_101 = arith.constant 0 : i32
      %dma_wait3A_102 = tpu.memref_slice %arg4[%arg1, %dma_wait3A_99, %dma_wait3A_100, %dma_wait3A_101] : memref<16x32x8x40xi32, #tpu.memory_space<hbm>> -> memref<1x32x8x40xi32, #tpu.memory_space<hbm>>
      %dma_wait3A_103 = tpu.memref_squeeze %dma_wait3A_102 : memref<1x32x8x40xi32, #tpu.memory_space<hbm>> -> memref<32x8x40xi32, #tpu.memory_space<hbm>>
      %dma_wait3A_104 = arith.constant 0 : i32
      %dma_wait3A_105 = arith.constant 0 : i32
      %dma_wait3A_106 = tpu.memref_slice %dma_wait3A_103[%run_scoped3A_1, %dma_wait3A_104, %dma_wait3A_105] : memref<32x8x40xi32, #tpu.memory_space<hbm>> -> memref<1x8x40xi32, #tpu.memory_space<hbm>>
      %dma_wait3A_107 = tpu.memref_squeeze %dma_wait3A_106 : memref<1x8x40xi32, #tpu.memory_space<hbm>> -> memref<8x40xi32, #tpu.memory_space<hbm>>
      %dma_wait3A_108 = arith.constant 0 : i32
      %dma_wait3A_109 = arith.constant 0 : i32
      %dma_wait3A_110 = tpu.memref_slice %arg7[%run_scoped3A_2, %dma_wait3A_108, %dma_wait3A_109] : memref<2x8x40xi32, #tpu.memory_space<vmem>> -> memref<1x8x40xi32, #tpu.memory_space<vmem>>
      %dma_wait3A_111 = tpu.memref_squeeze %dma_wait3A_110 : memref<1x8x40xi32, #tpu.memory_space<vmem>> -> memref<8x40xi32, #tpu.memory_space<vmem>>
      %dma_wait3A_112 = arith.constant 0 : i32
      %dma_wait3A_113 = arith.constant 0 : i32
      %dma_wait3A_114 = arith.constant 0 : i32
      %dma_wait3A_115 = tpu.memref_slice %arg4[%arg1, %dma_wait3A_112, %dma_wait3A_113, %dma_wait3A_114] : memref<16x32x8x40xi32, #tpu.memory_space<hbm>> -> memref<1x32x8x40xi32, #tpu.memory_space<hbm>>
      %dma_wait3A_116 = tpu.memref_squeeze %dma_wait3A_115 : memref<1x32x8x40xi32, #tpu.memory_space<hbm>> -> memref<32x8x40xi32, #tpu.memory_space<hbm>>
      %dma_wait3A_117 = arith.constant 0 : i32
      %dma_wait3A_118 = arith.constant 0 : i32
      %dma_wait3A_119 = tpu.memref_slice %dma_wait3A_116[%run_scoped3A_1, %dma_wait3A_117, %dma_wait3A_118] : memref<32x8x40xi32, #tpu.memory_space<hbm>> -> memref<1x8x40xi32, #tpu.memory_space<hbm>>
      %dma_wait3A_120 = tpu.memref_squeeze %dma_wait3A_119 : memref<1x8x40xi32, #tpu.memory_space<hbm>> -> memref<8x40xi32, #tpu.memory_space<hbm>>
      tpu.wait_dma2 semaphore(%run_scoped3A_69 : memref<!tpu.dma_semaphore, #tpu.memory_space<semaphore_mem>>) src(%dma_wait3A_120 : memref<8x40xi32, #tpu.memory_space<hbm>>) dst(%dma_wait3A_111 : memref<8x40xi32, #tpu.memory_space<vmem>>)
      tpu.yield
    }) : () -> ()
    %scan3A = arith.constant 0 : i32
    %scan3A_3 = arith.constant 0 : i32
    %scan3A_4 = arith.constant 320 : i32
    %scan3A_5 = arith.addi %scan3A_3, %scan3A_4 : i32
    %scan3A_6 = arith.constant 1 : i32
    scf.for %scan3A_69 = %scan3A_3 to %scan3A_5 step %scan3A_6  : i32 {
      %broadcast_in_dim3A = arith.constant 0.000000e+00 : f32
      %broadcast_in_dim3A_70 = vector.broadcast %broadcast_in_dim3A : f32 to vector<16xf32>
      %shift_right_logical3A_71 = arith.constant 3 : i32
      %shift_right_logical3A_72 = arith.shrui %scan3A_69, %shift_right_logical3A_71 : i32
      %and3A_73 = arith.constant 7 : i32
      %and3A_74 = arith.andi %scan3A_69, %and3A_73 : i32
      %mul3A_75 = arith.constant 16 : i32
      %mul3A_76 = arith.muli %and3A_74, %mul3A_75 : i32
      %swap3A = arith.index_cast %shift_right_logical3A_72 : i32 to index
      %swap3A_77 = arith.index_cast %mul3A_76 : i32 to index
      %swap3A_78 = tpu.vector_load %arg8[%swap3A, %swap3A_77] {strides = array<i32>} : memref<40x256xf32, #tpu.memory_space<vmem>>, vector<1x16xf32>,
      %swap3A_79 = vector.shape_cast %swap3A_78 : vector<1x16xf32> to vector<16xf32>
      %swap3A_80 = vector.shape_cast %broadcast_in_dim3A_70 : vector<16xf32> to vector<1x16xf32>
      tpu.vector_store %arg8[%swap3A, %swap3A_77], %swap3A_80 {strides = array<i32>} : memref<40x256xf32, #tpu.memory_space<vmem>>, vector<1x16xf32>,
    }
    %scan3A_7 = arith.constant 320 : i32
    %barrier3A = arith.constant 0 : index
    tpu.barrier barrier_id(%barrier3A)
    %shift_right_logical3A = arith.constant 0 : i32
    %shift_right_logical3A_8 = arith.constant 3 : i32
    %shift_right_logical3A_9 = arith.shrui %shift_right_logical3A, %shift_right_logical3A_8 : i32
    %and3A = arith.constant 1 : i32
    %and3A_10 = arith.andi %shift_right_logical3A_9, %and3A : i32
    %and3A_11 = arith.constant 0 : i32
    %and3A_12 = arith.constant 7 : i32
    %and3A_13 = arith.andi %and3A_11, %and3A_12 : i32
    %dma_start3A = arith.constant 0 : i32
    %dma_start3A_14 = arith.constant 0 : i32
    %dma_start3A_15 = tpu.memref_slice %arg6[%and3A_10, %dma_start3A, %dma_start3A_14] : memref<2x8x40xi32, #tpu.memory_space<vmem>> -> memref<1x8x40xi32, #tpu.memory_space<vmem>>
    %dma_start3A_16 = tpu.memref_squeeze %dma_start3A_15 : memref<1x8x40xi32, #tpu.memory_space<vmem>> -> memref<8x40xi32, #tpu.memory_space<vmem>>
    %dma_start3A_17 = arith.constant 0 : i32
    %dma_start3A_18 = tpu.memref_slice %dma_start3A_16[%and3A_13, %dma_start3A_17] : memref<8x40xi32, #tpu.memory_space<vmem>> -> memref<1x40xi32, #tpu.memory_space<vmem>>
    %dma_start3A_19 = tpu.memref_squeeze %dma_start3A_18 : memref<1x40xi32, #tpu.memory_space<vmem>> -> memref<40xi32, #tpu.memory_space<vmem>>
    %dma_start3A_20 = arith.constant 0 : i32
    %dma_start3A_21 = arith.constant 0 : i32
    %dma_start3A_22 = tpu.memref_slice %arg2[%dma_start3A_20, %dma_start3A_21] : memref<10000x256xf32, #tpu.memory_space<hbm>> -> memref<10000x256xf32, #tpu.memory_space<hbm>>
    tpu.enqueue_indirect_dma source(%dma_start3A_22 : memref<10000x256xf32, #tpu.memory_space<hbm>>) target(%arg8 : memref<40x256xf32, #tpu.memory_space<vmem>>) offsets(%dma_start3A_19 : memref<40xi32, #tpu.memory_space<vmem>>) semaphore(%arg13 : memref<!tpu.dma_semaphore, #tpu.memory_space<semaphore_mem>>)
    %shift_right_logical3A_23 = arith.constant 1 : i32
    %shift_right_logical3A_24 = arith.constant 3 : i32
    %shift_right_logical3A_25 = arith.shrui %shift_right_logical3A_23, %shift_right_logical3A_24 : i32
    %and3A_26 = arith.constant 1 : i32
    %and3A_27 = arith.andi %shift_right_logical3A_25, %and3A_26 : i32
    %and3A_28 = arith.constant 1 : i32
    %and3A_29 = arith.constant 7 : i32
    %and3A_30 = arith.andi %and3A_28, %and3A_29 : i32
    %dma_start3A_31 = arith.constant 0 : i32
    %dma_start3A_32 = arith.constant 0 : i32
    %dma_start3A_33 = tpu.memref_slice %arg6[%and3A_27, %dma_start3A_31, %dma_start3A_32] : memref<2x8x40xi32, #tpu.memory_space<vmem>> -> memref<1x8x40xi32, #tpu.memory_space<vmem>>
    %dma_start3A_34 = tpu.memref_squeeze %dma_start3A_33 : memref<1x8x40xi32, #tpu.memory_space<vmem>> -> memref<8x40xi32, #tpu.memory_space<vmem>>
    %dma_start3A_35 = arith.constant 0 : i32
    %dma_start3A_36 = tpu.memref_slice %dma_start3A_34[%and3A_30, %dma_start3A_35] : memref<8x40xi32, #tpu.memory_space<vmem>> -> memref<1x40xi32, #tpu.memory_space<vmem>>
    %dma_start3A_37 = tpu.memref_squeeze %dma_start3A_36 : memref<1x40xi32, #tpu.memory_space<vmem>> -> memref<40xi32, #tpu.memory_space<vmem>>
    %dma_start3A_38 = arith.constant 0 : i32
    %dma_start3A_39 = arith.constant 0 : i32
    %dma_start3A_40 = tpu.memref_slice %arg2[%dma_start3A_38, %dma_start3A_39] : memref<10000x256xf32, #tpu.memory_space<hbm>> -> memref<10000x256xf32, #tpu.memory_space<hbm>>
    tpu.enqueue_indirect_dma source(%dma_start3A_40 : memref<10000x256xf32, #tpu.memory_space<hbm>>) target(%arg9 : memref<40x256xf32, #tpu.memory_space<vmem>>) offsets(%dma_start3A_37 : memref<40xi32, #tpu.memory_space<vmem>>) semaphore(%arg14 : memref<!tpu.dma_semaphore, #tpu.memory_space<semaphore_mem>>)
    %shift_right_logical3A_41 = arith.constant 2 : i32
    %shift_right_logical3A_42 = arith.constant 3 : i32
    %shift_right_logical3A_43 = arith.shrui %shift_right_logical3A_41, %shift_right_logical3A_42 : i32
    %and3A_44 = arith.constant 1 : i32
    %and3A_45 = arith.andi %shift_right_logical3A_43, %and3A_44 : i32
    %and3A_46 = arith.constant 2 : i32
    %and3A_47 = arith.constant 7 : i32
    %and3A_48 = arith.andi %and3A_46, %and3A_47 : i32
    %dma_start3A_49 = arith.constant 0 : i32
    %dma_start3A_50 = arith.constant 0 : i32
    %dma_start3A_51 = tpu.memref_slice %arg6[%and3A_45, %dma_start3A_49, %dma_start3A_50] : memref<2x8x40xi32, #tpu.memory_space<vmem>> -> memref<1x8x40xi32, #tpu.memory_space<vmem>>
    %dma_start3A_52 = tpu.memref_squeeze %dma_start3A_51 : memref<1x8x40xi32, #tpu.memory_space<vmem>> -> memref<8x40xi32, #tpu.memory_space<vmem>>
    %dma_start3A_53 = arith.constant 0 : i32
    %dma_start3A_54 = tpu.memref_slice %dma_start3A_52[%and3A_48, %dma_start3A_53] : memref<8x40xi32, #tpu.memory_space<vmem>> -> memref<1x40xi32, #tpu.memory_space<vmem>>
    %dma_start3A_55 = tpu.memref_squeeze %dma_start3A_54 : memref<1x40xi32, #tpu.memory_space<vmem>> -> memref<40xi32, #tpu.memory_space<vmem>>
    %dma_start3A_56 = arith.constant 0 : i32
    %dma_start3A_57 = arith.constant 0 : i32
    %dma_start3A_58 = tpu.memref_slice %arg2[%dma_start3A_56, %dma_start3A_57] : memref<10000x256xf32, #tpu.memory_space<hbm>> -> memref<10000x256xf32, #tpu.memory_space<hbm>>
    tpu.enqueue_indirect_dma source(%dma_start3A_58 : memref<10000x256xf32, #tpu.memory_space<hbm>>) target(%arg10 : memref<40x256xf32, #tpu.memory_space<vmem>>) offsets(%dma_start3A_55 : memref<40xi32, #tpu.memory_space<vmem>>) semaphore(%arg15 : memref<!tpu.dma_semaphore, #tpu.memory_space<semaphore_mem>>)
    %scan3A_59 = arith.constant 0 : i32
    %scan3A_60 = arith.constant 0 : i32
    %scan3A_61 = arith.constant 64 : i32
    %scan3A_62 = arith.addi %scan3A_60, %scan3A_61 : i32
    %scan3A_63 = arith.constant 1 : i32
    scf.for %scan3A_69 = %scan3A_60 to %scan3A_62 step %scan3A_63  : i32 {
      %and3A_70 = arith.constant 1 : i32
      %and3A_71 = arith.andi %scan3A_69, %and3A_70 : i32
      %shift_right_logical3A_72 = arith.constant 1 : i32
      %shift_right_logical3A_73 = arith.shrui %scan3A_69, %shift_right_logical3A_72 : i32
      %eq3A = arith.constant 0 : i32
      %eq3A_74 = arith.cmpi eq, %and3A_71, %eq3A : i32
      %add3A = arith.constant 1 : i32
      %add3A_75 = arith.addi %shift_right_logical3A_73, %add3A : i32
      %lt3A = arith.constant 32 : i32
      %lt3A_76 = arith.cmpi slt, %add3A_75, %lt3A : i32
      %and3A_77 = arith.andi %eq3A_74, %lt3A_76 : i1
      %convert_element_type3A = arith.extui %and3A_77 : i1 to i32
      %cond3A = arith.constant 0 : i32
      %cond3A_78 = arith.cmpi ne, %convert_element_type3A, %cond3A : i32
      scf.if %cond3A_78 {
        %add3A_180 = arith.constant 1 : i32
        %add3A_181 = arith.addi %shift_right_logical3A_73, %add3A_180 : i32
        %and3A_182 = arith.constant 1 : i32
        %and3A_183 = arith.andi %add3A_181, %and3A_182 : i32
        %add3A_184 = arith.constant 1 : i32
        %add3A_185 = arith.addi %shift_right_logical3A_73, %add3A_184 : i32
        %dma_start3A_186 = arith.constant 0 : i32
        %dma_start3A_187 = arith.constant 0 : i32
        %dma_start3A_188 = tpu.memref_slice %arg6[%and3A_183, %dma_start3A_186, %dma_start3A_187] : memref<2x8x40xi32, #tpu.memory_space<vmem>> -> memref<1x8x40xi32, #tpu.memory_space<vmem>>
        %dma_start3A_189 = tpu.memref_squeeze %dma_start3A_188 : memref<1x8x40xi32, #tpu.memory_space<vmem>> -> memref<8x40xi32, #tpu.memory_space<vmem>>
        %dma_start3A_190 = arith.constant 0 : i32
        %dma_start3A_191 = arith.constant 0 : i32
        %dma_start3A_192 = arith.constant 0 : i32
        %dma_start3A_193 = tpu.memref_slice %arg3[%arg1, %dma_start3A_190, %dma_start3A_191, %dma_start3A_192] : memref<16x32x8x40xi32, #tpu.memory_space<hbm>> -> memref<1x32x8x40xi32, #tpu.memory_space<hbm>>
        %dma_start3A_194 = tpu.memref_squeeze %dma_start3A_193 : memref<1x32x8x40xi32, #tpu.memory_space<hbm>> -> memref<32x8x40xi32, #tpu.memory_space<hbm>>
        %dma_start3A_195 = arith.constant 0 : i32
        %dma_start3A_196 = arith.constant 0 : i32
        %dma_start3A_197 = tpu.memref_slice %dma_start3A_194[%add3A_185, %dma_start3A_195, %dma_start3A_196] : memref<32x8x40xi32, #tpu.memory_space<hbm>> -> memref<1x8x40xi32, #tpu.memory_space<hbm>>
        %dma_start3A_198 = tpu.memref_squeeze %dma_start3A_197 : memref<1x8x40xi32, #tpu.memory_space<hbm>> -> memref<8x40xi32, #tpu.memory_space<hbm>>
        %dma_start3A_199 = arith.constant 0 : i32
        %dma_start3A_200 = arith.constant 0 : i32
        %dma_start3A_201 = tpu.memref_slice %arg6[%and3A_183, %dma_start3A_199, %dma_start3A_200] : memref<2x8x40xi32, #tpu.memory_space<vmem>> -> memref<1x8x40xi32, #tpu.memory_space<vmem>>
        %dma_start3A_202 = tpu.memref_squeeze %dma_start3A_201 : memref<1x8x40xi32, #tpu.memory_space<vmem>> -> memref<8x40xi32, #tpu.memory_space<vmem>>
        %dma_start3A_203 = arith.constant 0 : i32
        %dma_start3A_204 = arith.constant 0 : i32
        %dma_start3A_205 = arith.constant 0 : i32
        %dma_start3A_206 = tpu.memref_slice %arg3[%arg1, %dma_start3A_203, %dma_start3A_204, %dma_start3A_205] : memref<16x32x8x40xi32, #tpu.memory_space<hbm>> -> memref<1x32x8x40xi32, #tpu.memory_space<hbm>>
        %dma_start3A_207 = tpu.memref_squeeze %dma_start3A_206 : memref<1x32x8x40xi32, #tpu.memory_space<hbm>> -> memref<32x8x40xi32, #tpu.memory_space<hbm>>
        %dma_start3A_208 = arith.constant 0 : i32
        %dma_start3A_209 = arith.constant 0 : i32
        %dma_start3A_210 = tpu.memref_slice %dma_start3A_207[%add3A_185, %dma_start3A_208, %dma_start3A_209] : memref<32x8x40xi32, #tpu.memory_space<hbm>> -> memref<1x8x40xi32, #tpu.memory_space<hbm>>
        %dma_start3A_211 = tpu.memref_squeeze %dma_start3A_210 : memref<1x8x40xi32, #tpu.memory_space<hbm>> -> memref<8x40xi32, #tpu.memory_space<hbm>>
        tpu.enqueue_dma source(%dma_start3A_211 : memref<8x40xi32, #tpu.memory_space<hbm>>) target(%dma_start3A_202 : memref<8x40xi32, #tpu.memory_space<vmem>>) target_semaphore(%arg17 : memref<!tpu.dma_semaphore, #tpu.memory_space<semaphore_mem>>)
        %add3A_212 = arith.constant 1 : i32
        %add3A_213 = arith.addi %shift_right_logical3A_73, %add3A_212 : i32
        %dma_start3A_214 = arith.constant 0 : i32
        %dma_start3A_215 = arith.constant 0 : i32
        %dma_start3A_216 = tpu.memref_slice %arg7[%and3A_183, %dma_start3A_214, %dma_start3A_215] : memref<2x8x40xi32, #tpu.memory_space<vmem>> -> memref<1x8x40xi32, #tpu.memory_space<vmem>>
        %dma_start3A_217 = tpu.memref_squeeze %dma_start3A_216 : memref<1x8x40xi32, #tpu.memory_space<vmem>> -> memref<8x40xi32, #tpu.memory_space<vmem>>
        %dma_start3A_218 = arith.constant 0 : i32
        %dma_start3A_219 = arith.constant 0 : i32
        %dma_start3A_220 = arith.constant 0 : i32
        %dma_start3A_221 = tpu.memref_slice %arg4[%arg1, %dma_start3A_218, %dma_start3A_219, %dma_start3A_220] : memref<16x32x8x40xi32, #tpu.memory_space<hbm>> -> memref<1x32x8x40xi32, #tpu.memory_space<hbm>>
        %dma_start3A_222 = tpu.memref_squeeze %dma_start3A_221 : memref<1x32x8x40xi32, #tpu.memory_space<hbm>> -> memref<32x8x40xi32, #tpu.memory_space<hbm>>
        %dma_start3A_223 = arith.constant 0 : i32
        %dma_start3A_224 = arith.constant 0 : i32
        %dma_start3A_225 = tpu.memref_slice %dma_start3A_222[%add3A_213, %dma_start3A_223, %dma_start3A_224] : memref<32x8x40xi32, #tpu.memory_space<hbm>> -> memref<1x8x40xi32, #tpu.memory_space<hbm>>
        %dma_start3A_226 = tpu.memref_squeeze %dma_start3A_225 : memref<1x8x40xi32, #tpu.memory_space<hbm>> -> memref<8x40xi32, #tpu.memory_space<hbm>>
        %dma_start3A_227 = arith.constant 0 : i32
        %dma_start3A_228 = arith.constant 0 : i32
        %dma_start3A_229 = tpu.memref_slice %arg7[%and3A_183, %dma_start3A_227, %dma_start3A_228] : memref<2x8x40xi32, #tpu.memory_space<vmem>> -> memref<1x8x40xi32, #tpu.memory_space<vmem>>
        %dma_start3A_230 = tpu.memref_squeeze %dma_start3A_229 : memref<1x8x40xi32, #tpu.memory_space<vmem>> -> memref<8x40xi32, #tpu.memory_space<vmem>>
        %dma_start3A_231 = arith.constant 0 : i32
        %dma_start3A_232 = arith.constant 0 : i32
        %dma_start3A_233 = arith.constant 0 : i32
        %dma_start3A_234 = tpu.memref_slice %arg4[%arg1, %dma_start3A_231, %dma_start3A_232, %dma_start3A_233] : memref<16x32x8x40xi32, #tpu.memory_space<hbm>> -> memref<1x32x8x40xi32, #tpu.memory_space<hbm>>
        %dma_start3A_235 = tpu.memref_squeeze %dma_start3A_234 : memref<1x32x8x40xi32, #tpu.memory_space<hbm>> -> memref<32x8x40xi32, #tpu.memory_space<hbm>>
        %dma_start3A_236 = arith.constant 0 : i32
        %dma_start3A_237 = arith.constant 0 : i32
        %dma_start3A_238 = tpu.memref_slice %dma_start3A_235[%add3A_213, %dma_start3A_236, %dma_start3A_237] : memref<32x8x40xi32, #tpu.memory_space<hbm>> -> memref<1x8x40xi32, #tpu.memory_space<hbm>>
        %dma_start3A_239 = tpu.memref_squeeze %dma_start3A_238 : memref<1x8x40xi32, #tpu.memory_space<hbm>> -> memref<8x40xi32, #tpu.memory_space<hbm>>
        tpu.enqueue_dma source(%dma_start3A_239 : memref<8x40xi32, #tpu.memory_space<hbm>>) target(%dma_start3A_230 : memref<8x40xi32, #tpu.memory_space<vmem>>) target_semaphore(%arg17 : memref<!tpu.dma_semaphore, #tpu.memory_space<semaphore_mem>>)
      } else {
      }
      %eq3A_79 = arith.constant 1 : i32
      %eq3A_80 = arith.cmpi eq, %and3A_71, %eq3A_79 : i32
      %add3A_81 = arith.constant 1 : i32
      %add3A_82 = arith.addi %shift_right_logical3A_73, %add3A_81 : i32
      %lt3A_83 = arith.constant 32 : i32
      %lt3A_84 = arith.cmpi slt, %add3A_82, %lt3A_83 : i32
      %and3A_85 = arith.andi %eq3A_80, %lt3A_84 : i1
      %convert_element_type3A_86 = arith.extui %and3A_85 : i1 to i32
      %cond3A_87 = arith.constant 0 : i32
      %cond3A_88 = arith.cmpi ne, %convert_element_type3A_86, %cond3A_87 : i32
      scf.if %cond3A_88 {
        %add3A_180 = arith.constant 1 : i32
        %add3A_181 = arith.addi %shift_right_logical3A_73, %add3A_180 : i32
        %and3A_182 = arith.constant 1 : i32
        %and3A_183 = arith.andi %add3A_181, %and3A_182 : i32
        %add3A_184 = arith.constant 1 : i32
        %add3A_185 = arith.addi %shift_right_logical3A_73, %add3A_184 : i32
        %dma_wait3A_186 = arith.constant 0 : i32
        %dma_wait3A_187 = arith.constant 0 : i32
        %dma_wait3A_188 = tpu.memref_slice %arg6[%and3A_183, %dma_wait3A_186, %dma_wait3A_187] : memref<2x8x40xi32, #tpu.memory_space<vmem>> -> memref<1x8x40xi32, #tpu.memory_space<vmem>>
        %dma_wait3A_189 = tpu.memref_squeeze %dma_wait3A_188 : memref<1x8x40xi32, #tpu.memory_space<vmem>> -> memref<8x40xi32, #tpu.memory_space<vmem>>
        %dma_wait3A_190 = arith.constant 0 : i32
        %dma_wait3A_191 = arith.constant 0 : i32
        %dma_wait3A_192 = arith.constant 0 : i32
        %dma_wait3A_193 = tpu.memref_slice %arg3[%arg1, %dma_wait3A_190, %dma_wait3A_191, %dma_wait3A_192] : memref<16x32x8x40xi32, #tpu.memory_space<hbm>> -> memref<1x32x8x40xi32, #tpu.memory_space<hbm>>
        %dma_wait3A_194 = tpu.memref_squeeze %dma_wait3A_193 : memref<1x32x8x40xi32, #tpu.memory_space<hbm>> -> memref<32x8x40xi32, #tpu.memory_space<hbm>>
        %dma_wait3A_195 = arith.constant 0 : i32
        %dma_wait3A_196 = arith.constant 0 : i32
        %dma_wait3A_197 = tpu.memref_slice %dma_wait3A_194[%add3A_185, %dma_wait3A_195, %dma_wait3A_196] : memref<32x8x40xi32, #tpu.memory_space<hbm>> -> memref<1x8x40xi32, #tpu.memory_space<hbm>>
        %dma_wait3A_198 = tpu.memref_squeeze %dma_wait3A_197 : memref<1x8x40xi32, #tpu.memory_space<hbm>> -> memref<8x40xi32, #tpu.memory_space<hbm>>
        %dma_wait3A_199 = arith.constant 0 : i32
        %dma_wait3A_200 = arith.constant 0 : i32
        %dma_wait3A_201 = tpu.memref_slice %arg6[%and3A_183, %dma_wait3A_199, %dma_wait3A_200] : memref<2x8x40xi32, #tpu.memory_space<vmem>> -> memref<1x8x40xi32, #tpu.memory_space<vmem>>
        %dma_wait3A_202 = tpu.memref_squeeze %dma_wait3A_201 : memref<1x8x40xi32, #tpu.memory_space<vmem>> -> memref<8x40xi32, #tpu.memory_space<vmem>>
        %dma_wait3A_203 = arith.constant 0 : i32
        %dma_wait3A_204 = arith.constant 0 : i32
        %dma_wait3A_205 = arith.constant 0 : i32
        %dma_wait3A_206 = tpu.memref_slice %arg3[%arg1, %dma_wait3A_203, %dma_wait3A_204, %dma_wait3A_205] : memref<16x32x8x40xi32, #tpu.memory_space<hbm>> -> memref<1x32x8x40xi32, #tpu.memory_space<hbm>>
        %dma_wait3A_207 = tpu.memref_squeeze %dma_wait3A_206 : memref<1x32x8x40xi32, #tpu.memory_space<hbm>> -> memref<32x8x40xi32, #tpu.memory_space<hbm>>
        %dma_wait3A_208 = arith.constant 0 : i32
        %dma_wait3A_209 = arith.constant 0 : i32
        %dma_wait3A_210 = tpu.memref_slice %dma_wait3A_207[%add3A_185, %dma_wait3A_208, %dma_wait3A_209] : memref<32x8x40xi32, #tpu.memory_space<hbm>> -> memref<1x8x40xi32, #tpu.memory_space<hbm>>
        %dma_wait3A_211 = tpu.memref_squeeze %dma_wait3A_210 : memref<1x8x40xi32, #tpu.memory_space<hbm>> -> memref<8x40xi32, #tpu.memory_space<hbm>>
        tpu.wait_dma2 semaphore(%arg17 : memref<!tpu.dma_semaphore, #tpu.memory_space<semaphore_mem>>) src(%dma_wait3A_211 : memref<8x40xi32, #tpu.memory_space<hbm>>) dst(%dma_wait3A_202 : memref<8x40xi32, #tpu.memory_space<vmem>>)
        %add3A_212 = arith.constant 1 : i32
        %add3A_213 = arith.addi %shift_right_logical3A_73, %add3A_212 : i32
        %dma_wait3A_214 = arith.constant 0 : i32
        %dma_wait3A_215 = arith.constant 0 : i32
        %dma_wait3A_216 = tpu.memref_slice %arg7[%and3A_183, %dma_wait3A_214, %dma_wait3A_215] : memref<2x8x40xi32, #tpu.memory_space<vmem>> -> memref<1x8x40xi32, #tpu.memory_space<vmem>>
        %dma_wait3A_217 = tpu.memref_squeeze %dma_wait3A_216 : memref<1x8x40xi32, #tpu.memory_space<vmem>> -> memref<8x40xi32, #tpu.memory_space<vmem>>
        %dma_wait3A_218 = arith.constant 0 : i32
        %dma_wait3A_219 = arith.constant 0 : i32
        %dma_wait3A_220 = arith.constant 0 : i32
        %dma_wait3A_221 = tpu.memref_slice %arg4[%arg1, %dma_wait3A_218, %dma_wait3A_219, %dma_wait3A_220] : memref<16x32x8x40xi32, #tpu.memory_space<hbm>> -> memref<1x32x8x40xi32, #tpu.memory_space<hbm>>
        %dma_wait3A_222 = tpu.memref_squeeze %dma_wait3A_221 : memref<1x32x8x40xi32, #tpu.memory_space<hbm>> -> memref<32x8x40xi32, #tpu.memory_space<hbm>>
        %dma_wait3A_223 = arith.constant 0 : i32
        %dma_wait3A_224 = arith.constant 0 : i32
        %dma_wait3A_225 = tpu.memref_slice %dma_wait3A_222[%add3A_213, %dma_wait3A_223, %dma_wait3A_224] : memref<32x8x40xi32, #tpu.memory_space<hbm>> -> memref<1x8x40xi32, #tpu.memory_space<hbm>>
        %dma_wait3A_226 = tpu.memref_squeeze %dma_wait3A_225 : memref<1x8x40xi32, #tpu.memory_space<hbm>> -> memref<8x40xi32, #tpu.memory_space<hbm>>
        %dma_wait3A_227 = arith.constant 0 : i32
        %dma_wait3A_228 = arith.constant 0 : i32
        %dma_wait3A_229 = tpu.memref_slice %arg7[%and3A_183, %dma_wait3A_227, %dma_wait3A_228] : memref<2x8x40xi32, #tpu.memory_space<vmem>> -> memref<1x8x40xi32, #tpu.memory_space<vmem>>
        %dma_wait3A_230 = tpu.memref_squeeze %dma_wait3A_229 : memref<1x8x40xi32, #tpu.memory_space<vmem>> -> memref<8x40xi32, #tpu.memory_space<vmem>>
        %dma_wait3A_231 = arith.constant 0 : i32
        %dma_wait3A_232 = arith.constant 0 : i32
        %dma_wait3A_233 = arith.constant 0 : i32
        %dma_wait3A_234 = tpu.memref_slice %arg4[%arg1, %dma_wait3A_231, %dma_wait3A_232, %dma_wait3A_233] : memref<16x32x8x40xi32, #tpu.memory_space<hbm>> -> memref<1x32x8x40xi32, #tpu.memory_space<hbm>>
        %dma_wait3A_235 = tpu.memref_squeeze %dma_wait3A_234 : memref<1x32x8x40xi32, #tpu.memory_space<hbm>> -> memref<32x8x40xi32, #tpu.memory_space<hbm>>
        %dma_wait3A_236 = arith.constant 0 : i32
        %dma_wait3A_237 = arith.constant 0 : i32
        %dma_wait3A_238 = tpu.memref_slice %dma_wait3A_235[%add3A_213, %dma_wait3A_236, %dma_wait3A_237] : memref<32x8x40xi32, #tpu.memory_space<hbm>> -> memref<1x8x40xi32, #tpu.memory_space<hbm>>
        %dma_wait3A_239 = tpu.memref_squeeze %dma_wait3A_238 : memref<1x8x40xi32, #tpu.memory_space<hbm>> -> memref<8x40xi32, #tpu.memory_space<hbm>>
        tpu.wait_dma2 semaphore(%arg17 : memref<!tpu.dma_semaphore, #tpu.memory_space<semaphore_mem>>) src(%dma_wait3A_239 : memref<8x40xi32, #tpu.memory_space<hbm>>) dst(%dma_wait3A_230 : memref<8x40xi32, #tpu.memory_space<vmem>>)
      } else {
      }
      %mul3A_89 = arith.constant 4 : i32
      %mul3A_90 = arith.muli %scan3A_69, %mul3A_89 : i32
      %add3A_91 = arith.constant 0 : i32
      %add3A_92 = arith.addi %mul3A_90, %add3A_91 : i32
      %dma_wait3A = arith.constant 0 : i32
      %dma_wait3A_93 = arith.constant 0 : i32
      %dma_wait3A_94 = arith.constant 0 : i32
      %dma_wait3A_95 = arith.constant 0 : i32
      %dma_wait3A_96 = tpu.memref_slice %arg6[%dma_wait3A, %dma_wait3A_94, %dma_wait3A_95] : memref<2x8x40xi32, #tpu.memory_space<vmem>> -> memref<1x8x40xi32, #tpu.memory_space<vmem>>
      %dma_wait3A_97 = tpu.memref_squeeze %dma_wait3A_96 : memref<1x8x40xi32, #tpu.memory_space<vmem>> -> memref<8x40xi32, #tpu.memory_space<vmem>>
      %dma_wait3A_98 = arith.constant 0 : i32
      %dma_wait3A_99 = tpu.memref_slice %dma_wait3A_97[%dma_wait3A_93, %dma_wait3A_98] : memref<8x40xi32, #tpu.memory_space<vmem>> -> memref<1x40xi32, #tpu.memory_space<vmem>>
      %dma_wait3A_100 = tpu.memref_squeeze %dma_wait3A_99 : memref<1x40xi32, #tpu.memory_space<vmem>> -> memref<40xi32, #tpu.memory_space<vmem>>
      %dma_wait3A_101 = arith.constant 0 : i32
      %dma_wait3A_102 = arith.constant 0 : i32
      %dma_wait3A_103 = tpu.memref_slice %arg2[%dma_wait3A_101, %dma_wait3A_102] : memref<10000x256xf32, #tpu.memory_space<hbm>> -> memref<10000x256xf32, #tpu.memory_space<hbm>>
      tpu.wait_indirect_dma semaphore(%arg13 : memref<!tpu.dma_semaphore, #tpu.memory_space<semaphore_mem>>) src(%dma_wait3A_103 : memref<10000x256xf32, #tpu.memory_space<hbm>>) dst(%arg8 : memref<40x256xf32, #tpu.memory_space<vmem>>)
      %add3A_104 = arith.constant 3 : i32
      %add3A_105 = arith.addi %add3A_92, %add3A_104 : i32
      %lt3A_106 = arith.constant 256 : i32
      %lt3A_107 = arith.cmpi slt, %add3A_105, %lt3A_106 : i32
      %convert_element_type3A_108 = arith.extui %lt3A_107 : i1 to i32
      %cond3A_109 = arith.constant 0 : i32
      %cond3A_110 = arith.cmpi ne, %convert_element_type3A_108, %cond3A_109 : i32
      scf.if %cond3A_110 {
        %shift_right_logical3A_180 = arith.constant 3 : i32
        %shift_right_logical3A_181 = arith.shrui %add3A_105, %shift_right_logical3A_180 : i32
        %and3A_182 = arith.constant 1 : i32
        %and3A_183 = arith.andi %shift_right_logical3A_181, %and3A_182 : i32
        %and3A_184 = arith.constant 7 : i32
        %and3A_185 = arith.andi %add3A_105, %and3A_184 : i32
        %dma_start3A_186 = arith.constant 0 : i32
        %dma_start3A_187 = arith.constant 0 : i32
        %dma_start3A_188 = tpu.memref_slice %arg6[%and3A_183, %dma_start3A_186, %dma_start3A_187] : memref<2x8x40xi32, #tpu.memory_space<vmem>> -> memref<1x8x40xi32, #tpu.memory_space<vmem>>
        %dma_start3A_189 = tpu.memref_squeeze %dma_start3A_188 : memref<1x8x40xi32, #tpu.memory_space<vmem>> -> memref<8x40xi32, #tpu.memory_space<vmem>>
        %dma_start3A_190 = arith.constant 0 : i32
        %dma_start3A_191 = tpu.memref_slice %dma_start3A_189[%and3A_185, %dma_start3A_190] : memref<8x40xi32, #tpu.memory_space<vmem>> -> memref<1x40xi32, #tpu.memory_space<vmem>>
        %dma_start3A_192 = tpu.memref_squeeze %dma_start3A_191 : memref<1x40xi32, #tpu.memory_space<vmem>> -> memref<40xi32, #tpu.memory_space<vmem>>
        %dma_start3A_193 = arith.constant 0 : i32
        %dma_start3A_194 = arith.constant 0 : i32
        %dma_start3A_195 = tpu.memref_slice %arg2[%dma_start3A_193, %dma_start3A_194] : memref<10000x256xf32, #tpu.memory_space<hbm>> -> memref<10000x256xf32, #tpu.memory_space<hbm>>
        tpu.enqueue_indirect_dma source(%dma_start3A_195 : memref<10000x256xf32, #tpu.memory_space<hbm>>) target(%arg11 : memref<40x256xf32, #tpu.memory_space<vmem>>) offsets(%dma_start3A_192 : memref<40xi32, #tpu.memory_space<vmem>>) semaphore(%arg16 : memref<!tpu.dma_semaphore, #tpu.memory_space<semaphore_mem>>)
      } else {
      }
      %mul3A_111 = arith.constant 4 : i32
      %mul3A_112 = arith.muli %scan3A_69, %mul3A_111 : i32
      %add3A_113 = arith.constant 1 : i32
      %add3A_114 = arith.addi %mul3A_112, %add3A_113 : i32
      %dma_wait3A_115 = arith.constant 0 : i32
      %dma_wait3A_116 = arith.constant 0 : i32
      %dma_wait3A_117 = arith.constant 0 : i32
      %dma_wait3A_118 = arith.constant 0 : i32
      %dma_wait3A_119 = tpu.memref_slice %arg6[%dma_wait3A_115, %dma_wait3A_117, %dma_wait3A_118] : memref<2x8x40xi32, #tpu.memory_space<vmem>> -> memref<1x8x40xi32, #tpu.memory_space<vmem>>
      %dma_wait3A_120 = tpu.memref_squeeze %dma_wait3A_119 : memref<1x8x40xi32, #tpu.memory_space<vmem>> -> memref<8x40xi32, #tpu.memory_space<vmem>>
      %dma_wait3A_121 = arith.constant 0 : i32
      %dma_wait3A_122 = tpu.memref_slice %dma_wait3A_120[%dma_wait3A_116, %dma_wait3A_121] : memref<8x40xi32, #tpu.memory_space<vmem>> -> memref<1x40xi32, #tpu.memory_space<vmem>>
      %dma_wait3A_123 = tpu.memref_squeeze %dma_wait3A_122 : memref<1x40xi32, #tpu.memory_space<vmem>> -> memref<40xi32, #tpu.memory_space<vmem>>
      %dma_wait3A_124 = arith.constant 0 : i32
      %dma_wait3A_125 = arith.constant 0 : i32
      %dma_wait3A_126 = tpu.memref_slice %arg2[%dma_wait3A_124, %dma_wait3A_125] : memref<10000x256xf32, #tpu.memory_space<hbm>> -> memref<10000x256xf32, #tpu.memory_space<hbm>>
      tpu.wait_indirect_dma semaphore(%arg14 : memref<!tpu.dma_semaphore, #tpu.memory_space<semaphore_mem>>) src(%dma_wait3A_126 : memref<10000x256xf32, #tpu.memory_space<hbm>>) dst(%arg9 : memref<40x256xf32, #tpu.memory_space<vmem>>)
      %add3A_127 = arith.constant 3 : i32
      %add3A_128 = arith.addi %add3A_114, %add3A_127 : i32
      %lt3A_129 = arith.constant 256 : i32
      %lt3A_130 = arith.cmpi slt, %add3A_128, %lt3A_129 : i32
      %convert_element_type3A_131 = arith.extui %lt3A_130 : i1 to i32
      %cond3A_132 = arith.constant 0 : i32
      %cond3A_133 = arith.cmpi ne, %convert_element_type3A_131, %cond3A_132 : i32
      scf.if %cond3A_133 {
        %shift_right_logical3A_180 = arith.constant 3 : i32
        %shift_right_logical3A_181 = arith.shrui %add3A_128, %shift_right_logical3A_180 : i32
        %and3A_182 = arith.constant 1 : i32
        %and3A_183 = arith.andi %shift_right_logical3A_181, %and3A_182 : i32
        %and3A_184 = arith.constant 7 : i32
        %and3A_185 = arith.andi %add3A_128, %and3A_184 : i32
        %dma_start3A_186 = arith.constant 0 : i32
        %dma_start3A_187 = arith.constant 0 : i32
        %dma_start3A_188 = tpu.memref_slice %arg6[%and3A_183, %dma_start3A_186, %dma_start3A_187] : memref<2x8x40xi32, #tpu.memory_space<vmem>> -> memref<1x8x40xi32, #tpu.memory_space<vmem>>
        %dma_start3A_189 = tpu.memref_squeeze %dma_start3A_188 : memref<1x8x40xi32, #tpu.memory_space<vmem>> -> memref<8x40xi32, #tpu.memory_space<vmem>>
        %dma_start3A_190 = arith.constant 0 : i32
        %dma_start3A_191 = tpu.memref_slice %dma_start3A_189[%and3A_185, %dma_start3A_190] : memref<8x40xi32, #tpu.memory_space<vmem>> -> memref<1x40xi32, #tpu.memory_space<vmem>>
        %dma_start3A_192 = tpu.memref_squeeze %dma_start3A_191 : memref<1x40xi32, #tpu.memory_space<vmem>> -> memref<40xi32, #tpu.memory_space<vmem>>
        %dma_start3A_193 = arith.constant 0 : i32
        %dma_start3A_194 = arith.constant 0 : i32
        %dma_start3A_195 = tpu.memref_slice %arg2[%dma_start3A_193, %dma_start3A_194] : memref<10000x256xf32, #tpu.memory_space<hbm>> -> memref<10000x256xf32, #tpu.memory_space<hbm>>
        tpu.enqueue_indirect_dma source(%dma_start3A_195 : memref<10000x256xf32, #tpu.memory_space<hbm>>) target(%arg8 : memref<40x256xf32, #tpu.memory_space<vmem>>) offsets(%dma_start3A_192 : memref<40xi32, #tpu.memory_space<vmem>>) semaphore(%arg13 : memref<!tpu.dma_semaphore, #tpu.memory_space<semaphore_mem>>)
      } else {
      }
      %mul3A_134 = arith.constant 4 : i32
      %mul3A_135 = arith.muli %scan3A_69, %mul3A_134 : i32
      %add3A_136 = arith.constant 2 : i32
      %add3A_137 = arith.addi %mul3A_135, %add3A_136 : i32
      %dma_wait3A_138 = arith.constant 0 : i32
      %dma_wait3A_139 = arith.constant 0 : i32
      %dma_wait3A_140 = arith.constant 0 : i32
      %dma_wait3A_141 = arith.constant 0 : i32
      %dma_wait3A_142 = tpu.memref_slice %arg6[%dma_wait3A_138, %dma_wait3A_140, %dma_wait3A_141] : memref<2x8x40xi32, #tpu.memory_space<vmem>> -> memref<1x8x40xi32, #tpu.memory_space<vmem>>
      %dma_wait3A_143 = tpu.memref_squeeze %dma_wait3A_142 : memref<1x8x40xi32, #tpu.memory_space<vmem>> -> memref<8x40xi32, #tpu.memory_space<vmem>>
      %dma_wait3A_144 = arith.constant 0 : i32
      %dma_wait3A_145 = tpu.memref_slice %dma_wait3A_143[%dma_wait3A_139, %dma_wait3A_144] : memref<8x40xi32, #tpu.memory_space<vmem>> -> memref<1x40xi32, #tpu.memory_space<vmem>>
      %dma_wait3A_146 = tpu.memref_squeeze %dma_wait3A_145 : memref<1x40xi32, #tpu.memory_space<vmem>> -> memref<40xi32, #tpu.memory_space<vmem>>
      %dma_wait3A_147 = arith.constant 0 : i32
      %dma_wait3A_148 = arith.constant 0 : i32
      %dma_wait3A_149 = tpu.memref_slice %arg2[%dma_wait3A_147, %dma_wait3A_148] : memref<10000x256xf32, #tpu.memory_space<hbm>> -> memref<10000x256xf32, #tpu.memory_space<hbm>>
      tpu.wait_indirect_dma semaphore(%arg15 : memref<!tpu.dma_semaphore, #tpu.memory_space<semaphore_mem>>) src(%dma_wait3A_149 : memref<10000x256xf32, #tpu.memory_space<hbm>>) dst(%arg10 : memref<40x256xf32, #tpu.memory_space<vmem>>)
      %add3A_150 = arith.constant 3 : i32
      %add3A_151 = arith.addi %add3A_137, %add3A_150 : i32
      %lt3A_152 = arith.constant 256 : i32
      %lt3A_153 = arith.cmpi slt, %add3A_151, %lt3A_152 : i32
      %convert_element_type3A_154 = arith.extui %lt3A_153 : i1 to i32
      %cond3A_155 = arith.constant 0 : i32
      %cond3A_156 = arith.cmpi ne, %convert_element_type3A_154, %cond3A_155 : i32
      scf.if %cond3A_156 {
        %shift_right_logical3A_180 = arith.constant 3 : i32
        %shift_right_logical3A_181 = arith.shrui %add3A_151, %shift_right_logical3A_180 : i32
        %and3A_182 = arith.constant 1 : i32
        %and3A_183 = arith.andi %shift_right_logical3A_181, %and3A_182 : i32
        %and3A_184 = arith.constant 7 : i32
        %and3A_185 = arith.andi %add3A_151, %and3A_184 : i32
        %dma_start3A_186 = arith.constant 0 : i32
        %dma_start3A_187 = arith.constant 0 : i32
        %dma_start3A_188 = tpu.memref_slice %arg6[%and3A_183, %dma_start3A_186, %dma_start3A_187] : memref<2x8x40xi32, #tpu.memory_space<vmem>> -> memref<1x8x40xi32, #tpu.memory_space<vmem>>
        %dma_start3A_189 = tpu.memref_squeeze %dma_start3A_188 : memref<1x8x40xi32, #tpu.memory_space<vmem>> -> memref<8x40xi32, #tpu.memory_space<vmem>>
        %dma_start3A_190 = arith.constant 0 : i32
        %dma_start3A_191 = tpu.memref_slice %dma_start3A_189[%and3A_185, %dma_start3A_190] : memref<8x40xi32, #tpu.memory_space<vmem>> -> memref<1x40xi32, #tpu.memory_space<vmem>>
        %dma_start3A_192 = tpu.memref_squeeze %dma_start3A_191 : memref<1x40xi32, #tpu.memory_space<vmem>> -> memref<40xi32, #tpu.memory_space<vmem>>
        %dma_start3A_193 = arith.constant 0 : i32
        %dma_start3A_194 = arith.constant 0 : i32
        %dma_start3A_195 = tpu.memref_slice %arg2[%dma_start3A_193, %dma_start3A_194] : memref<10000x256xf32, #tpu.memory_space<hbm>> -> memref<10000x256xf32, #tpu.memory_space<hbm>>
        tpu.enqueue_indirect_dma source(%dma_start3A_195 : memref<10000x256xf32, #tpu.memory_space<hbm>>) target(%arg9 : memref<40x256xf32, #tpu.memory_space<vmem>>) offsets(%dma_start3A_192 : memref<40xi32, #tpu.memory_space<vmem>>) semaphore(%arg14 : memref<!tpu.dma_semaphore, #tpu.memory_space<semaphore_mem>>)
      } else {
      }
      %mul3A_157 = arith.constant 4 : i32
      %mul3A_158 = arith.muli %scan3A_69, %mul3A_157 : i32
      %add3A_159 = arith.constant 3 : i32
      %add3A_160 = arith.addi %mul3A_158, %add3A_159 : i32
      %dma_wait3A_161 = arith.constant 0 : i32
      %dma_wait3A_162 = arith.constant 0 : i32
      %dma_wait3A_163 = arith.constant 0 : i32
      %dma_wait3A_164 = arith.constant 0 : i32
      %dma_wait3A_165 = tpu.memref_slice %arg6[%dma_wait3A_161, %dma_wait3A_163, %dma_wait3A_164] : memref<2x8x40xi32, #tpu.memory_space<vmem>> -> memref<1x8x40xi32, #tpu.memory_space<vmem>>
      %dma_wait3A_166 = tpu.memref_squeeze %dma_wait3A_165 : memref<1x8x40xi32, #tpu.memory_space<vmem>> -> memref<8x40xi32, #tpu.memory_space<vmem>>
      %dma_wait3A_167 = arith.constant 0 : i32
      %dma_wait3A_168 = tpu.memref_slice %dma_wait3A_166[%dma_wait3A_162, %dma_wait3A_167] : memref<8x40xi32, #tpu.memory_space<vmem>> -> memref<1x40xi32, #tpu.memory_space<vmem>>
      %dma_wait3A_169 = tpu.memref_squeeze %dma_wait3A_168 : memref<1x40xi32, #tpu.memory_space<vmem>> -> memref<40xi32, #tpu.memory_space<vmem>>
      %dma_wait3A_170 = arith.constant 0 : i32
      %dma_wait3A_171 = arith.constant 0 : i32
      %dma_wait3A_172 = tpu.memref_slice %arg2[%dma_wait3A_170, %dma_wait3A_171] : memref<10000x256xf32, #tpu.memory_space<hbm>> -> memref<10000x256xf32, #tpu.memory_space<hbm>>
      tpu.wait_indirect_dma semaphore(%arg16 : memref<!tpu.dma_semaphore, #tpu.memory_space<semaphore_mem>>) src(%dma_wait3A_172 : memref<10000x256xf32, #tpu.memory_space<hbm>>) dst(%arg11 : memref<40x256xf32, #tpu.memory_space<vmem>>)
      %add3A_173 = arith.constant 3 : i32
      %add3A_174 = arith.addi %add3A_160, %add3A_173 : i32
      %lt3A_175 = arith.constant 256 : i32
      %lt3A_176 = arith.cmpi slt, %add3A_174, %lt3A_175 : i32
      %convert_element_type3A_177 = arith.extui %lt3A_176 : i1 to i32
      %cond3A_178 = arith.constant 0 : i32
      %cond3A_179 = arith.cmpi ne, %convert_element_type3A_177, %cond3A_178 : i32
      scf.if %cond3A_179 {
        %shift_right_logical3A_180 = arith.constant 3 : i32
        %shift_right_logical3A_181 = arith.shrui %add3A_174, %shift_right_logical3A_180 : i32
        %and3A_182 = arith.constant 1 : i32
        %and3A_183 = arith.andi %shift_right_logical3A_181, %and3A_182 : i32
        %and3A_184 = arith.constant 7 : i32
        %and3A_185 = arith.andi %add3A_174, %and3A_184 : i32
        %dma_start3A_186 = arith.constant 0 : i32
        %dma_start3A_187 = arith.constant 0 : i32
        %dma_start3A_188 = tpu.memref_slice %arg6[%and3A_183, %dma_start3A_186, %dma_start3A_187] : memref<2x8x40xi32, #tpu.memory_space<vmem>> -> memref<1x8x40xi32, #tpu.memory_space<vmem>>
        %dma_start3A_189 = tpu.memref_squeeze %dma_start3A_188 : memref<1x8x40xi32, #tpu.memory_space<vmem>> -> memref<8x40xi32, #tpu.memory_space<vmem>>
        %dma_start3A_190 = arith.constant 0 : i32
        %dma_start3A_191 = tpu.memref_slice %dma_start3A_189[%and3A_185, %dma_start3A_190] : memref<8x40xi32, #tpu.memory_space<vmem>> -> memref<1x40xi32, #tpu.memory_space<vmem>>
        %dma_start3A_192 = tpu.memref_squeeze %dma_start3A_191 : memref<1x40xi32, #tpu.memory_space<vmem>> -> memref<40xi32, #tpu.memory_space<vmem>>
        %dma_start3A_193 = arith.constant 0 : i32
        %dma_start3A_194 = arith.constant 0 : i32
        %dma_start3A_195 = tpu.memref_slice %arg2[%dma_start3A_193, %dma_start3A_194] : memref<10000x256xf32, #tpu.memory_space<hbm>> -> memref<10000x256xf32, #tpu.memory_space<hbm>>
        tpu.enqueue_indirect_dma source(%dma_start3A_195 : memref<10000x256xf32, #tpu.memory_space<hbm>>) target(%arg10 : memref<40x256xf32, #tpu.memory_space<vmem>>) offsets(%dma_start3A_192 : memref<40xi32, #tpu.memory_space<vmem>>) semaphore(%arg15 : memref<!tpu.dma_semaphore, #tpu.memory_space<semaphore_mem>>)
      } else {
      }
    }
    %scan3A_64 = arith.constant 64 : i32
    %barrier3A_65 = arith.constant 0 : index
    tpu.barrier barrier_id(%barrier3A_65)
    %mul3A = arith.constant 632 : i32
    %mul3A_66 = arith.muli %arg1, %mul3A : i32
    %mul3A_67 = arith.constant 632 : i32
    %mul3A_68 = arith.muli %arg1, %mul3A_67 : i32
    "tpu.region"() ({
      %run_scoped3A_69 = tpu.sem_alloc : memref<!tpu.dma_semaphore, #tpu.memory_space<semaphore_mem>>
      %dma_start3A_70 = arith.constant 0 : i32
      %dma_start3A_71 = arith.constant 0 : i32
      %dma_start3A_72 = tpu.memref_slice %arg5[%arg0, %dma_start3A_70, %dma_start3A_71] : memref<2x10112x128xf32, #tpu.memory_space<hbm>> -> memref<1x10112x128xf32, #tpu.memory_space<hbm>>
      %dma_start3A_73 = tpu.memref_squeeze %dma_start3A_72 : memref<1x10112x128xf32, #tpu.memory_space<hbm>> -> memref<10112x128xf32, #tpu.memory_space<hbm>>
      %dma_start3A_74 = arith.constant 0 : i32
      %dma_start3A_75 = tpu.memref_slice %dma_start3A_73[%mul3A_68, %dma_start3A_74] : memref<10112x128xf32, #tpu.memory_space<hbm>> -> memref<632x128xf32, #tpu.memory_space<hbm>>
      %dma_start3A_76 = arith.constant 0 : i32
      %dma_start3A_77 = tpu.memref_slice %arg12[%mul3A_66, %dma_start3A_76] : memref<10112x128xf32, #tpu.memory_space<vmem_shared>> -> memref<632x128xf32, #tpu.memory_space<vmem_shared>>
      tpu.enqueue_dma source(%dma_start3A_77 : memref<632x128xf32, #tpu.memory_space<vmem_shared>>) target(%dma_start3A_75 : memref<632x128xf32, #tpu.memory_space<hbm>>) target_semaphore(%run_scoped3A_69 : memref<!tpu.dma_semaphore, #tpu.memory_space<semaphore_mem>>)
      %dma_wait3A = arith.constant 0 : i32
      %dma_wait3A_78 = arith.constant 0 : i32
      %dma_wait3A_79 = tpu.memref_slice %arg5[%arg0, %dma_wait3A, %dma_wait3A_78] : memref<2x10112x128xf32, #tpu.memory_space<hbm>> -> memref<1x10112x128xf32, #tpu.memory_space<hbm>>
      %dma_wait3A_80 = tpu.memref_squeeze %dma_wait3A_79 : memref<1x10112x128xf32, #tpu.memory_space<hbm>> -> memref<10112x128xf32, #tpu.memory_space<hbm>>
      %dma_wait3A_81 = arith.constant 0 : i32
      %dma_wait3A_82 = tpu.memref_slice %dma_wait3A_80[%mul3A_68, %dma_wait3A_81] : memref<10112x128xf32, #tpu.memory_space<hbm>> -> memref<632x128xf32, #tpu.memory_space<hbm>>
      %dma_wait3A_83 = arith.constant 0 : i32
      %dma_wait3A_84 = tpu.memref_slice %arg12[%mul3A_66, %dma_wait3A_83] : memref<10112x128xf32, #tpu.memory_space<vmem_shared>> -> memref<632x128xf32, #tpu.memory_space<vmem_shared>>
      tpu.wait_dma2 semaphore(%run_scoped3A_69 : memref<!tpu.dma_semaphore, #tpu.memory_space<semaphore_mem>>) src(%dma_wait3A_84 : memref<632x128xf32, #tpu.memory_space<vmem_shared>>) dst(%dma_wait3A_82 : memref<632x128xf32, #tpu.memory_space<hbm>>)
      tpu.yield
    }) : () -> ()
    return
  }
}

#map = affine_map<(d0, d1) -> (0)>
#map1 = affine_map<(d0, d1) -> (0, 0)>
module attributes {stable_mosaic.version = 14 : i64} {
  func.func @_deg_body(%arg0: i32, %arg1: i32, %arg2: memref<163840xi32, #tpu.memory_space<hbm>>, %arg3: memref<2x10240xf32, #tpu.memory_space<hbm>>, %arg4: memref<10240xf32, #tpu.memory_space<vmem>>, %arg5: memref<5120xi32, #tpu.memory_space<vmem>>, %arg6: memref<640xf32, #tpu.memory_space<vmem>>, %arg7: memref<640xf32, #tpu.memory_space<vmem>>, %arg8: memref<16x10240xf32, #tpu.memory_space<vmem_shared>>) attributes {dimension_semantics = [#tpu.dimension_semantics<core_parallel>, #tpu.dimension_semantics<subcore_parallel>], iteration_bounds = array<i64: 2, 16>, scalar_prefetch = 0 : i64, scratch_operands = 5 : i64, tpu.core_type = #tpu.core_type<sc_vector_subcore>, window_params = [{transform_indices = #map}, {transform_indices = #map1}]} {
    %mul3A = arith.constant 2 : i32
    %mul3A_0 = arith.muli %arg1, %mul3A : i32
    %add3A = arith.addi %mul3A_0, %arg0 : i32
    %scan3A = arith.constant 0 : i32
    %scan3A_1 = arith.constant 0 : i32
    %scan3A_2 = arith.constant 640 : i32
    %scan3A_3 = arith.addi %scan3A_1, %scan3A_2 : i32
    %scan3A_4 = arith.constant 1 : i32
    scf.for %scan3A_166 = %scan3A_1 to %scan3A_3 step %scan3A_4  : i32 {
      %broadcast_in_dim3A_167 = arith.constant 0.000000e+00 : f32
      %broadcast_in_dim3A_168 = vector.broadcast %broadcast_in_dim3A_167 : f32 to vector<16xf32>
      %mul3A_169 = arith.constant 16 : i32
      %mul3A_170 = arith.muli %scan3A_166, %mul3A_169 : i32
      %swap3A = arith.index_cast %mul3A_170 : i32 to index
      %swap3A_171 = tpu.vector_load %arg4[%swap3A] {strides = array<i32>} : memref<10240xf32, #tpu.memory_space<vmem>>, vector<16xf32>,
      tpu.vector_store %arg4[%swap3A], %broadcast_in_dim3A_168 {strides = array<i32>} : memref<10240xf32, #tpu.memory_space<vmem>>, vector<16xf32>,
    }
    %scan3A_5 = arith.constant 640 : i32
    %mul3A_6 = arith.constant 5120 : i32
    %mul3A_7 = arith.muli %add3A, %mul3A_6 : i32
    "tpu.region"() ({
      %run_scoped3A_166 = tpu.sem_alloc : memref<!tpu.dma_semaphore, #tpu.memory_space<semaphore_mem>>
      %dma_start3A = tpu.memref_slice %arg2[%mul3A_7] : memref<163840xi32, #tpu.memory_space<hbm>> -> memref<5120xi32, #tpu.memory_space<hbm>>
      %dma_start3A_167 = tpu.memref_slice %arg2[%mul3A_7] : memref<163840xi32, #tpu.memory_space<hbm>> -> memref<5120xi32, #tpu.memory_space<hbm>>
      tpu.enqueue_dma source(%dma_start3A_167 : memref<5120xi32, #tpu.memory_space<hbm>>) target(%arg5 : memref<5120xi32, #tpu.memory_space<vmem>>) target_semaphore(%run_scoped3A_166 : memref<!tpu.dma_semaphore, #tpu.memory_space<semaphore_mem>>)
      %dma_wait3A = tpu.memref_slice %arg2[%mul3A_7] : memref<163840xi32, #tpu.memory_space<hbm>> -> memref<5120xi32, #tpu.memory_space<hbm>>
      %dma_wait3A_168 = tpu.memref_slice %arg2[%mul3A_7] : memref<163840xi32, #tpu.memory_space<hbm>> -> memref<5120xi32, #tpu.memory_space<hbm>>
      tpu.wait_dma2 semaphore(%run_scoped3A_166 : memref<!tpu.dma_semaphore, #tpu.memory_space<semaphore_mem>>) src(%dma_wait3A_168 : memref<5120xi32, #tpu.memory_space<hbm>>) dst(%arg5 : memref<5120xi32, #tpu.memory_space<vmem>>)
      tpu.yield
    }) : () -> ()
    %broadcast_in_dim3A = arith.constant 1.000000e+00 : f32
    %broadcast_in_dim3A_8 = vector.broadcast %broadcast_in_dim3A : f32 to vector<16xf32>
    %scan3A_9 = arith.constant 0 : i32
    %scan3A_10 = arith.constant 0 : i32
    %scan3A_11 = arith.constant 320 : i32
    %scan3A_12 = arith.addi %scan3A_10, %scan3A_11 : i32
    %scan3A_13 = arith.constant 1 : i32
    scf.for %scan3A_166 = %scan3A_10 to %scan3A_12 step %scan3A_13  : i32 {
      %mul3A_167 = arith.constant 16 : i32
      %mul3A_168 = arith.muli %scan3A_166, %mul3A_167 : i32
      %get3A = arith.index_cast %mul3A_168 : i32 to index
      %get3A_169 = tpu.vector_load %arg5[%get3A] {strides = array<i32>} : memref<5120xi32, #tpu.memory_space<vmem>>, vector<16xi32>,
      tpu.vector_store_idx %arg4[%get3A_169], %broadcast_in_dim3A_8 {add = true} : memref<10240xf32, #tpu.memory_space<vmem>>[vector<16xi32>], vector<16xf32>,
    }
    %scan3A_14 = arith.constant 320 : i32
    "tpu.region"() ({
      %run_scoped3A_166 = tpu.sem_alloc : memref<!tpu.dma_semaphore, #tpu.memory_space<semaphore_mem>>
      %dma_start3A = arith.constant 0 : i32
      %dma_start3A_167 = tpu.memref_slice %arg8[%arg1, %dma_start3A] : memref<16x10240xf32, #tpu.memory_space<vmem_shared>> -> memref<1x10240xf32, #tpu.memory_space<vmem_shared>>
      %dma_start3A_168 = tpu.memref_squeeze %dma_start3A_167 : memref<1x10240xf32, #tpu.memory_space<vmem_shared>> -> memref<10240xf32, #tpu.memory_space<vmem_shared>>
      %dma_start3A_169 = arith.constant 0 : i32
      %dma_start3A_170 = tpu.memref_slice %arg8[%arg1, %dma_start3A_169] : memref<16x10240xf32, #tpu.memory_space<vmem_shared>> -> memref<1x10240xf32, #tpu.memory_space<vmem_shared>>
      %dma_start3A_171 = tpu.memref_squeeze %dma_start3A_170 : memref<1x10240xf32, #tpu.memory_space<vmem_shared>> -> memref<10240xf32, #tpu.memory_space<vmem_shared>>
      tpu.enqueue_dma source(%arg4 : memref<10240xf32, #tpu.memory_space<vmem>>) target(%dma_start3A_171 : memref<10240xf32, #tpu.memory_space<vmem_shared>>) target_semaphore(%run_scoped3A_166 : memref<!tpu.dma_semaphore, #tpu.memory_space<semaphore_mem>>)
      %dma_wait3A = arith.constant 0 : i32
      %dma_wait3A_172 = tpu.memref_slice %arg8[%arg1, %dma_wait3A] : memref<16x10240xf32, #tpu.memory_space<vmem_shared>> -> memref<1x10240xf32, #tpu.memory_space<vmem_shared>>
      %dma_wait3A_173 = tpu.memref_squeeze %dma_wait3A_172 : memref<1x10240xf32, #tpu.memory_space<vmem_shared>> -> memref<10240xf32, #tpu.memory_space<vmem_shared>>
      %dma_wait3A_174 = arith.constant 0 : i32
      %dma_wait3A_175 = tpu.memref_slice %arg8[%arg1, %dma_wait3A_174] : memref<16x10240xf32, #tpu.memory_space<vmem_shared>> -> memref<1x10240xf32, #tpu.memory_space<vmem_shared>>
      %dma_wait3A_176 = tpu.memref_squeeze %dma_wait3A_175 : memref<1x10240xf32, #tpu.memory_space<vmem_shared>> -> memref<10240xf32, #tpu.memory_space<vmem_shared>>
      tpu.wait_dma2 semaphore(%run_scoped3A_166 : memref<!tpu.dma_semaphore, #tpu.memory_space<semaphore_mem>>) src(%arg4 : memref<10240xf32, #tpu.memory_space<vmem>>) dst(%dma_wait3A_176 : memref<10240xf32, #tpu.memory_space<vmem_shared>>)
      tpu.yield
    }) : () -> ()
    %barrier3A = arith.constant 0 : index
    tpu.barrier barrier_id(%barrier3A)
    %scan3A_15 = arith.constant 0 : i32
    %scan3A_16 = arith.constant 0 : i32
    %scan3A_17 = arith.constant 40 : i32
    %scan3A_18 = arith.addi %scan3A_16, %scan3A_17 : i32
    %scan3A_19 = arith.constant 1 : i32
    scf.for %scan3A_166 = %scan3A_16 to %scan3A_18 step %scan3A_19  : i32 {
      %broadcast_in_dim3A_167 = arith.constant 0.000000e+00 : f32
      %broadcast_in_dim3A_168 = vector.broadcast %broadcast_in_dim3A_167 : f32 to vector<16xf32>
      %mul3A_169 = arith.constant 16 : i32
      %mul3A_170 = arith.muli %scan3A_166, %mul3A_169 : i32
      %swap3A = arith.index_cast %mul3A_170 : i32 to index
      %swap3A_171 = tpu.vector_load %arg7[%swap3A] {strides = array<i32>} : memref<640xf32, #tpu.memory_space<vmem>>, vector<16xf32>,
      tpu.vector_store %arg7[%swap3A], %broadcast_in_dim3A_168 {strides = array<i32>} : memref<640xf32, #tpu.memory_space<vmem>>, vector<16xf32>,
    }
    %scan3A_20 = arith.constant 40 : i32
    %mul3A_21 = arith.constant 640 : i32
    %mul3A_22 = arith.muli %arg1, %mul3A_21 : i32
    %run_scoped3A = arith.constant 0 : i32
    "tpu.region"() ({
      %run_scoped3A_166 = tpu.sem_alloc : memref<!tpu.dma_semaphore, #tpu.memory_space<semaphore_mem>>
      %dma_start3A = arith.constant 0 : i32
      %dma_start3A_167 = tpu.memref_slice %arg8[%run_scoped3A, %dma_start3A] : memref<16x10240xf32, #tpu.memory_space<vmem_shared>> -> memref<1x10240xf32, #tpu.memory_space<vmem_shared>>
      %dma_start3A_168 = tpu.memref_squeeze %dma_start3A_167 : memref<1x10240xf32, #tpu.memory_space<vmem_shared>> -> memref<10240xf32, #tpu.memory_space<vmem_shared>>
      %dma_start3A_169 = tpu.memref_slice %dma_start3A_168[%mul3A_22] : memref<10240xf32, #tpu.memory_space<vmem_shared>> -> memref<640xf32, #tpu.memory_space<vmem_shared>>
      %dma_start3A_170 = arith.constant 0 : i32
      %dma_start3A_171 = tpu.memref_slice %arg8[%run_scoped3A, %dma_start3A_170] : memref<16x10240xf32, #tpu.memory_space<vmem_shared>> -> memref<1x10240xf32, #tpu.memory_space<vmem_shared>>
      %dma_start3A_172 = tpu.memref_squeeze %dma_start3A_171 : memref<1x10240xf32, #tpu.memory_space<vmem_shared>> -> memref<10240xf32, #tpu.memory_space<vmem_shared>>
      %dma_start3A_173 = tpu.memref_slice %dma_start3A_172[%mul3A_22] : memref<10240xf32, #tpu.memory_space<vmem_shared>> -> memref<640xf32, #tpu.memory_space<vmem_shared>>
      tpu.enqueue_dma source(%dma_start3A_173 : memref<640xf32, #tpu.memory_space<vmem_shared>>) target(%arg6 : memref<640xf32, #tpu.memory_space<vmem>>) target_semaphore(%run_scoped3A_166 : memref<!tpu.dma_semaphore, #tpu.memory_space<semaphore_mem>>)
      %dma_wait3A = arith.constant 0 : i32
      %dma_wait3A_174 = tpu.memref_slice %arg8[%run_scoped3A, %dma_wait3A] : memref<16x10240xf32, #tpu.memory_space<vmem_shared>> -> memref<1x10240xf32, #tpu.memory_space<vmem_shared>>
      %dma_wait3A_175 = tpu.memref_squeeze %dma_wait3A_174 : memref<1x10240xf32, #tpu.memory_space<vmem_shared>> -> memref<10240xf32, #tpu.memory_space<vmem_shared>>
      %dma_wait3A_176 = tpu.memref_slice %dma_wait3A_175[%mul3A_22] : memref<10240xf32, #tpu.memory_space<vmem_shared>> -> memref<640xf32, #tpu.memory_space<vmem_shared>>
      %dma_wait3A_177 = arith.constant 0 : i32
      %dma_wait3A_178 = tpu.memref_slice %arg8[%run_scoped3A, %dma_wait3A_177] : memref<16x10240xf32, #tpu.memory_space<vmem_shared>> -> memref<1x10240xf32, #tpu.memory_space<vmem_shared>>
      %dma_wait3A_179 = tpu.memref_squeeze %dma_wait3A_178 : memref<1x10240xf32, #tpu.memory_space<vmem_shared>> -> memref<10240xf32, #tpu.memory_space<vmem_shared>>
      %dma_wait3A_180 = tpu.memref_slice %dma_wait3A_179[%mul3A_22] : memref<10240xf32, #tpu.memory_space<vmem_shared>> -> memref<640xf32, #tpu.memory_space<vmem_shared>>
      tpu.wait_dma2 semaphore(%run_scoped3A_166 : memref<!tpu.dma_semaphore, #tpu.memory_space<semaphore_mem>>) src(%dma_wait3A_180 : memref<640xf32, #tpu.memory_space<vmem_shared>>) dst(%arg6 : memref<640xf32, #tpu.memory_space<vmem>>)
      tpu.yield
    }) : () -> ()
    %scan3A_23 = arith.constant 0 : i32
    %scan3A_24 = arith.constant 0 : i32
    %scan3A_25 = arith.constant 40 : i32
    %scan3A_26 = arith.addi %scan3A_24, %scan3A_25 : i32
    %scan3A_27 = arith.constant 1 : i32
    scf.for %scan3A_166 = %scan3A_24 to %scan3A_26 step %scan3A_27  : i32 {
      %mul3A_167 = arith.constant 16 : i32
      %mul3A_168 = arith.muli %scan3A_166, %mul3A_167 : i32
      %get3A = arith.index_cast %mul3A_168 : i32 to index
      %get3A_169 = tpu.vector_load %arg7[%get3A] {strides = array<i32>} : memref<640xf32, #tpu.memory_space<vmem>>, vector<16xf32>,
      %get3A_170 = arith.index_cast %mul3A_168 : i32 to index
      %get3A_171 = tpu.vector_load %arg6[%get3A_170] {strides = array<i32>} : memref<640xf32, #tpu.memory_space<vmem>>, vector<16xf32>,
      %add3A_172 = arith.addf %get3A_169, %get3A_171 : vector<16xf32>
      %swap3A = arith.index_cast %mul3A_168 : i32 to index
      %swap3A_173 = tpu.vector_load %arg7[%swap3A] {strides = array<i32>} : memref<640xf32, #tpu.memory_space<vmem>>, vector<16xf32>,
      tpu.vector_store %arg7[%swap3A], %add3A_172 {strides = array<i32>} : memref<640xf32, #tpu.memory_space<vmem>>, vector<16xf32>,
    }
    %scan3A_28 = arith.constant 40 : i32
    %mul3A_29 = arith.constant 640 : i32
    %mul3A_30 = arith.muli %arg1, %mul3A_29 : i32
    %run_scoped3A_31 = arith.constant 1 : i32
    "tpu.region"() ({
      %run_scoped3A_166 = tpu.sem_alloc : memref<!tpu.dma_semaphore, #tpu.memory_space<semaphore_mem>>
      %dma_start3A = arith.constant 0 : i32
      %dma_start3A_167 = tpu.memref_slice %arg8[%run_scoped3A_31, %dma_start3A] : memref<16x10240xf32, #tpu.memory_space<vmem_shared>> -> memref<1x10240xf32, #tpu.memory_space<vmem_shared>>
      %dma_start3A_168 = tpu.memref_squeeze %dma_start3A_167 : memref<1x10240xf32, #tpu.memory_space<vmem_shared>> -> memref<10240xf32, #tpu.memory_space<vmem_shared>>
      %dma_start3A_169 = tpu.memref_slice %dma_start3A_168[%mul3A_30] : memref<10240xf32, #tpu.memory_space<vmem_shared>> -> memref<640xf32, #tpu.memory_space<vmem_shared>>
      %dma_start3A_170 = arith.constant 0 : i32
      %dma_start3A_171 = tpu.memref_slice %arg8[%run_scoped3A_31, %dma_start3A_170] : memref<16x10240xf32, #tpu.memory_space<vmem_shared>> -> memref<1x10240xf32, #tpu.memory_space<vmem_shared>>
      %dma_start3A_172 = tpu.memref_squeeze %dma_start3A_171 : memref<1x10240xf32, #tpu.memory_space<vmem_shared>> -> memref<10240xf32, #tpu.memory_space<vmem_shared>>
      %dma_start3A_173 = tpu.memref_slice %dma_start3A_172[%mul3A_30] : memref<10240xf32, #tpu.memory_space<vmem_shared>> -> memref<640xf32, #tpu.memory_space<vmem_shared>>
      tpu.enqueue_dma source(%dma_start3A_173 : memref<640xf32, #tpu.memory_space<vmem_shared>>) target(%arg6 : memref<640xf32, #tpu.memory_space<vmem>>) target_semaphore(%run_scoped3A_166 : memref<!tpu.dma_semaphore, #tpu.memory_space<semaphore_mem>>)
      %dma_wait3A = arith.constant 0 : i32
      %dma_wait3A_174 = tpu.memref_slice %arg8[%run_scoped3A_31, %dma_wait3A] : memref<16x10240xf32, #tpu.memory_space<vmem_shared>> -> memref<1x10240xf32, #tpu.memory_space<vmem_shared>>
      %dma_wait3A_175 = tpu.memref_squeeze %dma_wait3A_174 : memref<1x10240xf32, #tpu.memory_space<vmem_shared>> -> memref<10240xf32, #tpu.memory_space<vmem_shared>>
      %dma_wait3A_176 = tpu.memref_slice %dma_wait3A_175[%mul3A_30] : memref<10240xf32, #tpu.memory_space<vmem_shared>> -> memref<640xf32, #tpu.memory_space<vmem_shared>>
      %dma_wait3A_177 = arith.constant 0 : i32
      %dma_wait3A_178 = tpu.memref_slice %arg8[%run_scoped3A_31, %dma_wait3A_177] : memref<16x10240xf32, #tpu.memory_space<vmem_shared>> -> memref<1x10240xf32, #tpu.memory_space<vmem_shared>>
      %dma_wait3A_179 = tpu.memref_squeeze %dma_wait3A_178 : memref<1x10240xf32, #tpu.memory_space<vmem_shared>> -> memref<10240xf32, #tpu.memory_space<vmem_shared>>
      %dma_wait3A_180 = tpu.memref_slice %dma_wait3A_179[%mul3A_30] : memref<10240xf32, #tpu.memory_space<vmem_shared>> -> memref<640xf32, #tpu.memory_space<vmem_shared>>
      tpu.wait_dma2 semaphore(%run_scoped3A_166 : memref<!tpu.dma_semaphore, #tpu.memory_space<semaphore_mem>>) src(%dma_wait3A_180 : memref<640xf32, #tpu.memory_space<vmem_shared>>) dst(%arg6 : memref<640xf32, #tpu.memory_space<vmem>>)
      tpu.yield
    }) : () -> ()
    %scan3A_32 = arith.constant 0 : i32
    %scan3A_33 = arith.constant 0 : i32
    %scan3A_34 = arith.constant 40 : i32
    %scan3A_35 = arith.addi %scan3A_33, %scan3A_34 : i32
    %scan3A_36 = arith.constant 1 : i32
    scf.for %scan3A_166 = %scan3A_33 to %scan3A_35 step %scan3A_36  : i32 {
      %mul3A_167 = arith.constant 16 : i32
      %mul3A_168 = arith.muli %scan3A_166, %mul3A_167 : i32
      %get3A = arith.index_cast %mul3A_168 : i32 to index
      %get3A_169 = tpu.vector_load %arg7[%get3A] {strides = array<i32>} : memref<640xf32, #tpu.memory_space<vmem>>, vector<16xf32>,
      %get3A_170 = arith.index_cast %mul3A_168 : i32 to index
      %get3A_171 = tpu.vector_load %arg6[%get3A_170] {strides = array<i32>} : memref<640xf32, #tpu.memory_space<vmem>>, vector<16xf32>,
      %add3A_172 = arith.addf %get3A_169, %get3A_171 : vector<16xf32>
      %swap3A = arith.index_cast %mul3A_168 : i32 to index
      %swap3A_173 = tpu.vector_load %arg7[%swap3A] {strides = array<i32>} : memref<640xf32, #tpu.memory_space<vmem>>, vector<16xf32>,
      tpu.vector_store %arg7[%swap3A], %add3A_172 {strides = array<i32>} : memref<640xf32, #tpu.memory_space<vmem>>, vector<16xf32>,
    }
    %scan3A_37 = arith.constant 40 : i32
    %mul3A_38 = arith.constant 640 : i32
    %mul3A_39 = arith.muli %arg1, %mul3A_38 : i32
    %run_scoped3A_40 = arith.constant 2 : i32
    "tpu.region"() ({
      %run_scoped3A_166 = tpu.sem_alloc : memref<!tpu.dma_semaphore, #tpu.memory_space<semaphore_mem>>
      %dma_start3A = arith.constant 0 : i32
      %dma_start3A_167 = tpu.memref_slice %arg8[%run_scoped3A_40, %dma_start3A] : memref<16x10240xf32, #tpu.memory_space<vmem_shared>> -> memref<1x10240xf32, #tpu.memory_space<vmem_shared>>
      %dma_start3A_168 = tpu.memref_squeeze %dma_start3A_167 : memref<1x10240xf32, #tpu.memory_space<vmem_shared>> -> memref<10240xf32, #tpu.memory_space<vmem_shared>>
      %dma_start3A_169 = tpu.memref_slice %dma_start3A_168[%mul3A_39] : memref<10240xf32, #tpu.memory_space<vmem_shared>> -> memref<640xf32, #tpu.memory_space<vmem_shared>>
      %dma_start3A_170 = arith.constant 0 : i32
      %dma_start3A_171 = tpu.memref_slice %arg8[%run_scoped3A_40, %dma_start3A_170] : memref<16x10240xf32, #tpu.memory_space<vmem_shared>> -> memref<1x10240xf32, #tpu.memory_space<vmem_shared>>
      %dma_start3A_172 = tpu.memref_squeeze %dma_start3A_171 : memref<1x10240xf32, #tpu.memory_space<vmem_shared>> -> memref<10240xf32, #tpu.memory_space<vmem_shared>>
      %dma_start3A_173 = tpu.memref_slice %dma_start3A_172[%mul3A_39] : memref<10240xf32, #tpu.memory_space<vmem_shared>> -> memref<640xf32, #tpu.memory_space<vmem_shared>>
      tpu.enqueue_dma source(%dma_start3A_173 : memref<640xf32, #tpu.memory_space<vmem_shared>>) target(%arg6 : memref<640xf32, #tpu.memory_space<vmem>>) target_semaphore(%run_scoped3A_166 : memref<!tpu.dma_semaphore, #tpu.memory_space<semaphore_mem>>)
      %dma_wait3A = arith.constant 0 : i32
      %dma_wait3A_174 = tpu.memref_slice %arg8[%run_scoped3A_40, %dma_wait3A] : memref<16x10240xf32, #tpu.memory_space<vmem_shared>> -> memref<1x10240xf32, #tpu.memory_space<vmem_shared>>
      %dma_wait3A_175 = tpu.memref_squeeze %dma_wait3A_174 : memref<1x10240xf32, #tpu.memory_space<vmem_shared>> -> memref<10240xf32, #tpu.memory_space<vmem_shared>>
      %dma_wait3A_176 = tpu.memref_slice %dma_wait3A_175[%mul3A_39] : memref<10240xf32, #tpu.memory_space<vmem_shared>> -> memref<640xf32, #tpu.memory_space<vmem_shared>>
      %dma_wait3A_177 = arith.constant 0 : i32
      %dma_wait3A_178 = tpu.memref_slice %arg8[%run_scoped3A_40, %dma_wait3A_177] : memref<16x10240xf32, #tpu.memory_space<vmem_shared>> -> memref<1x10240xf32, #tpu.memory_space<vmem_shared>>
      %dma_wait3A_179 = tpu.memref_squeeze %dma_wait3A_178 : memref<1x10240xf32, #tpu.memory_space<vmem_shared>> -> memref<10240xf32, #tpu.memory_space<vmem_shared>>
      %dma_wait3A_180 = tpu.memref_slice %dma_wait3A_179[%mul3A_39] : memref<10240xf32, #tpu.memory_space<vmem_shared>> -> memref<640xf32, #tpu.memory_space<vmem_shared>>
      tpu.wait_dma2 semaphore(%run_scoped3A_166 : memref<!tpu.dma_semaphore, #tpu.memory_space<semaphore_mem>>) src(%dma_wait3A_180 : memref<640xf32, #tpu.memory_space<vmem_shared>>) dst(%arg6 : memref<640xf32, #tpu.memory_space<vmem>>)
      tpu.yield
    }) : () -> ()
    %scan3A_41 = arith.constant 0 : i32
    %scan3A_42 = arith.constant 0 : i32
    %scan3A_43 = arith.constant 40 : i32
    %scan3A_44 = arith.addi %scan3A_42, %scan3A_43 : i32
    %scan3A_45 = arith.constant 1 : i32
    scf.for %scan3A_166 = %scan3A_42 to %scan3A_44 step %scan3A_45  : i32 {
      %mul3A_167 = arith.constant 16 : i32
      %mul3A_168 = arith.muli %scan3A_166, %mul3A_167 : i32
      %get3A = arith.index_cast %mul3A_168 : i32 to index
      %get3A_169 = tpu.vector_load %arg7[%get3A] {strides = array<i32>} : memref<640xf32, #tpu.memory_space<vmem>>, vector<16xf32>,
      %get3A_170 = arith.index_cast %mul3A_168 : i32 to index
      %get3A_171 = tpu.vector_load %arg6[%get3A_170] {strides = array<i32>} : memref<640xf32, #tpu.memory_space<vmem>>, vector<16xf32>,
      %add3A_172 = arith.addf %get3A_169, %get3A_171 : vector<16xf32>
      %swap3A = arith.index_cast %mul3A_168 : i32 to index
      %swap3A_173 = tpu.vector_load %arg7[%swap3A] {strides = array<i32>} : memref<640xf32, #tpu.memory_space<vmem>>, vector<16xf32>,
      tpu.vector_store %arg7[%swap3A], %add3A_172 {strides = array<i32>} : memref<640xf32, #tpu.memory_space<vmem>>, vector<16xf32>,
    }
    %scan3A_46 = arith.constant 40 : i32
    %mul3A_47 = arith.constant 640 : i32
    %mul3A_48 = arith.muli %arg1, %mul3A_47 : i32
    %run_scoped3A_49 = arith.constant 3 : i32
    "tpu.region"() ({
      %run_scoped3A_166 = tpu.sem_alloc : memref<!tpu.dma_semaphore, #tpu.memory_space<semaphore_mem>>
      %dma_start3A = arith.constant 0 : i32
      %dma_start3A_167 = tpu.memref_slice %arg8[%run_scoped3A_49, %dma_start3A] : memref<16x10240xf32, #tpu.memory_space<vmem_shared>> -> memref<1x10240xf32, #tpu.memory_space<vmem_shared>>
      %dma_start3A_168 = tpu.memref_squeeze %dma_start3A_167 : memref<1x10240xf32, #tpu.memory_space<vmem_shared>> -> memref<10240xf32, #tpu.memory_space<vmem_shared>>
      %dma_start3A_169 = tpu.memref_slice %dma_start3A_168[%mul3A_48] : memref<10240xf32, #tpu.memory_space<vmem_shared>> -> memref<640xf32, #tpu.memory_space<vmem_shared>>
      %dma_start3A_170 = arith.constant 0 : i32
      %dma_start3A_171 = tpu.memref_slice %arg8[%run_scoped3A_49, %dma_start3A_170] : memref<16x10240xf32, #tpu.memory_space<vmem_shared>> -> memref<1x10240xf32, #tpu.memory_space<vmem_shared>>
      %dma_start3A_172 = tpu.memref_squeeze %dma_start3A_171 : memref<1x10240xf32, #tpu.memory_space<vmem_shared>> -> memref<10240xf32, #tpu.memory_space<vmem_shared>>
      %dma_start3A_173 = tpu.memref_slice %dma_start3A_172[%mul3A_48] : memref<10240xf32, #tpu.memory_space<vmem_shared>> -> memref<640xf32, #tpu.memory_space<vmem_shared>>
      tpu.enqueue_dma source(%dma_start3A_173 : memref<640xf32, #tpu.memory_space<vmem_shared>>) target(%arg6 : memref<640xf32, #tpu.memory_space<vmem>>) target_semaphore(%run_scoped3A_166 : memref<!tpu.dma_semaphore, #tpu.memory_space<semaphore_mem>>)
      %dma_wait3A = arith.constant 0 : i32
      %dma_wait3A_174 = tpu.memref_slice %arg8[%run_scoped3A_49, %dma_wait3A] : memref<16x10240xf32, #tpu.memory_space<vmem_shared>> -> memref<1x10240xf32, #tpu.memory_space<vmem_shared>>
      %dma_wait3A_175 = tpu.memref_squeeze %dma_wait3A_174 : memref<1x10240xf32, #tpu.memory_space<vmem_shared>> -> memref<10240xf32, #tpu.memory_space<vmem_shared>>
      %dma_wait3A_176 = tpu.memref_slice %dma_wait3A_175[%mul3A_48] : memref<10240xf32, #tpu.memory_space<vmem_shared>> -> memref<640xf32, #tpu.memory_space<vmem_shared>>
      %dma_wait3A_177 = arith.constant 0 : i32
      %dma_wait3A_178 = tpu.memref_slice %arg8[%run_scoped3A_49, %dma_wait3A_177] : memref<16x10240xf32, #tpu.memory_space<vmem_shared>> -> memref<1x10240xf32, #tpu.memory_space<vmem_shared>>
      %dma_wait3A_179 = tpu.memref_squeeze %dma_wait3A_178 : memref<1x10240xf32, #tpu.memory_space<vmem_shared>> -> memref<10240xf32, #tpu.memory_space<vmem_shared>>
      %dma_wait3A_180 = tpu.memref_slice %dma_wait3A_179[%mul3A_48] : memref<10240xf32, #tpu.memory_space<vmem_shared>> -> memref<640xf32, #tpu.memory_space<vmem_shared>>
      tpu.wait_dma2 semaphore(%run_scoped3A_166 : memref<!tpu.dma_semaphore, #tpu.memory_space<semaphore_mem>>) src(%dma_wait3A_180 : memref<640xf32, #tpu.memory_space<vmem_shared>>) dst(%arg6 : memref<640xf32, #tpu.memory_space<vmem>>)
      tpu.yield
    }) : () -> ()
    %scan3A_50 = arith.constant 0 : i32
    %scan3A_51 = arith.constant 0 : i32
    %scan3A_52 = arith.constant 40 : i32
    %scan3A_53 = arith.addi %scan3A_51, %scan3A_52 : i32
    %scan3A_54 = arith.constant 1 : i32
    scf.for %scan3A_166 = %scan3A_51 to %scan3A_53 step %scan3A_54  : i32 {
      %mul3A_167 = arith.constant 16 : i32
      %mul3A_168 = arith.muli %scan3A_166, %mul3A_167 : i32
      %get3A = arith.index_cast %mul3A_168 : i32 to index
      %get3A_169 = tpu.vector_load %arg7[%get3A] {strides = array<i32>} : memref<640xf32, #tpu.memory_space<vmem>>, vector<16xf32>,
      %get3A_170 = arith.index_cast %mul3A_168 : i32 to index
      %get3A_171 = tpu.vector_load %arg6[%get3A_170] {strides = array<i32>} : memref<640xf32, #tpu.memory_space<vmem>>, vector<16xf32>,
      %add3A_172 = arith.addf %get3A_169, %get3A_171 : vector<16xf32>
      %swap3A = arith.index_cast %mul3A_168 : i32 to index
      %swap3A_173 = tpu.vector_load %arg7[%swap3A] {strides = array<i32>} : memref<640xf32, #tpu.memory_space<vmem>>, vector<16xf32>,
      tpu.vector_store %arg7[%swap3A], %add3A_172 {strides = array<i32>} : memref<640xf32, #tpu.memory_space<vmem>>, vector<16xf32>,
    }
    %scan3A_55 = arith.constant 40 : i32
    %mul3A_56 = arith.constant 640 : i32
    %mul3A_57 = arith.muli %arg1, %mul3A_56 : i32
    %run_scoped3A_58 = arith.constant 4 : i32
    "tpu.region"() ({
      %run_scoped3A_166 = tpu.sem_alloc : memref<!tpu.dma_semaphore, #tpu.memory_space<semaphore_mem>>
      %dma_start3A = arith.constant 0 : i32
      %dma_start3A_167 = tpu.memref_slice %arg8[%run_scoped3A_58, %dma_start3A] : memref<16x10240xf32, #tpu.memory_space<vmem_shared>> -> memref<1x10240xf32, #tpu.memory_space<vmem_shared>>
      %dma_start3A_168 = tpu.memref_squeeze %dma_start3A_167 : memref<1x10240xf32, #tpu.memory_space<vmem_shared>> -> memref<10240xf32, #tpu.memory_space<vmem_shared>>
      %dma_start3A_169 = tpu.memref_slice %dma_start3A_168[%mul3A_57] : memref<10240xf32, #tpu.memory_space<vmem_shared>> -> memref<640xf32, #tpu.memory_space<vmem_shared>>
      %dma_start3A_170 = arith.constant 0 : i32
      %dma_start3A_171 = tpu.memref_slice %arg8[%run_scoped3A_58, %dma_start3A_170] : memref<16x10240xf32, #tpu.memory_space<vmem_shared>> -> memref<1x10240xf32, #tpu.memory_space<vmem_shared>>
      %dma_start3A_172 = tpu.memref_squeeze %dma_start3A_171 : memref<1x10240xf32, #tpu.memory_space<vmem_shared>> -> memref<10240xf32, #tpu.memory_space<vmem_shared>>
      %dma_start3A_173 = tpu.memref_slice %dma_start3A_172[%mul3A_57] : memref<10240xf32, #tpu.memory_space<vmem_shared>> -> memref<640xf32, #tpu.memory_space<vmem_shared>>
      tpu.enqueue_dma source(%dma_start3A_173 : memref<640xf32, #tpu.memory_space<vmem_shared>>) target(%arg6 : memref<640xf32, #tpu.memory_space<vmem>>) target_semaphore(%run_scoped3A_166 : memref<!tpu.dma_semaphore, #tpu.memory_space<semaphore_mem>>)
      %dma_wait3A = arith.constant 0 : i32
      %dma_wait3A_174 = tpu.memref_slice %arg8[%run_scoped3A_58, %dma_wait3A] : memref<16x10240xf32, #tpu.memory_space<vmem_shared>> -> memref<1x10240xf32, #tpu.memory_space<vmem_shared>>
      %dma_wait3A_175 = tpu.memref_squeeze %dma_wait3A_174 : memref<1x10240xf32, #tpu.memory_space<vmem_shared>> -> memref<10240xf32, #tpu.memory_space<vmem_shared>>
      %dma_wait3A_176 = tpu.memref_slice %dma_wait3A_175[%mul3A_57] : memref<10240xf32, #tpu.memory_space<vmem_shared>> -> memref<640xf32, #tpu.memory_space<vmem_shared>>
      %dma_wait3A_177 = arith.constant 0 : i32
      %dma_wait3A_178 = tpu.memref_slice %arg8[%run_scoped3A_58, %dma_wait3A_177] : memref<16x10240xf32, #tpu.memory_space<vmem_shared>> -> memref<1x10240xf32, #tpu.memory_space<vmem_shared>>
      %dma_wait3A_179 = tpu.memref_squeeze %dma_wait3A_178 : memref<1x10240xf32, #tpu.memory_space<vmem_shared>> -> memref<10240xf32, #tpu.memory_space<vmem_shared>>
      %dma_wait3A_180 = tpu.memref_slice %dma_wait3A_179[%mul3A_57] : memref<10240xf32, #tpu.memory_space<vmem_shared>> -> memref<640xf32, #tpu.memory_space<vmem_shared>>
      tpu.wait_dma2 semaphore(%run_scoped3A_166 : memref<!tpu.dma_semaphore, #tpu.memory_space<semaphore_mem>>) src(%dma_wait3A_180 : memref<640xf32, #tpu.memory_space<vmem_shared>>) dst(%arg6 : memref<640xf32, #tpu.memory_space<vmem>>)
      tpu.yield
    }) : () -> ()
    %scan3A_59 = arith.constant 0 : i32
    %scan3A_60 = arith.constant 0 : i32
    %scan3A_61 = arith.constant 40 : i32
    %scan3A_62 = arith.addi %scan3A_60, %scan3A_61 : i32
    %scan3A_63 = arith.constant 1 : i32
    scf.for %scan3A_166 = %scan3A_60 to %scan3A_62 step %scan3A_63  : i32 {
      %mul3A_167 = arith.constant 16 : i32
      %mul3A_168 = arith.muli %scan3A_166, %mul3A_167 : i32
      %get3A = arith.index_cast %mul3A_168 : i32 to index
      %get3A_169 = tpu.vector_load %arg7[%get3A] {strides = array<i32>} : memref<640xf32, #tpu.memory_space<vmem>>, vector<16xf32>,
      %get3A_170 = arith.index_cast %mul3A_168 : i32 to index
      %get3A_171 = tpu.vector_load %arg6[%get3A_170] {strides = array<i32>} : memref<640xf32, #tpu.memory_space<vmem>>, vector<16xf32>,
      %add3A_172 = arith.addf %get3A_169, %get3A_171 : vector<16xf32>
      %swap3A = arith.index_cast %mul3A_168 : i32 to index
      %swap3A_173 = tpu.vector_load %arg7[%swap3A] {strides = array<i32>} : memref<640xf32, #tpu.memory_space<vmem>>, vector<16xf32>,
      tpu.vector_store %arg7[%swap3A], %add3A_172 {strides = array<i32>} : memref<640xf32, #tpu.memory_space<vmem>>, vector<16xf32>,
    }
    %scan3A_64 = arith.constant 40 : i32
    %mul3A_65 = arith.constant 640 : i32
    %mul3A_66 = arith.muli %arg1, %mul3A_65 : i32
    %run_scoped3A_67 = arith.constant 5 : i32
    "tpu.region"() ({
      %run_scoped3A_166 = tpu.sem_alloc : memref<!tpu.dma_semaphore, #tpu.memory_space<semaphore_mem>>
      %dma_start3A = arith.constant 0 : i32
      %dma_start3A_167 = tpu.memref_slice %arg8[%run_scoped3A_67, %dma_start3A] : memref<16x10240xf32, #tpu.memory_space<vmem_shared>> -> memref<1x10240xf32, #tpu.memory_space<vmem_shared>>
      %dma_start3A_168 = tpu.memref_squeeze %dma_start3A_167 : memref<1x10240xf32, #tpu.memory_space<vmem_shared>> -> memref<10240xf32, #tpu.memory_space<vmem_shared>>
      %dma_start3A_169 = tpu.memref_slice %dma_start3A_168[%mul3A_66] : memref<10240xf32, #tpu.memory_space<vmem_shared>> -> memref<640xf32, #tpu.memory_space<vmem_shared>>
      %dma_start3A_170 = arith.constant 0 : i32
      %dma_start3A_171 = tpu.memref_slice %arg8[%run_scoped3A_67, %dma_start3A_170] : memref<16x10240xf32, #tpu.memory_space<vmem_shared>> -> memref<1x10240xf32, #tpu.memory_space<vmem_shared>>
      %dma_start3A_172 = tpu.memref_squeeze %dma_start3A_171 : memref<1x10240xf32, #tpu.memory_space<vmem_shared>> -> memref<10240xf32, #tpu.memory_space<vmem_shared>>
      %dma_start3A_173 = tpu.memref_slice %dma_start3A_172[%mul3A_66] : memref<10240xf32, #tpu.memory_space<vmem_shared>> -> memref<640xf32, #tpu.memory_space<vmem_shared>>
      tpu.enqueue_dma source(%dma_start3A_173 : memref<640xf32, #tpu.memory_space<vmem_shared>>) target(%arg6 : memref<640xf32, #tpu.memory_space<vmem>>) target_semaphore(%run_scoped3A_166 : memref<!tpu.dma_semaphore, #tpu.memory_space<semaphore_mem>>)
      %dma_wait3A = arith.constant 0 : i32
      %dma_wait3A_174 = tpu.memref_slice %arg8[%run_scoped3A_67, %dma_wait3A] : memref<16x10240xf32, #tpu.memory_space<vmem_shared>> -> memref<1x10240xf32, #tpu.memory_space<vmem_shared>>
      %dma_wait3A_175 = tpu.memref_squeeze %dma_wait3A_174 : memref<1x10240xf32, #tpu.memory_space<vmem_shared>> -> memref<10240xf32, #tpu.memory_space<vmem_shared>>
      %dma_wait3A_176 = tpu.memref_slice %dma_wait3A_175[%mul3A_66] : memref<10240xf32, #tpu.memory_space<vmem_shared>> -> memref<640xf32, #tpu.memory_space<vmem_shared>>
      %dma_wait3A_177 = arith.constant 0 : i32
      %dma_wait3A_178 = tpu.memref_slice %arg8[%run_scoped3A_67, %dma_wait3A_177] : memref<16x10240xf32, #tpu.memory_space<vmem_shared>> -> memref<1x10240xf32, #tpu.memory_space<vmem_shared>>
      %dma_wait3A_179 = tpu.memref_squeeze %dma_wait3A_178 : memref<1x10240xf32, #tpu.memory_space<vmem_shared>> -> memref<10240xf32, #tpu.memory_space<vmem_shared>>
      %dma_wait3A_180 = tpu.memref_slice %dma_wait3A_179[%mul3A_66] : memref<10240xf32, #tpu.memory_space<vmem_shared>> -> memref<640xf32, #tpu.memory_space<vmem_shared>>
      tpu.wait_dma2 semaphore(%run_scoped3A_166 : memref<!tpu.dma_semaphore, #tpu.memory_space<semaphore_mem>>) src(%dma_wait3A_180 : memref<640xf32, #tpu.memory_space<vmem_shared>>) dst(%arg6 : memref<640xf32, #tpu.memory_space<vmem>>)
      tpu.yield
    }) : () -> ()
    %scan3A_68 = arith.constant 0 : i32
    %scan3A_69 = arith.constant 0 : i32
    %scan3A_70 = arith.constant 40 : i32
    %scan3A_71 = arith.addi %scan3A_69, %scan3A_70 : i32
    %scan3A_72 = arith.constant 1 : i32
    scf.for %scan3A_166 = %scan3A_69 to %scan3A_71 step %scan3A_72  : i32 {
      %mul3A_167 = arith.constant 16 : i32
      %mul3A_168 = arith.muli %scan3A_166, %mul3A_167 : i32
      %get3A = arith.index_cast %mul3A_168 : i32 to index
      %get3A_169 = tpu.vector_load %arg7[%get3A] {strides = array<i32>} : memref<640xf32, #tpu.memory_space<vmem>>, vector<16xf32>,
      %get3A_170 = arith.index_cast %mul3A_168 : i32 to index
      %get3A_171 = tpu.vector_load %arg6[%get3A_170] {strides = array<i32>} : memref<640xf32, #tpu.memory_space<vmem>>, vector<16xf32>,
      %add3A_172 = arith.addf %get3A_169, %get3A_171 : vector<16xf32>
      %swap3A = arith.index_cast %mul3A_168 : i32 to index
      %swap3A_173 = tpu.vector_load %arg7[%swap3A] {strides = array<i32>} : memref<640xf32, #tpu.memory_space<vmem>>, vector<16xf32>,
      tpu.vector_store %arg7[%swap3A], %add3A_172 {strides = array<i32>} : memref<640xf32, #tpu.memory_space<vmem>>, vector<16xf32>,
    }
    %scan3A_73 = arith.constant 40 : i32
    %mul3A_74 = arith.constant 640 : i32
    %mul3A_75 = arith.muli %arg1, %mul3A_74 : i32
    %run_scoped3A_76 = arith.constant 6 : i32
    "tpu.region"() ({
      %run_scoped3A_166 = tpu.sem_alloc : memref<!tpu.dma_semaphore, #tpu.memory_space<semaphore_mem>>
      %dma_start3A = arith.constant 0 : i32
      %dma_start3A_167 = tpu.memref_slice %arg8[%run_scoped3A_76, %dma_start3A] : memref<16x10240xf32, #tpu.memory_space<vmem_shared>> -> memref<1x10240xf32, #tpu.memory_space<vmem_shared>>
      %dma_start3A_168 = tpu.memref_squeeze %dma_start3A_167 : memref<1x10240xf32, #tpu.memory_space<vmem_shared>> -> memref<10240xf32, #tpu.memory_space<vmem_shared>>
      %dma_start3A_169 = tpu.memref_slice %dma_start3A_168[%mul3A_75] : memref<10240xf32, #tpu.memory_space<vmem_shared>> -> memref<640xf32, #tpu.memory_space<vmem_shared>>
      %dma_start3A_170 = arith.constant 0 : i32
      %dma_start3A_171 = tpu.memref_slice %arg8[%run_scoped3A_76, %dma_start3A_170] : memref<16x10240xf32, #tpu.memory_space<vmem_shared>> -> memref<1x10240xf32, #tpu.memory_space<vmem_shared>>
      %dma_start3A_172 = tpu.memref_squeeze %dma_start3A_171 : memref<1x10240xf32, #tpu.memory_space<vmem_shared>> -> memref<10240xf32, #tpu.memory_space<vmem_shared>>
      %dma_start3A_173 = tpu.memref_slice %dma_start3A_172[%mul3A_75] : memref<10240xf32, #tpu.memory_space<vmem_shared>> -> memref<640xf32, #tpu.memory_space<vmem_shared>>
      tpu.enqueue_dma source(%dma_start3A_173 : memref<640xf32, #tpu.memory_space<vmem_shared>>) target(%arg6 : memref<640xf32, #tpu.memory_space<vmem>>) target_semaphore(%run_scoped3A_166 : memref<!tpu.dma_semaphore, #tpu.memory_space<semaphore_mem>>)
      %dma_wait3A = arith.constant 0 : i32
      %dma_wait3A_174 = tpu.memref_slice %arg8[%run_scoped3A_76, %dma_wait3A] : memref<16x10240xf32, #tpu.memory_space<vmem_shared>> -> memref<1x10240xf32, #tpu.memory_space<vmem_shared>>
      %dma_wait3A_175 = tpu.memref_squeeze %dma_wait3A_174 : memref<1x10240xf32, #tpu.memory_space<vmem_shared>> -> memref<10240xf32, #tpu.memory_space<vmem_shared>>
      %dma_wait3A_176 = tpu.memref_slice %dma_wait3A_175[%mul3A_75] : memref<10240xf32, #tpu.memory_space<vmem_shared>> -> memref<640xf32, #tpu.memory_space<vmem_shared>>
      %dma_wait3A_177 = arith.constant 0 : i32
      %dma_wait3A_178 = tpu.memref_slice %arg8[%run_scoped3A_76, %dma_wait3A_177] : memref<16x10240xf32, #tpu.memory_space<vmem_shared>> -> memref<1x10240xf32, #tpu.memory_space<vmem_shared>>
      %dma_wait3A_179 = tpu.memref_squeeze %dma_wait3A_178 : memref<1x10240xf32, #tpu.memory_space<vmem_shared>> -> memref<10240xf32, #tpu.memory_space<vmem_shared>>
      %dma_wait3A_180 = tpu.memref_slice %dma_wait3A_179[%mul3A_75] : memref<10240xf32, #tpu.memory_space<vmem_shared>> -> memref<640xf32, #tpu.memory_space<vmem_shared>>
      tpu.wait_dma2 semaphore(%run_scoped3A_166 : memref<!tpu.dma_semaphore, #tpu.memory_space<semaphore_mem>>) src(%dma_wait3A_180 : memref<640xf32, #tpu.memory_space<vmem_shared>>) dst(%arg6 : memref<640xf32, #tpu.memory_space<vmem>>)
      tpu.yield
    }) : () -> ()
    %scan3A_77 = arith.constant 0 : i32
    %scan3A_78 = arith.constant 0 : i32
    %scan3A_79 = arith.constant 40 : i32
    %scan3A_80 = arith.addi %scan3A_78, %scan3A_79 : i32
    %scan3A_81 = arith.constant 1 : i32
    scf.for %scan3A_166 = %scan3A_78 to %scan3A_80 step %scan3A_81  : i32 {
      %mul3A_167 = arith.constant 16 : i32
      %mul3A_168 = arith.muli %scan3A_166, %mul3A_167 : i32
      %get3A = arith.index_cast %mul3A_168 : i32 to index
      %get3A_169 = tpu.vector_load %arg7[%get3A] {strides = array<i32>} : memref<640xf32, #tpu.memory_space<vmem>>, vector<16xf32>,
      %get3A_170 = arith.index_cast %mul3A_168 : i32 to index
      %get3A_171 = tpu.vector_load %arg6[%get3A_170] {strides = array<i32>} : memref<640xf32, #tpu.memory_space<vmem>>, vector<16xf32>,
      %add3A_172 = arith.addf %get3A_169, %get3A_171 : vector<16xf32>
      %swap3A = arith.index_cast %mul3A_168 : i32 to index
      %swap3A_173 = tpu.vector_load %arg7[%swap3A] {strides = array<i32>} : memref<640xf32, #tpu.memory_space<vmem>>, vector<16xf32>,
      tpu.vector_store %arg7[%swap3A], %add3A_172 {strides = array<i32>} : memref<640xf32, #tpu.memory_space<vmem>>, vector<16xf32>,
    }
    %scan3A_82 = arith.constant 40 : i32
    %mul3A_83 = arith.constant 640 : i32
    %mul3A_84 = arith.muli %arg1, %mul3A_83 : i32
    %run_scoped3A_85 = arith.constant 7 : i32
    "tpu.region"() ({
      %run_scoped3A_166 = tpu.sem_alloc : memref<!tpu.dma_semaphore, #tpu.memory_space<semaphore_mem>>
      %dma_start3A = arith.constant 0 : i32
      %dma_start3A_167 = tpu.memref_slice %arg8[%run_scoped3A_85, %dma_start3A] : memref<16x10240xf32, #tpu.memory_space<vmem_shared>> -> memref<1x10240xf32, #tpu.memory_space<vmem_shared>>
      %dma_start3A_168 = tpu.memref_squeeze %dma_start3A_167 : memref<1x10240xf32, #tpu.memory_space<vmem_shared>> -> memref<10240xf32, #tpu.memory_space<vmem_shared>>
      %dma_start3A_169 = tpu.memref_slice %dma_start3A_168[%mul3A_84] : memref<10240xf32, #tpu.memory_space<vmem_shared>> -> memref<640xf32, #tpu.memory_space<vmem_shared>>
      %dma_start3A_170 = arith.constant 0 : i32
      %dma_start3A_171 = tpu.memref_slice %arg8[%run_scoped3A_85, %dma_start3A_170] : memref<16x10240xf32, #tpu.memory_space<vmem_shared>> -> memref<1x10240xf32, #tpu.memory_space<vmem_shared>>
      %dma_start3A_172 = tpu.memref_squeeze %dma_start3A_171 : memref<1x10240xf32, #tpu.memory_space<vmem_shared>> -> memref<10240xf32, #tpu.memory_space<vmem_shared>>
      %dma_start3A_173 = tpu.memref_slice %dma_start3A_172[%mul3A_84] : memref<10240xf32, #tpu.memory_space<vmem_shared>> -> memref<640xf32, #tpu.memory_space<vmem_shared>>
      tpu.enqueue_dma source(%dma_start3A_173 : memref<640xf32, #tpu.memory_space<vmem_shared>>) target(%arg6 : memref<640xf32, #tpu.memory_space<vmem>>) target_semaphore(%run_scoped3A_166 : memref<!tpu.dma_semaphore, #tpu.memory_space<semaphore_mem>>)
      %dma_wait3A = arith.constant 0 : i32
      %dma_wait3A_174 = tpu.memref_slice %arg8[%run_scoped3A_85, %dma_wait3A] : memref<16x10240xf32, #tpu.memory_space<vmem_shared>> -> memref<1x10240xf32, #tpu.memory_space<vmem_shared>>
      %dma_wait3A_175 = tpu.memref_squeeze %dma_wait3A_174 : memref<1x10240xf32, #tpu.memory_space<vmem_shared>> -> memref<10240xf32, #tpu.memory_space<vmem_shared>>
      %dma_wait3A_176 = tpu.memref_slice %dma_wait3A_175[%mul3A_84] : memref<10240xf32, #tpu.memory_space<vmem_shared>> -> memref<640xf32, #tpu.memory_space<vmem_shared>>
      %dma_wait3A_177 = arith.constant 0 : i32
      %dma_wait3A_178 = tpu.memref_slice %arg8[%run_scoped3A_85, %dma_wait3A_177] : memref<16x10240xf32, #tpu.memory_space<vmem_shared>> -> memref<1x10240xf32, #tpu.memory_space<vmem_shared>>
      %dma_wait3A_179 = tpu.memref_squeeze %dma_wait3A_178 : memref<1x10240xf32, #tpu.memory_space<vmem_shared>> -> memref<10240xf32, #tpu.memory_space<vmem_shared>>
      %dma_wait3A_180 = tpu.memref_slice %dma_wait3A_179[%mul3A_84] : memref<10240xf32, #tpu.memory_space<vmem_shared>> -> memref<640xf32, #tpu.memory_space<vmem_shared>>
      tpu.wait_dma2 semaphore(%run_scoped3A_166 : memref<!tpu.dma_semaphore, #tpu.memory_space<semaphore_mem>>) src(%dma_wait3A_180 : memref<640xf32, #tpu.memory_space<vmem_shared>>) dst(%arg6 : memref<640xf32, #tpu.memory_space<vmem>>)
      tpu.yield
    }) : () -> ()
    %scan3A_86 = arith.constant 0 : i32
    %scan3A_87 = arith.constant 0 : i32
    %scan3A_88 = arith.constant 40 : i32
    %scan3A_89 = arith.addi %scan3A_87, %scan3A_88 : i32
    %scan3A_90 = arith.constant 1 : i32
    scf.for %scan3A_166 = %scan3A_87 to %scan3A_89 step %scan3A_90  : i32 {
      %mul3A_167 = arith.constant 16 : i32
      %mul3A_168 = arith.muli %scan3A_166, %mul3A_167 : i32
      %get3A = arith.index_cast %mul3A_168 : i32 to index
      %get3A_169 = tpu.vector_load %arg7[%get3A] {strides = array<i32>} : memref<640xf32, #tpu.memory_space<vmem>>, vector<16xf32>,
      %get3A_170 = arith.index_cast %mul3A_168 : i32 to index
      %get3A_171 = tpu.vector_load %arg6[%get3A_170] {strides = array<i32>} : memref<640xf32, #tpu.memory_space<vmem>>, vector<16xf32>,
      %add3A_172 = arith.addf %get3A_169, %get3A_171 : vector<16xf32>
      %swap3A = arith.index_cast %mul3A_168 : i32 to index
      %swap3A_173 = tpu.vector_load %arg7[%swap3A] {strides = array<i32>} : memref<640xf32, #tpu.memory_space<vmem>>, vector<16xf32>,
      tpu.vector_store %arg7[%swap3A], %add3A_172 {strides = array<i32>} : memref<640xf32, #tpu.memory_space<vmem>>, vector<16xf32>,
    }
    %scan3A_91 = arith.constant 40 : i32
    %mul3A_92 = arith.constant 640 : i32
    %mul3A_93 = arith.muli %arg1, %mul3A_92 : i32
    %run_scoped3A_94 = arith.constant 8 : i32
    "tpu.region"() ({
      %run_scoped3A_166 = tpu.sem_alloc : memref<!tpu.dma_semaphore, #tpu.memory_space<semaphore_mem>>
      %dma_start3A = arith.constant 0 : i32
      %dma_start3A_167 = tpu.memref_slice %arg8[%run_scoped3A_94, %dma_start3A] : memref<16x10240xf32, #tpu.memory_space<vmem_shared>> -> memref<1x10240xf32, #tpu.memory_space<vmem_shared>>
      %dma_start3A_168 = tpu.memref_squeeze %dma_start3A_167 : memref<1x10240xf32, #tpu.memory_space<vmem_shared>> -> memref<10240xf32, #tpu.memory_space<vmem_shared>>
      %dma_start3A_169 = tpu.memref_slice %dma_start3A_168[%mul3A_93] : memref<10240xf32, #tpu.memory_space<vmem_shared>> -> memref<640xf32, #tpu.memory_space<vmem_shared>>
      %dma_start3A_170 = arith.constant 0 : i32
      %dma_start3A_171 = tpu.memref_slice %arg8[%run_scoped3A_94, %dma_start3A_170] : memref<16x10240xf32, #tpu.memory_space<vmem_shared>> -> memref<1x10240xf32, #tpu.memory_space<vmem_shared>>
      %dma_start3A_172 = tpu.memref_squeeze %dma_start3A_171 : memref<1x10240xf32, #tpu.memory_space<vmem_shared>> -> memref<10240xf32, #tpu.memory_space<vmem_shared>>
      %dma_start3A_173 = tpu.memref_slice %dma_start3A_172[%mul3A_93] : memref<10240xf32, #tpu.memory_space<vmem_shared>> -> memref<640xf32, #tpu.memory_space<vmem_shared>>
      tpu.enqueue_dma source(%dma_start3A_173 : memref<640xf32, #tpu.memory_space<vmem_shared>>) target(%arg6 : memref<640xf32, #tpu.memory_space<vmem>>) target_semaphore(%run_scoped3A_166 : memref<!tpu.dma_semaphore, #tpu.memory_space<semaphore_mem>>)
      %dma_wait3A = arith.constant 0 : i32
      %dma_wait3A_174 = tpu.memref_slice %arg8[%run_scoped3A_94, %dma_wait3A] : memref<16x10240xf32, #tpu.memory_space<vmem_shared>> -> memref<1x10240xf32, #tpu.memory_space<vmem_shared>>
      %dma_wait3A_175 = tpu.memref_squeeze %dma_wait3A_174 : memref<1x10240xf32, #tpu.memory_space<vmem_shared>> -> memref<10240xf32, #tpu.memory_space<vmem_shared>>
      %dma_wait3A_176 = tpu.memref_slice %dma_wait3A_175[%mul3A_93] : memref<10240xf32, #tpu.memory_space<vmem_shared>> -> memref<640xf32, #tpu.memory_space<vmem_shared>>
      %dma_wait3A_177 = arith.constant 0 : i32
      %dma_wait3A_178 = tpu.memref_slice %arg8[%run_scoped3A_94, %dma_wait3A_177] : memref<16x10240xf32, #tpu.memory_space<vmem_shared>> -> memref<1x10240xf32, #tpu.memory_space<vmem_shared>>
      %dma_wait3A_179 = tpu.memref_squeeze %dma_wait3A_178 : memref<1x10240xf32, #tpu.memory_space<vmem_shared>> -> memref<10240xf32, #tpu.memory_space<vmem_shared>>
      %dma_wait3A_180 = tpu.memref_slice %dma_wait3A_179[%mul3A_93] : memref<10240xf32, #tpu.memory_space<vmem_shared>> -> memref<640xf32, #tpu.memory_space<vmem_shared>>
      tpu.wait_dma2 semaphore(%run_scoped3A_166 : memref<!tpu.dma_semaphore, #tpu.memory_space<semaphore_mem>>) src(%dma_wait3A_180 : memref<640xf32, #tpu.memory_space<vmem_shared>>) dst(%arg6 : memref<640xf32, #tpu.memory_space<vmem>>)
      tpu.yield
    }) : () -> ()
    %scan3A_95 = arith.constant 0 : i32
    %scan3A_96 = arith.constant 0 : i32
    %scan3A_97 = arith.constant 40 : i32
    %scan3A_98 = arith.addi %scan3A_96, %scan3A_97 : i32
    %scan3A_99 = arith.constant 1 : i32
    scf.for %scan3A_166 = %scan3A_96 to %scan3A_98 step %scan3A_99  : i32 {
      %mul3A_167 = arith.constant 16 : i32
      %mul3A_168 = arith.muli %scan3A_166, %mul3A_167 : i32
      %get3A = arith.index_cast %mul3A_168 : i32 to index
      %get3A_169 = tpu.vector_load %arg7[%get3A] {strides = array<i32>} : memref<640xf32, #tpu.memory_space<vmem>>, vector<16xf32>,
      %get3A_170 = arith.index_cast %mul3A_168 : i32 to index
      %get3A_171 = tpu.vector_load %arg6[%get3A_170] {strides = array<i32>} : memref<640xf32, #tpu.memory_space<vmem>>, vector<16xf32>,
      %add3A_172 = arith.addf %get3A_169, %get3A_171 : vector<16xf32>
      %swap3A = arith.index_cast %mul3A_168 : i32 to index
      %swap3A_173 = tpu.vector_load %arg7[%swap3A] {strides = array<i32>} : memref<640xf32, #tpu.memory_space<vmem>>, vector<16xf32>,
      tpu.vector_store %arg7[%swap3A], %add3A_172 {strides = array<i32>} : memref<640xf32, #tpu.memory_space<vmem>>, vector<16xf32>,
    }
    %scan3A_100 = arith.constant 40 : i32
    %mul3A_101 = arith.constant 640 : i32
    %mul3A_102 = arith.muli %arg1, %mul3A_101 : i32
    %run_scoped3A_103 = arith.constant 9 : i32
    "tpu.region"() ({
      %run_scoped3A_166 = tpu.sem_alloc : memref<!tpu.dma_semaphore, #tpu.memory_space<semaphore_mem>>
      %dma_start3A = arith.constant 0 : i32
      %dma_start3A_167 = tpu.memref_slice %arg8[%run_scoped3A_103, %dma_start3A] : memref<16x10240xf32, #tpu.memory_space<vmem_shared>> -> memref<1x10240xf32, #tpu.memory_space<vmem_shared>>
      %dma_start3A_168 = tpu.memref_squeeze %dma_start3A_167 : memref<1x10240xf32, #tpu.memory_space<vmem_shared>> -> memref<10240xf32, #tpu.memory_space<vmem_shared>>
      %dma_start3A_169 = tpu.memref_slice %dma_start3A_168[%mul3A_102] : memref<10240xf32, #tpu.memory_space<vmem_shared>> -> memref<640xf32, #tpu.memory_space<vmem_shared>>
      %dma_start3A_170 = arith.constant 0 : i32
      %dma_start3A_171 = tpu.memref_slice %arg8[%run_scoped3A_103, %dma_start3A_170] : memref<16x10240xf32, #tpu.memory_space<vmem_shared>> -> memref<1x10240xf32, #tpu.memory_space<vmem_shared>>
      %dma_start3A_172 = tpu.memref_squeeze %dma_start3A_171 : memref<1x10240xf32, #tpu.memory_space<vmem_shared>> -> memref<10240xf32, #tpu.memory_space<vmem_shared>>
      %dma_start3A_173 = tpu.memref_slice %dma_start3A_172[%mul3A_102] : memref<10240xf32, #tpu.memory_space<vmem_shared>> -> memref<640xf32, #tpu.memory_space<vmem_shared>>
      tpu.enqueue_dma source(%dma_start3A_173 : memref<640xf32, #tpu.memory_space<vmem_shared>>) target(%arg6 : memref<640xf32, #tpu.memory_space<vmem>>) target_semaphore(%run_scoped3A_166 : memref<!tpu.dma_semaphore, #tpu.memory_space<semaphore_mem>>)
      %dma_wait3A = arith.constant 0 : i32
      %dma_wait3A_174 = tpu.memref_slice %arg8[%run_scoped3A_103, %dma_wait3A] : memref<16x10240xf32, #tpu.memory_space<vmem_shared>> -> memref<1x10240xf32, #tpu.memory_space<vmem_shared>>
      %dma_wait3A_175 = tpu.memref_squeeze %dma_wait3A_174 : memref<1x10240xf32, #tpu.memory_space<vmem_shared>> -> memref<10240xf32, #tpu.memory_space<vmem_shared>>
      %dma_wait3A_176 = tpu.memref_slice %dma_wait3A_175[%mul3A_102] : memref<10240xf32, #tpu.memory_space<vmem_shared>> -> memref<640xf32, #tpu.memory_space<vmem_shared>>
      %dma_wait3A_177 = arith.constant 0 : i32
      %dma_wait3A_178 = tpu.memref_slice %arg8[%run_scoped3A_103, %dma_wait3A_177] : memref<16x10240xf32, #tpu.memory_space<vmem_shared>> -> memref<1x10240xf32, #tpu.memory_space<vmem_shared>>
      %dma_wait3A_179 = tpu.memref_squeeze %dma_wait3A_178 : memref<1x10240xf32, #tpu.memory_space<vmem_shared>> -> memref<10240xf32, #tpu.memory_space<vmem_shared>>
      %dma_wait3A_180 = tpu.memref_slice %dma_wait3A_179[%mul3A_102] : memref<10240xf32, #tpu.memory_space<vmem_shared>> -> memref<640xf32, #tpu.memory_space<vmem_shared>>
      tpu.wait_dma2 semaphore(%run_scoped3A_166 : memref<!tpu.dma_semaphore, #tpu.memory_space<semaphore_mem>>) src(%dma_wait3A_180 : memref<640xf32, #tpu.memory_space<vmem_shared>>) dst(%arg6 : memref<640xf32, #tpu.memory_space<vmem>>)
      tpu.yield
    }) : () -> ()
    %scan3A_104 = arith.constant 0 : i32
    %scan3A_105 = arith.constant 0 : i32
    %scan3A_106 = arith.constant 40 : i32
    %scan3A_107 = arith.addi %scan3A_105, %scan3A_106 : i32
    %scan3A_108 = arith.constant 1 : i32
    scf.for %scan3A_166 = %scan3A_105 to %scan3A_107 step %scan3A_108  : i32 {
      %mul3A_167 = arith.constant 16 : i32
      %mul3A_168 = arith.muli %scan3A_166, %mul3A_167 : i32
      %get3A = arith.index_cast %mul3A_168 : i32 to index
      %get3A_169 = tpu.vector_load %arg7[%get3A] {strides = array<i32>} : memref<640xf32, #tpu.memory_space<vmem>>, vector<16xf32>,
      %get3A_170 = arith.index_cast %mul3A_168 : i32 to index
      %get3A_171 = tpu.vector_load %arg6[%get3A_170] {strides = array<i32>} : memref<640xf32, #tpu.memory_space<vmem>>, vector<16xf32>,
      %add3A_172 = arith.addf %get3A_169, %get3A_171 : vector<16xf32>
      %swap3A = arith.index_cast %mul3A_168 : i32 to index
      %swap3A_173 = tpu.vector_load %arg7[%swap3A] {strides = array<i32>} : memref<640xf32, #tpu.memory_space<vmem>>, vector<16xf32>,
      tpu.vector_store %arg7[%swap3A], %add3A_172 {strides = array<i32>} : memref<640xf32, #tpu.memory_space<vmem>>, vector<16xf32>,
    }
    %scan3A_109 = arith.constant 40 : i32
    %mul3A_110 = arith.constant 640 : i32
    %mul3A_111 = arith.muli %arg1, %mul3A_110 : i32
    %run_scoped3A_112 = arith.constant 10 : i32
    "tpu.region"() ({
      %run_scoped3A_166 = tpu.sem_alloc : memref<!tpu.dma_semaphore, #tpu.memory_space<semaphore_mem>>
      %dma_start3A = arith.constant 0 : i32
      %dma_start3A_167 = tpu.memref_slice %arg8[%run_scoped3A_112, %dma_start3A] : memref<16x10240xf32, #tpu.memory_space<vmem_shared>> -> memref<1x10240xf32, #tpu.memory_space<vmem_shared>>
      %dma_start3A_168 = tpu.memref_squeeze %dma_start3A_167 : memref<1x10240xf32, #tpu.memory_space<vmem_shared>> -> memref<10240xf32, #tpu.memory_space<vmem_shared>>
      %dma_start3A_169 = tpu.memref_slice %dma_start3A_168[%mul3A_111] : memref<10240xf32, #tpu.memory_space<vmem_shared>> -> memref<640xf32, #tpu.memory_space<vmem_shared>>
      %dma_start3A_170 = arith.constant 0 : i32
      %dma_start3A_171 = tpu.memref_slice %arg8[%run_scoped3A_112, %dma_start3A_170] : memref<16x10240xf32, #tpu.memory_space<vmem_shared>> -> memref<1x10240xf32, #tpu.memory_space<vmem_shared>>
      %dma_start3A_172 = tpu.memref_squeeze %dma_start3A_171 : memref<1x10240xf32, #tpu.memory_space<vmem_shared>> -> memref<10240xf32, #tpu.memory_space<vmem_shared>>
      %dma_start3A_173 = tpu.memref_slice %dma_start3A_172[%mul3A_111] : memref<10240xf32, #tpu.memory_space<vmem_shared>> -> memref<640xf32, #tpu.memory_space<vmem_shared>>
      tpu.enqueue_dma source(%dma_start3A_173 : memref<640xf32, #tpu.memory_space<vmem_shared>>) target(%arg6 : memref<640xf32, #tpu.memory_space<vmem>>) target_semaphore(%run_scoped3A_166 : memref<!tpu.dma_semaphore, #tpu.memory_space<semaphore_mem>>)
      %dma_wait3A = arith.constant 0 : i32
      %dma_wait3A_174 = tpu.memref_slice %arg8[%run_scoped3A_112, %dma_wait3A] : memref<16x10240xf32, #tpu.memory_space<vmem_shared>> -> memref<1x10240xf32, #tpu.memory_space<vmem_shared>>
      %dma_wait3A_175 = tpu.memref_squeeze %dma_wait3A_174 : memref<1x10240xf32, #tpu.memory_space<vmem_shared>> -> memref<10240xf32, #tpu.memory_space<vmem_shared>>
      %dma_wait3A_176 = tpu.memref_slice %dma_wait3A_175[%mul3A_111] : memref<10240xf32, #tpu.memory_space<vmem_shared>> -> memref<640xf32, #tpu.memory_space<vmem_shared>>
      %dma_wait3A_177 = arith.constant 0 : i32
      %dma_wait3A_178 = tpu.memref_slice %arg8[%run_scoped3A_112, %dma_wait3A_177] : memref<16x10240xf32, #tpu.memory_space<vmem_shared>> -> memref<1x10240xf32, #tpu.memory_space<vmem_shared>>
      %dma_wait3A_179 = tpu.memref_squeeze %dma_wait3A_178 : memref<1x10240xf32, #tpu.memory_space<vmem_shared>> -> memref<10240xf32, #tpu.memory_space<vmem_shared>>
      %dma_wait3A_180 = tpu.memref_slice %dma_wait3A_179[%mul3A_111] : memref<10240xf32, #tpu.memory_space<vmem_shared>> -> memref<640xf32, #tpu.memory_space<vmem_shared>>
      tpu.wait_dma2 semaphore(%run_scoped3A_166 : memref<!tpu.dma_semaphore, #tpu.memory_space<semaphore_mem>>) src(%dma_wait3A_180 : memref<640xf32, #tpu.memory_space<vmem_shared>>) dst(%arg6 : memref<640xf32, #tpu.memory_space<vmem>>)
      tpu.yield
    }) : () -> ()
    %scan3A_113 = arith.constant 0 : i32
    %scan3A_114 = arith.constant 0 : i32
    %scan3A_115 = arith.constant 40 : i32
    %scan3A_116 = arith.addi %scan3A_114, %scan3A_115 : i32
    %scan3A_117 = arith.constant 1 : i32
    scf.for %scan3A_166 = %scan3A_114 to %scan3A_116 step %scan3A_117  : i32 {
      %mul3A_167 = arith.constant 16 : i32
      %mul3A_168 = arith.muli %scan3A_166, %mul3A_167 : i32
      %get3A = arith.index_cast %mul3A_168 : i32 to index
      %get3A_169 = tpu.vector_load %arg7[%get3A] {strides = array<i32>} : memref<640xf32, #tpu.memory_space<vmem>>, vector<16xf32>,
      %get3A_170 = arith.index_cast %mul3A_168 : i32 to index
      %get3A_171 = tpu.vector_load %arg6[%get3A_170] {strides = array<i32>} : memref<640xf32, #tpu.memory_space<vmem>>, vector<16xf32>,
      %add3A_172 = arith.addf %get3A_169, %get3A_171 : vector<16xf32>
      %swap3A = arith.index_cast %mul3A_168 : i32 to index
      %swap3A_173 = tpu.vector_load %arg7[%swap3A] {strides = array<i32>} : memref<640xf32, #tpu.memory_space<vmem>>, vector<16xf32>,
      tpu.vector_store %arg7[%swap3A], %add3A_172 {strides = array<i32>} : memref<640xf32, #tpu.memory_space<vmem>>, vector<16xf32>,
    }
    %scan3A_118 = arith.constant 40 : i32
    %mul3A_119 = arith.constant 640 : i32
    %mul3A_120 = arith.muli %arg1, %mul3A_119 : i32
    %run_scoped3A_121 = arith.constant 11 : i32
    "tpu.region"() ({
      %run_scoped3A_166 = tpu.sem_alloc : memref<!tpu.dma_semaphore, #tpu.memory_space<semaphore_mem>>
      %dma_start3A = arith.constant 0 : i32
      %dma_start3A_167 = tpu.memref_slice %arg8[%run_scoped3A_121, %dma_start3A] : memref<16x10240xf32, #tpu.memory_space<vmem_shared>> -> memref<1x10240xf32, #tpu.memory_space<vmem_shared>>
      %dma_start3A_168 = tpu.memref_squeeze %dma_start3A_167 : memref<1x10240xf32, #tpu.memory_space<vmem_shared>> -> memref<10240xf32, #tpu.memory_space<vmem_shared>>
      %dma_start3A_169 = tpu.memref_slice %dma_start3A_168[%mul3A_120] : memref<10240xf32, #tpu.memory_space<vmem_shared>> -> memref<640xf32, #tpu.memory_space<vmem_shared>>
      %dma_start3A_170 = arith.constant 0 : i32
      %dma_start3A_171 = tpu.memref_slice %arg8[%run_scoped3A_121, %dma_start3A_170] : memref<16x10240xf32, #tpu.memory_space<vmem_shared>> -> memref<1x10240xf32, #tpu.memory_space<vmem_shared>>
      %dma_start3A_172 = tpu.memref_squeeze %dma_start3A_171 : memref<1x10240xf32, #tpu.memory_space<vmem_shared>> -> memref<10240xf32, #tpu.memory_space<vmem_shared>>
      %dma_start3A_173 = tpu.memref_slice %dma_start3A_172[%mul3A_120] : memref<10240xf32, #tpu.memory_space<vmem_shared>> -> memref<640xf32, #tpu.memory_space<vmem_shared>>
      tpu.enqueue_dma source(%dma_start3A_173 : memref<640xf32, #tpu.memory_space<vmem_shared>>) target(%arg6 : memref<640xf32, #tpu.memory_space<vmem>>) target_semaphore(%run_scoped3A_166 : memref<!tpu.dma_semaphore, #tpu.memory_space<semaphore_mem>>)
      %dma_wait3A = arith.constant 0 : i32
      %dma_wait3A_174 = tpu.memref_slice %arg8[%run_scoped3A_121, %dma_wait3A] : memref<16x10240xf32, #tpu.memory_space<vmem_shared>> -> memref<1x10240xf32, #tpu.memory_space<vmem_shared>>
      %dma_wait3A_175 = tpu.memref_squeeze %dma_wait3A_174 : memref<1x10240xf32, #tpu.memory_space<vmem_shared>> -> memref<10240xf32, #tpu.memory_space<vmem_shared>>
      %dma_wait3A_176 = tpu.memref_slice %dma_wait3A_175[%mul3A_120] : memref<10240xf32, #tpu.memory_space<vmem_shared>> -> memref<640xf32, #tpu.memory_space<vmem_shared>>
      %dma_wait3A_177 = arith.constant 0 : i32
      %dma_wait3A_178 = tpu.memref_slice %arg8[%run_scoped3A_121, %dma_wait3A_177] : memref<16x10240xf32, #tpu.memory_space<vmem_shared>> -> memref<1x10240xf32, #tpu.memory_space<vmem_shared>>
      %dma_wait3A_179 = tpu.memref_squeeze %dma_wait3A_178 : memref<1x10240xf32, #tpu.memory_space<vmem_shared>> -> memref<10240xf32, #tpu.memory_space<vmem_shared>>
      %dma_wait3A_180 = tpu.memref_slice %dma_wait3A_179[%mul3A_120] : memref<10240xf32, #tpu.memory_space<vmem_shared>> -> memref<640xf32, #tpu.memory_space<vmem_shared>>
      tpu.wait_dma2 semaphore(%run_scoped3A_166 : memref<!tpu.dma_semaphore, #tpu.memory_space<semaphore_mem>>) src(%dma_wait3A_180 : memref<640xf32, #tpu.memory_space<vmem_shared>>) dst(%arg6 : memref<640xf32, #tpu.memory_space<vmem>>)
      tpu.yield
    }) : () -> ()
    %scan3A_122 = arith.constant 0 : i32
    %scan3A_123 = arith.constant 0 : i32
    %scan3A_124 = arith.constant 40 : i32
    %scan3A_125 = arith.addi %scan3A_123, %scan3A_124 : i32
    %scan3A_126 = arith.constant 1 : i32
    scf.for %scan3A_166 = %scan3A_123 to %scan3A_125 step %scan3A_126  : i32 {
      %mul3A_167 = arith.constant 16 : i32
      %mul3A_168 = arith.muli %scan3A_166, %mul3A_167 : i32
      %get3A = arith.index_cast %mul3A_168 : i32 to index
      %get3A_169 = tpu.vector_load %arg7[%get3A] {strides = array<i32>} : memref<640xf32, #tpu.memory_space<vmem>>, vector<16xf32>,
      %get3A_170 = arith.index_cast %mul3A_168 : i32 to index
      %get3A_171 = tpu.vector_load %arg6[%get3A_170] {strides = array<i32>} : memref<640xf32, #tpu.memory_space<vmem>>, vector<16xf32>,
      %add3A_172 = arith.addf %get3A_169, %get3A_171 : vector<16xf32>
      %swap3A = arith.index_cast %mul3A_168 : i32 to index
      %swap3A_173 = tpu.vector_load %arg7[%swap3A] {strides = array<i32>} : memref<640xf32, #tpu.memory_space<vmem>>, vector<16xf32>,
      tpu.vector_store %arg7[%swap3A], %add3A_172 {strides = array<i32>} : memref<640xf32, #tpu.memory_space<vmem>>, vector<16xf32>,
    }
    %scan3A_127 = arith.constant 40 : i32
    %mul3A_128 = arith.constant 640 : i32
    %mul3A_129 = arith.muli %arg1, %mul3A_128 : i32
    %run_scoped3A_130 = arith.constant 12 : i32
    "tpu.region"() ({
      %run_scoped3A_166 = tpu.sem_alloc : memref<!tpu.dma_semaphore, #tpu.memory_space<semaphore_mem>>
      %dma_start3A = arith.constant 0 : i32
      %dma_start3A_167 = tpu.memref_slice %arg8[%run_scoped3A_130, %dma_start3A] : memref<16x10240xf32, #tpu.memory_space<vmem_shared>> -> memref<1x10240xf32, #tpu.memory_space<vmem_shared>>
      %dma_start3A_168 = tpu.memref_squeeze %dma_start3A_167 : memref<1x10240xf32, #tpu.memory_space<vmem_shared>> -> memref<10240xf32, #tpu.memory_space<vmem_shared>>
      %dma_start3A_169 = tpu.memref_slice %dma_start3A_168[%mul3A_129] : memref<10240xf32, #tpu.memory_space<vmem_shared>> -> memref<640xf32, #tpu.memory_space<vmem_shared>>
      %dma_start3A_170 = arith.constant 0 : i32
      %dma_start3A_171 = tpu.memref_slice %arg8[%run_scoped3A_130, %dma_start3A_170] : memref<16x10240xf32, #tpu.memory_space<vmem_shared>> -> memref<1x10240xf32, #tpu.memory_space<vmem_shared>>
      %dma_start3A_172 = tpu.memref_squeeze %dma_start3A_171 : memref<1x10240xf32, #tpu.memory_space<vmem_shared>> -> memref<10240xf32, #tpu.memory_space<vmem_shared>>
      %dma_start3A_173 = tpu.memref_slice %dma_start3A_172[%mul3A_129] : memref<10240xf32, #tpu.memory_space<vmem_shared>> -> memref<640xf32, #tpu.memory_space<vmem_shared>>
      tpu.enqueue_dma source(%dma_start3A_173 : memref<640xf32, #tpu.memory_space<vmem_shared>>) target(%arg6 : memref<640xf32, #tpu.memory_space<vmem>>) target_semaphore(%run_scoped3A_166 : memref<!tpu.dma_semaphore, #tpu.memory_space<semaphore_mem>>)
      %dma_wait3A = arith.constant 0 : i32
      %dma_wait3A_174 = tpu.memref_slice %arg8[%run_scoped3A_130, %dma_wait3A] : memref<16x10240xf32, #tpu.memory_space<vmem_shared>> -> memref<1x10240xf32, #tpu.memory_space<vmem_shared>>
      %dma_wait3A_175 = tpu.memref_squeeze %dma_wait3A_174 : memref<1x10240xf32, #tpu.memory_space<vmem_shared>> -> memref<10240xf32, #tpu.memory_space<vmem_shared>>
      %dma_wait3A_176 = tpu.memref_slice %dma_wait3A_175[%mul3A_129] : memref<10240xf32, #tpu.memory_space<vmem_shared>> -> memref<640xf32, #tpu.memory_space<vmem_shared>>
      %dma_wait3A_177 = arith.constant 0 : i32
      %dma_wait3A_178 = tpu.memref_slice %arg8[%run_scoped3A_130, %dma_wait3A_177] : memref<16x10240xf32, #tpu.memory_space<vmem_shared>> -> memref<1x10240xf32, #tpu.memory_space<vmem_shared>>
      %dma_wait3A_179 = tpu.memref_squeeze %dma_wait3A_178 : memref<1x10240xf32, #tpu.memory_space<vmem_shared>> -> memref<10240xf32, #tpu.memory_space<vmem_shared>>
      %dma_wait3A_180 = tpu.memref_slice %dma_wait3A_179[%mul3A_129] : memref<10240xf32, #tpu.memory_space<vmem_shared>> -> memref<640xf32, #tpu.memory_space<vmem_shared>>
      tpu.wait_dma2 semaphore(%run_scoped3A_166 : memref<!tpu.dma_semaphore, #tpu.memory_space<semaphore_mem>>) src(%dma_wait3A_180 : memref<640xf32, #tpu.memory_space<vmem_shared>>) dst(%arg6 : memref<640xf32, #tpu.memory_space<vmem>>)
      tpu.yield
    }) : () -> ()
    %scan3A_131 = arith.constant 0 : i32
    %scan3A_132 = arith.constant 0 : i32
    %scan3A_133 = arith.constant 40 : i32
    %scan3A_134 = arith.addi %scan3A_132, %scan3A_133 : i32
    %scan3A_135 = arith.constant 1 : i32
    scf.for %scan3A_166 = %scan3A_132 to %scan3A_134 step %scan3A_135  : i32 {
      %mul3A_167 = arith.constant 16 : i32
      %mul3A_168 = arith.muli %scan3A_166, %mul3A_167 : i32
      %get3A = arith.index_cast %mul3A_168 : i32 to index
      %get3A_169 = tpu.vector_load %arg7[%get3A] {strides = array<i32>} : memref<640xf32, #tpu.memory_space<vmem>>, vector<16xf32>,
      %get3A_170 = arith.index_cast %mul3A_168 : i32 to index
      %get3A_171 = tpu.vector_load %arg6[%get3A_170] {strides = array<i32>} : memref<640xf32, #tpu.memory_space<vmem>>, vector<16xf32>,
      %add3A_172 = arith.addf %get3A_169, %get3A_171 : vector<16xf32>
      %swap3A = arith.index_cast %mul3A_168 : i32 to index
      %swap3A_173 = tpu.vector_load %arg7[%swap3A] {strides = array<i32>} : memref<640xf32, #tpu.memory_space<vmem>>, vector<16xf32>,
      tpu.vector_store %arg7[%swap3A], %add3A_172 {strides = array<i32>} : memref<640xf32, #tpu.memory_space<vmem>>, vector<16xf32>,
    }
    %scan3A_136 = arith.constant 40 : i32
    %mul3A_137 = arith.constant 640 : i32
    %mul3A_138 = arith.muli %arg1, %mul3A_137 : i32
    %run_scoped3A_139 = arith.constant 13 : i32
    "tpu.region"() ({
      %run_scoped3A_166 = tpu.sem_alloc : memref<!tpu.dma_semaphore, #tpu.memory_space<semaphore_mem>>
      %dma_start3A = arith.constant 0 : i32
      %dma_start3A_167 = tpu.memref_slice %arg8[%run_scoped3A_139, %dma_start3A] : memref<16x10240xf32, #tpu.memory_space<vmem_shared>> -> memref<1x10240xf32, #tpu.memory_space<vmem_shared>>
      %dma_start3A_168 = tpu.memref_squeeze %dma_start3A_167 : memref<1x10240xf32, #tpu.memory_space<vmem_shared>> -> memref<10240xf32, #tpu.memory_space<vmem_shared>>
      %dma_start3A_169 = tpu.memref_slice %dma_start3A_168[%mul3A_138] : memref<10240xf32, #tpu.memory_space<vmem_shared>> -> memref<640xf32, #tpu.memory_space<vmem_shared>>
      %dma_start3A_170 = arith.constant 0 : i32
      %dma_start3A_171 = tpu.memref_slice %arg8[%run_scoped3A_139, %dma_start3A_170] : memref<16x10240xf32, #tpu.memory_space<vmem_shared>> -> memref<1x10240xf32, #tpu.memory_space<vmem_shared>>
      %dma_start3A_172 = tpu.memref_squeeze %dma_start3A_171 : memref<1x10240xf32, #tpu.memory_space<vmem_shared>> -> memref<10240xf32, #tpu.memory_space<vmem_shared>>
      %dma_start3A_173 = tpu.memref_slice %dma_start3A_172[%mul3A_138] : memref<10240xf32, #tpu.memory_space<vmem_shared>> -> memref<640xf32, #tpu.memory_space<vmem_shared>>
      tpu.enqueue_dma source(%dma_start3A_173 : memref<640xf32, #tpu.memory_space<vmem_shared>>) target(%arg6 : memref<640xf32, #tpu.memory_space<vmem>>) target_semaphore(%run_scoped3A_166 : memref<!tpu.dma_semaphore, #tpu.memory_space<semaphore_mem>>)
      %dma_wait3A = arith.constant 0 : i32
      %dma_wait3A_174 = tpu.memref_slice %arg8[%run_scoped3A_139, %dma_wait3A] : memref<16x10240xf32, #tpu.memory_space<vmem_shared>> -> memref<1x10240xf32, #tpu.memory_space<vmem_shared>>
      %dma_wait3A_175 = tpu.memref_squeeze %dma_wait3A_174 : memref<1x10240xf32, #tpu.memory_space<vmem_shared>> -> memref<10240xf32, #tpu.memory_space<vmem_shared>>
      %dma_wait3A_176 = tpu.memref_slice %dma_wait3A_175[%mul3A_138] : memref<10240xf32, #tpu.memory_space<vmem_shared>> -> memref<640xf32, #tpu.memory_space<vmem_shared>>
      %dma_wait3A_177 = arith.constant 0 : i32
      %dma_wait3A_178 = tpu.memref_slice %arg8[%run_scoped3A_139, %dma_wait3A_177] : memref<16x10240xf32, #tpu.memory_space<vmem_shared>> -> memref<1x10240xf32, #tpu.memory_space<vmem_shared>>
      %dma_wait3A_179 = tpu.memref_squeeze %dma_wait3A_178 : memref<1x10240xf32, #tpu.memory_space<vmem_shared>> -> memref<10240xf32, #tpu.memory_space<vmem_shared>>
      %dma_wait3A_180 = tpu.memref_slice %dma_wait3A_179[%mul3A_138] : memref<10240xf32, #tpu.memory_space<vmem_shared>> -> memref<640xf32, #tpu.memory_space<vmem_shared>>
      tpu.wait_dma2 semaphore(%run_scoped3A_166 : memref<!tpu.dma_semaphore, #tpu.memory_space<semaphore_mem>>) src(%dma_wait3A_180 : memref<640xf32, #tpu.memory_space<vmem_shared>>) dst(%arg6 : memref<640xf32, #tpu.memory_space<vmem>>)
      tpu.yield
    }) : () -> ()
    %scan3A_140 = arith.constant 0 : i32
    %scan3A_141 = arith.constant 0 : i32
    %scan3A_142 = arith.constant 40 : i32
    %scan3A_143 = arith.addi %scan3A_141, %scan3A_142 : i32
    %scan3A_144 = arith.constant 1 : i32
    scf.for %scan3A_166 = %scan3A_141 to %scan3A_143 step %scan3A_144  : i32 {
      %mul3A_167 = arith.constant 16 : i32
      %mul3A_168 = arith.muli %scan3A_166, %mul3A_167 : i32
      %get3A = arith.index_cast %mul3A_168 : i32 to index
      %get3A_169 = tpu.vector_load %arg7[%get3A] {strides = array<i32>} : memref<640xf32, #tpu.memory_space<vmem>>, vector<16xf32>,
      %get3A_170 = arith.index_cast %mul3A_168 : i32 to index
      %get3A_171 = tpu.vector_load %arg6[%get3A_170] {strides = array<i32>} : memref<640xf32, #tpu.memory_space<vmem>>, vector<16xf32>,
      %add3A_172 = arith.addf %get3A_169, %get3A_171 : vector<16xf32>
      %swap3A = arith.index_cast %mul3A_168 : i32 to index
      %swap3A_173 = tpu.vector_load %arg7[%swap3A] {strides = array<i32>} : memref<640xf32, #tpu.memory_space<vmem>>, vector<16xf32>,
      tpu.vector_store %arg7[%swap3A], %add3A_172 {strides = array<i32>} : memref<640xf32, #tpu.memory_space<vmem>>, vector<16xf32>,
    }
    %scan3A_145 = arith.constant 40 : i32
    %mul3A_146 = arith.constant 640 : i32
    %mul3A_147 = arith.muli %arg1, %mul3A_146 : i32
    %run_scoped3A_148 = arith.constant 14 : i32
    "tpu.region"() ({
      %run_scoped3A_166 = tpu.sem_alloc : memref<!tpu.dma_semaphore, #tpu.memory_space<semaphore_mem>>
      %dma_start3A = arith.constant 0 : i32
      %dma_start3A_167 = tpu.memref_slice %arg8[%run_scoped3A_148, %dma_start3A] : memref<16x10240xf32, #tpu.memory_space<vmem_shared>> -> memref<1x10240xf32, #tpu.memory_space<vmem_shared>>
      %dma_start3A_168 = tpu.memref_squeeze %dma_start3A_167 : memref<1x10240xf32, #tpu.memory_space<vmem_shared>> -> memref<10240xf32, #tpu.memory_space<vmem_shared>>
      %dma_start3A_169 = tpu.memref_slice %dma_start3A_168[%mul3A_147] : memref<10240xf32, #tpu.memory_space<vmem_shared>> -> memref<640xf32, #tpu.memory_space<vmem_shared>>
      %dma_start3A_170 = arith.constant 0 : i32
      %dma_start3A_171 = tpu.memref_slice %arg8[%run_scoped3A_148, %dma_start3A_170] : memref<16x10240xf32, #tpu.memory_space<vmem_shared>> -> memref<1x10240xf32, #tpu.memory_space<vmem_shared>>
      %dma_start3A_172 = tpu.memref_squeeze %dma_start3A_171 : memref<1x10240xf32, #tpu.memory_space<vmem_shared>> -> memref<10240xf32, #tpu.memory_space<vmem_shared>>
      %dma_start3A_173 = tpu.memref_slice %dma_start3A_172[%mul3A_147] : memref<10240xf32, #tpu.memory_space<vmem_shared>> -> memref<640xf32, #tpu.memory_space<vmem_shared>>
      tpu.enqueue_dma source(%dma_start3A_173 : memref<640xf32, #tpu.memory_space<vmem_shared>>) target(%arg6 : memref<640xf32, #tpu.memory_space<vmem>>) target_semaphore(%run_scoped3A_166 : memref<!tpu.dma_semaphore, #tpu.memory_space<semaphore_mem>>)
      %dma_wait3A = arith.constant 0 : i32
      %dma_wait3A_174 = tpu.memref_slice %arg8[%run_scoped3A_148, %dma_wait3A] : memref<16x10240xf32, #tpu.memory_space<vmem_shared>> -> memref<1x10240xf32, #tpu.memory_space<vmem_shared>>
      %dma_wait3A_175 = tpu.memref_squeeze %dma_wait3A_174 : memref<1x10240xf32, #tpu.memory_space<vmem_shared>> -> memref<10240xf32, #tpu.memory_space<vmem_shared>>
      %dma_wait3A_176 = tpu.memref_slice %dma_wait3A_175[%mul3A_147] : memref<10240xf32, #tpu.memory_space<vmem_shared>> -> memref<640xf32, #tpu.memory_space<vmem_shared>>
      %dma_wait3A_177 = arith.constant 0 : i32
      %dma_wait3A_178 = tpu.memref_slice %arg8[%run_scoped3A_148, %dma_wait3A_177] : memref<16x10240xf32, #tpu.memory_space<vmem_shared>> -> memref<1x10240xf32, #tpu.memory_space<vmem_shared>>
      %dma_wait3A_179 = tpu.memref_squeeze %dma_wait3A_178 : memref<1x10240xf32, #tpu.memory_space<vmem_shared>> -> memref<10240xf32, #tpu.memory_space<vmem_shared>>
      %dma_wait3A_180 = tpu.memref_slice %dma_wait3A_179[%mul3A_147] : memref<10240xf32, #tpu.memory_space<vmem_shared>> -> memref<640xf32, #tpu.memory_space<vmem_shared>>
      tpu.wait_dma2 semaphore(%run_scoped3A_166 : memref<!tpu.dma_semaphore, #tpu.memory_space<semaphore_mem>>) src(%dma_wait3A_180 : memref<640xf32, #tpu.memory_space<vmem_shared>>) dst(%arg6 : memref<640xf32, #tpu.memory_space<vmem>>)
      tpu.yield
    }) : () -> ()
    %scan3A_149 = arith.constant 0 : i32
    %scan3A_150 = arith.constant 0 : i32
    %scan3A_151 = arith.constant 40 : i32
    %scan3A_152 = arith.addi %scan3A_150, %scan3A_151 : i32
    %scan3A_153 = arith.constant 1 : i32
    scf.for %scan3A_166 = %scan3A_150 to %scan3A_152 step %scan3A_153  : i32 {
      %mul3A_167 = arith.constant 16 : i32
      %mul3A_168 = arith.muli %scan3A_166, %mul3A_167 : i32
      %get3A = arith.index_cast %mul3A_168 : i32 to index
      %get3A_169 = tpu.vector_load %arg7[%get3A] {strides = array<i32>} : memref<640xf32, #tpu.memory_space<vmem>>, vector<16xf32>,
      %get3A_170 = arith.index_cast %mul3A_168 : i32 to index
      %get3A_171 = tpu.vector_load %arg6[%get3A_170] {strides = array<i32>} : memref<640xf32, #tpu.memory_space<vmem>>, vector<16xf32>,
      %add3A_172 = arith.addf %get3A_169, %get3A_171 : vector<16xf32>
      %swap3A = arith.index_cast %mul3A_168 : i32 to index
      %swap3A_173 = tpu.vector_load %arg7[%swap3A] {strides = array<i32>} : memref<640xf32, #tpu.memory_space<vmem>>, vector<16xf32>,
      tpu.vector_store %arg7[%swap3A], %add3A_172 {strides = array<i32>} : memref<640xf32, #tpu.memory_space<vmem>>, vector<16xf32>,
    }
    %scan3A_154 = arith.constant 40 : i32
    %mul3A_155 = arith.constant 640 : i32
    %mul3A_156 = arith.muli %arg1, %mul3A_155 : i32
    %run_scoped3A_157 = arith.constant 15 : i32
    "tpu.region"() ({
      %run_scoped3A_166 = tpu.sem_alloc : memref<!tpu.dma_semaphore, #tpu.memory_space<semaphore_mem>>
      %dma_start3A = arith.constant 0 : i32
      %dma_start3A_167 = tpu.memref_slice %arg8[%run_scoped3A_157, %dma_start3A] : memref<16x10240xf32, #tpu.memory_space<vmem_shared>> -> memref<1x10240xf32, #tpu.memory_space<vmem_shared>>
      %dma_start3A_168 = tpu.memref_squeeze %dma_start3A_167 : memref<1x10240xf32, #tpu.memory_space<vmem_shared>> -> memref<10240xf32, #tpu.memory_space<vmem_shared>>
      %dma_start3A_169 = tpu.memref_slice %dma_start3A_168[%mul3A_156] : memref<10240xf32, #tpu.memory_space<vmem_shared>> -> memref<640xf32, #tpu.memory_space<vmem_shared>>
      %dma_start3A_170 = arith.constant 0 : i32
      %dma_start3A_171 = tpu.memref_slice %arg8[%run_scoped3A_157, %dma_start3A_170] : memref<16x10240xf32, #tpu.memory_space<vmem_shared>> -> memref<1x10240xf32, #tpu.memory_space<vmem_shared>>
      %dma_start3A_172 = tpu.memref_squeeze %dma_start3A_171 : memref<1x10240xf32, #tpu.memory_space<vmem_shared>> -> memref<10240xf32, #tpu.memory_space<vmem_shared>>
      %dma_start3A_173 = tpu.memref_slice %dma_start3A_172[%mul3A_156] : memref<10240xf32, #tpu.memory_space<vmem_shared>> -> memref<640xf32, #tpu.memory_space<vmem_shared>>
      tpu.enqueue_dma source(%dma_start3A_173 : memref<640xf32, #tpu.memory_space<vmem_shared>>) target(%arg6 : memref<640xf32, #tpu.memory_space<vmem>>) target_semaphore(%run_scoped3A_166 : memref<!tpu.dma_semaphore, #tpu.memory_space<semaphore_mem>>)
      %dma_wait3A = arith.constant 0 : i32
      %dma_wait3A_174 = tpu.memref_slice %arg8[%run_scoped3A_157, %dma_wait3A] : memref<16x10240xf32, #tpu.memory_space<vmem_shared>> -> memref<1x10240xf32, #tpu.memory_space<vmem_shared>>
      %dma_wait3A_175 = tpu.memref_squeeze %dma_wait3A_174 : memref<1x10240xf32, #tpu.memory_space<vmem_shared>> -> memref<10240xf32, #tpu.memory_space<vmem_shared>>
      %dma_wait3A_176 = tpu.memref_slice %dma_wait3A_175[%mul3A_156] : memref<10240xf32, #tpu.memory_space<vmem_shared>> -> memref<640xf32, #tpu.memory_space<vmem_shared>>
      %dma_wait3A_177 = arith.constant 0 : i32
      %dma_wait3A_178 = tpu.memref_slice %arg8[%run_scoped3A_157, %dma_wait3A_177] : memref<16x10240xf32, #tpu.memory_space<vmem_shared>> -> memref<1x10240xf32, #tpu.memory_space<vmem_shared>>
      %dma_wait3A_179 = tpu.memref_squeeze %dma_wait3A_178 : memref<1x10240xf32, #tpu.memory_space<vmem_shared>> -> memref<10240xf32, #tpu.memory_space<vmem_shared>>
      %dma_wait3A_180 = tpu.memref_slice %dma_wait3A_179[%mul3A_156] : memref<10240xf32, #tpu.memory_space<vmem_shared>> -> memref<640xf32, #tpu.memory_space<vmem_shared>>
      tpu.wait_dma2 semaphore(%run_scoped3A_166 : memref<!tpu.dma_semaphore, #tpu.memory_space<semaphore_mem>>) src(%dma_wait3A_180 : memref<640xf32, #tpu.memory_space<vmem_shared>>) dst(%arg6 : memref<640xf32, #tpu.memory_space<vmem>>)
      tpu.yield
    }) : () -> ()
    %scan3A_158 = arith.constant 0 : i32
    %scan3A_159 = arith.constant 0 : i32
    %scan3A_160 = arith.constant 40 : i32
    %scan3A_161 = arith.addi %scan3A_159, %scan3A_160 : i32
    %scan3A_162 = arith.constant 1 : i32
    scf.for %scan3A_166 = %scan3A_159 to %scan3A_161 step %scan3A_162  : i32 {
      %mul3A_167 = arith.constant 16 : i32
      %mul3A_168 = arith.muli %scan3A_166, %mul3A_167 : i32
      %get3A = arith.index_cast %mul3A_168 : i32 to index
      %get3A_169 = tpu.vector_load %arg7[%get3A] {strides = array<i32>} : memref<640xf32, #tpu.memory_space<vmem>>, vector<16xf32>,
      %get3A_170 = arith.index_cast %mul3A_168 : i32 to index
      %get3A_171 = tpu.vector_load %arg6[%get3A_170] {strides = array<i32>} : memref<640xf32, #tpu.memory_space<vmem>>, vector<16xf32>,
      %add3A_172 = arith.addf %get3A_169, %get3A_171 : vector<16xf32>
      %swap3A = arith.index_cast %mul3A_168 : i32 to index
      %swap3A_173 = tpu.vector_load %arg7[%swap3A] {strides = array<i32>} : memref<640xf32, #tpu.memory_space<vmem>>, vector<16xf32>,
      tpu.vector_store %arg7[%swap3A], %add3A_172 {strides = array<i32>} : memref<640xf32, #tpu.memory_space<vmem>>, vector<16xf32>,
    }
    %scan3A_163 = arith.constant 40 : i32
    %mul3A_164 = arith.constant 640 : i32
    %mul3A_165 = arith.muli %arg1, %mul3A_164 : i32
    "tpu.region"() ({
      %run_scoped3A_166 = tpu.sem_alloc : memref<!tpu.dma_semaphore, #tpu.memory_space<semaphore_mem>>
      %dma_start3A = arith.constant 0 : i32
      %dma_start3A_167 = tpu.memref_slice %arg3[%arg0, %dma_start3A] : memref<2x10240xf32, #tpu.memory_space<hbm>> -> memref<1x10240xf32, #tpu.memory_space<hbm>>
      %dma_start3A_168 = tpu.memref_squeeze %dma_start3A_167 : memref<1x10240xf32, #tpu.memory_space<hbm>> -> memref<10240xf32, #tpu.memory_space<hbm>>
      %dma_start3A_169 = tpu.memref_slice %dma_start3A_168[%mul3A_165] : memref<10240xf32, #tpu.memory_space<hbm>> -> memref<640xf32, #tpu.memory_space<hbm>>
      %dma_start3A_170 = arith.constant 0 : i32
      %dma_start3A_171 = tpu.memref_slice %arg3[%arg0, %dma_start3A_170] : memref<2x10240xf32, #tpu.memory_space<hbm>> -> memref<1x10240xf32, #tpu.memory_space<hbm>>
      %dma_start3A_172 = tpu.memref_squeeze %dma_start3A_171 : memref<1x10240xf32, #tpu.memory_space<hbm>> -> memref<10240xf32, #tpu.memory_space<hbm>>
      %dma_start3A_173 = tpu.memref_slice %dma_start3A_172[%mul3A_165] : memref<10240xf32, #tpu.memory_space<hbm>> -> memref<640xf32, #tpu.memory_space<hbm>>
      tpu.enqueue_dma source(%arg7 : memref<640xf32, #tpu.memory_space<vmem>>) target(%dma_start3A_173 : memref<640xf32, #tpu.memory_space<hbm>>) target_semaphore(%run_scoped3A_166 : memref<!tpu.dma_semaphore, #tpu.memory_space<semaphore_mem>>)
      %dma_wait3A = arith.constant 0 : i32
      %dma_wait3A_174 = tpu.memref_slice %arg3[%arg0, %dma_wait3A] : memref<2x10240xf32, #tpu.memory_space<hbm>> -> memref<1x10240xf32, #tpu.memory_space<hbm>>
      %dma_wait3A_175 = tpu.memref_squeeze %dma_wait3A_174 : memref<1x10240xf32, #tpu.memory_space<hbm>> -> memref<10240xf32, #tpu.memory_space<hbm>>
      %dma_wait3A_176 = tpu.memref_slice %dma_wait3A_175[%mul3A_165] : memref<10240xf32, #tpu.memory_space<hbm>> -> memref<640xf32, #tpu.memory_space<hbm>>
      %dma_wait3A_177 = arith.constant 0 : i32
      %dma_wait3A_178 = tpu.memref_slice %arg3[%arg0, %dma_wait3A_177] : memref<2x10240xf32, #tpu.memory_space<hbm>> -> memref<1x10240xf32, #tpu.memory_space<hbm>>
      %dma_wait3A_179 = tpu.memref_squeeze %dma_wait3A_178 : memref<1x10240xf32, #tpu.memory_space<hbm>> -> memref<10240xf32, #tpu.memory_space<hbm>>
      %dma_wait3A_180 = tpu.memref_slice %dma_wait3A_179[%mul3A_165] : memref<10240xf32, #tpu.memory_space<hbm>> -> memref<640xf32, #tpu.memory_space<hbm>>
      tpu.wait_dma2 semaphore(%run_scoped3A_166 : memref<!tpu.dma_semaphore, #tpu.memory_space<semaphore_mem>>) src(%arg7 : memref<640xf32, #tpu.memory_space<vmem>>) dst(%dma_wait3A_180 : memref<640xf32, #tpu.memory_space<hbm>>)
      tpu.yield
    }) : () -> ()
    return
  }
}

module attributes {stable_mosaic.version = 14 : i64} {
  func.func @_tc1_body(%arg0: i32, %arg1: memref<1000x256xf32, #tpu.memory_space<vmem>>, %arg2: memref<256x256xf32, #tpu.memory_space<vmem>>, %arg3: memref<2x1000x1xf32, #tpu.memory_space<vmem>>, %arg4: memref<2x1000x128xf32, #tpu.memory_space<vmem>>) attributes {dimension_semantics = [#tpu.dimension_semantics<arbitrary>], iteration_bounds = array<i64: 10>, scalar_prefetch = 0 : i64, scratch_operands = 0 : i64, tpu.core_type = #tpu.core_type<tc>, window_params = [{transform_indices = @transform_0, window_bounds = array<i64: 1000, 256>}, {pipeline_mode = #tpu.pipeline_mode<synchronous>, transform_indices = @transform_1, window_bounds = array<i64: 256, 256>}, {transform_indices = @transform_2, window_bounds = array<i64: 2, 1000, 1>}, {transform_indices = @transform_3, window_bounds = array<i64: 2, 1000, 128>}]} {
    %get3A = arith.constant 0 : index
    %get3A_0 = arith.constant 0 : index
    %get3A_1 = vector.load %arg1[%get3A, %get3A_0] : memref<1000x256xf32, #tpu.memory_space<vmem>>, vector<1000x256xf32>
    %get3A_2 = arith.constant 0 : index
    %get3A_3 = arith.constant 0 : index
    %get3A_4 = vector.load %arg2[%get3A_2, %get3A_3] : memref<256x256xf32, #tpu.memory_space<vmem>>, vector<256x256xf32>
    %dot_general3A = arith.constant dense<0.000000e+00> : vector<1000x256xf32>
    %dot_general3A_5 = tpu.matmul %get3A_1, %get3A_4, %dot_general3A {dimension_numbers = #tpu.dot_dimension_numbers<[1], [0], [0], [1], [0, 0, 1, 1], [], []>, precision = #tpu.contract_precision<fp32>, transpose_lhs_hint = false} : vector<1000x256xf32>, vector<256x256xf32>, vector<1000x256xf32> -> vector<1000x256xf32>
    %get3A_6 = arith.constant 0 : index
    %get3A_7 = arith.constant 0 : index
    %get3A_8 = arith.constant 0 : index
    %get3A_9 = vector.load %arg3[%get3A_6, %get3A_7, %get3A_8] : memref<2x1000x1xf32, #tpu.memory_space<vmem>>, vector<1x1000x1xf32>
    %get3A_10 = vector.shape_cast %get3A_9 : vector<1x1000x1xf32> to vector<1000x1xf32>
    %get3A_11 = arith.constant 1 : index
    %get3A_12 = arith.constant 0 : index
    %get3A_13 = arith.constant 0 : index
    %get3A_14 = vector.load %arg3[%get3A_11, %get3A_12, %get3A_13] : memref<2x1000x1xf32, #tpu.memory_space<vmem>>, vector<1x1000x1xf32>
    %get3A_15 = vector.shape_cast %get3A_14 : vector<1x1000x1xf32> to vector<1000x1xf32>
    %add3A = arith.addf %get3A_10, %get3A_15 : vector<1000x1xf32>
    %add3A_16 = arith.constant 1.000000e+00 : f32
    %add3A_17 = vector.broadcast %add3A_16 : f32 to vector<1000x1xf32>
    %add3A_18 = arith.addf %add3A, %add3A_17 : vector<1000x1xf32>
    %rsqrt3A = math.rsqrt %add3A_18 : vector<1000x1xf32>
    %mul3A = vector.broadcast %rsqrt3A : vector<1000x1xf32> to vector<1000x256xf32>
    %mul3A_19 = arith.mulf %dot_general3A_5, %mul3A : vector<1000x256xf32>
    %slice3A = vector.extract_strided_slice %mul3A_19 {offsets = [0, 0], sizes = [1000, 128], strides = [1, 1]} : vector<1000x256xf32> to vector<1000x128xf32>
    %swap3A = arith.constant 0 : index
    %swap3A_20 = arith.constant 0 : index
    %swap3A_21 = arith.constant 0 : index
    %swap3A_22 = vector.load %arg4[%swap3A, %swap3A_20, %swap3A_21] : memref<2x1000x128xf32, #tpu.memory_space<vmem>>, vector<1x1000x128xf32>
    %swap3A_23 = vector.shape_cast %swap3A_22 : vector<1x1000x128xf32> to vector<1000x128xf32>
    %swap3A_24 = vector.shape_cast %slice3A : vector<1000x128xf32> to vector<1x1000x128xf32>
    tpu.vector_store %arg4[%swap3A, %swap3A_20, %swap3A_21], %swap3A_24 {strides = array<i32>} : memref<2x1000x128xf32, #tpu.memory_space<vmem>>, vector<1x1000x128xf32>,
    %slice3A_25 = vector.extract_strided_slice %mul3A_19 {offsets = [0, 128], sizes = [1000, 128], strides = [1, 1]} : vector<1000x256xf32> to vector<1000x128xf32>
    %swap3A_26 = arith.constant 1 : index
    %swap3A_27 = arith.constant 0 : index
    %swap3A_28 = arith.constant 0 : index
    %swap3A_29 = vector.load %arg4[%swap3A_26, %swap3A_27, %swap3A_28] : memref<2x1000x128xf32, #tpu.memory_space<vmem>>, vector<1x1000x128xf32>
    %swap3A_30 = vector.shape_cast %swap3A_29 : vector<1x1000x128xf32> to vector<1000x128xf32>
    %swap3A_31 = vector.shape_cast %slice3A_25 : vector<1000x128xf32> to vector<1x1000x128xf32>
    tpu.vector_store %arg4[%swap3A_26, %swap3A_27, %swap3A_28], %swap3A_31 {strides = array<i32>} : memref<2x1000x128xf32, #tpu.memory_space<vmem>>, vector<1x1000x128xf32>,
    return
  }
  func.func @transform_0(%arg0: i32) -> (i32, i32) {
    %c0_i32 = arith.constant 0 : i32
    %c0_i32_0 = arith.constant 0 : i32
    return %arg0, %c0_i32 : i32, i32
  }
  func.func @transform_1(%arg0: i32) -> (i32, i32) {
    %c0_i32 = arith.constant 0 : i32
    %c0_i32_0 = arith.constant 0 : i32
    %c0_i32_1 = arith.constant 0 : i32
    return %c0_i32, %c0_i32_0 : i32, i32
  }
  func.func @transform_2(%arg0: i32) -> (i32, i32, i32) {
    %c0_i32 = arith.constant 0 : i32
    %c0_i32_0 = arith.constant 0 : i32
    %c0_i32_1 = arith.constant 0 : i32
    return %c0_i32, %arg0, %c0_i32_0 : i32, i32, i32
  }
  func.func @transform_3(%arg0: i32) -> (i32, i32, i32) {
    %c0_i32 = arith.constant 0 : i32
    %c0_i32_0 = arith.constant 0 : i32
    %c0_i32_1 = arith.constant 0 : i32
    return %c0_i32, %arg0, %c0_i32_0 : i32, i32, i32
  }
}

module attributes {stable_mosaic.version = 14 : i64} {
  func.func @_tc2_body(%arg0: i32, %arg1: memref<2x1000x128xf32, #tpu.memory_space<vmem>>, %arg2: memref<2x1000x128xf32, #tpu.memory_space<vmem>>, %arg3: memref<2x1000x1xf32, #tpu.memory_space<vmem>>, %arg4: memref<256x256xf32, #tpu.memory_space<vmem>>, %arg5: memref<1x256xf32, #tpu.memory_space<vmem>>, %arg6: memref<2x1000x128xf32, #tpu.memory_space<vmem>>) attributes {dimension_semantics = [#tpu.dimension_semantics<arbitrary>], iteration_bounds = array<i64: 10>, scalar_prefetch = 0 : i64, scratch_operands = 0 : i64, tpu.core_type = #tpu.core_type<tc>, window_params = [{transform_indices = @transform_0, window_bounds = array<i64: 2, 1000, 128>}, {transform_indices = @transform_1, window_bounds = array<i64: 2, 1000, 128>}, {transform_indices = @transform_2, window_bounds = array<i64: 2, 1000, 1>}, {pipeline_mode = #tpu.pipeline_mode<synchronous>, transform_indices = @transform_3, window_bounds = array<i64: 256, 256>}, {pipeline_mode = #tpu.pipeline_mode<synchronous>, transform_indices = @transform_4, window_bounds = array<i64: 1, 256>}, {transform_indices = @transform_5, window_bounds = array<i64: 2, 1000, 128>}]} {
    %get3A = arith.constant 0 : index
    %get3A_0 = arith.constant 0 : index
    %get3A_1 = arith.constant 0 : index
    %get3A_2 = vector.load %arg3[%get3A, %get3A_0, %get3A_1] : memref<2x1000x1xf32, #tpu.memory_space<vmem>>, vector<1x1000x1xf32>
    %get3A_3 = vector.shape_cast %get3A_2 : vector<1x1000x1xf32> to vector<1000x1xf32>
    %get3A_4 = arith.constant 1 : index
    %get3A_5 = arith.constant 0 : index
    %get3A_6 = arith.constant 0 : index
    %get3A_7 = vector.load %arg3[%get3A_4, %get3A_5, %get3A_6] : memref<2x1000x1xf32, #tpu.memory_space<vmem>>, vector<1x1000x1xf32>
    %get3A_8 = vector.shape_cast %get3A_7 : vector<1x1000x1xf32> to vector<1000x1xf32>
    %add3A = arith.addf %get3A_3, %get3A_8 : vector<1000x1xf32>
    %add3A_9 = arith.constant 1.000000e+00 : f32
    %add3A_10 = vector.broadcast %add3A_9 : f32 to vector<1000x1xf32>
    %add3A_11 = arith.addf %add3A, %add3A_10 : vector<1000x1xf32>
    %rsqrt3A = math.rsqrt %add3A_11 : vector<1000x1xf32>
    %get3A_12 = arith.constant 0 : index
    %get3A_13 = arith.constant 0 : index
    %get3A_14 = arith.constant 0 : index
    %get3A_15 = vector.load %arg1[%get3A_12, %get3A_13, %get3A_14] : memref<2x1000x128xf32, #tpu.memory_space<vmem>>, vector<1x1000x128xf32>
    %get3A_16 = vector.shape_cast %get3A_15 : vector<1x1000x128xf32> to vector<1000x128xf32>
    %get3A_17 = arith.constant 0 : index
    %get3A_18 = arith.constant 0 : index
    %get3A_19 = arith.constant 0 : index
    %get3A_20 = vector.load %arg2[%get3A_17, %get3A_18, %get3A_19] : memref<2x1000x128xf32, #tpu.memory_space<vmem>>, vector<1x1000x128xf32>
    %get3A_21 = vector.shape_cast %get3A_20 : vector<1x1000x128xf32> to vector<1000x128xf32>
    %add3A_22 = arith.addf %get3A_16, %get3A_21 : vector<1000x128xf32>
    %get3A_23 = arith.constant 1 : index
    %get3A_24 = arith.constant 0 : index
    %get3A_25 = arith.constant 0 : index
    %get3A_26 = vector.load %arg1[%get3A_23, %get3A_24, %get3A_25] : memref<2x1000x128xf32, #tpu.memory_space<vmem>>, vector<1x1000x128xf32>
    %get3A_27 = vector.shape_cast %get3A_26 : vector<1x1000x128xf32> to vector<1000x128xf32>
    %get3A_28 = arith.constant 1 : index
    %get3A_29 = arith.constant 0 : index
    %get3A_30 = arith.constant 0 : index
    %get3A_31 = vector.load %arg2[%get3A_28, %get3A_29, %get3A_30] : memref<2x1000x128xf32, #tpu.memory_space<vmem>>, vector<1x1000x128xf32>
    %get3A_32 = vector.shape_cast %get3A_31 : vector<1x1000x128xf32> to vector<1000x128xf32>
    %add3A_33 = arith.addf %get3A_27, %get3A_32 : vector<1000x128xf32>
    %concatenate3A = tpu.concatenate %add3A_22, %add3A_33 in 1 : vector<1000x128xf32>, vector<1000x128xf32> -> vector<1000x256xf32>
    %mul3A = vector.broadcast %rsqrt3A : vector<1000x1xf32> to vector<1000x256xf32>
    %mul3A_34 = arith.mulf %concatenate3A, %mul3A : vector<1000x256xf32>
    %get3A_35 = arith.constant 0 : index
    %get3A_36 = arith.constant 0 : index
    %get3A_37 = vector.load %arg5[%get3A_35, %get3A_36] : memref<1x256xf32, #tpu.memory_space<vmem>>, vector<1x256xf32>
    %add3A_38 = vector.broadcast %get3A_37 : vector<1x256xf32> to vector<1000x256xf32>
    %add3A_39 = arith.addf %mul3A_34, %add3A_38 : vector<1000x256xf32>
    %max3A = arith.constant 0.000000e+00 : f32
    %max3A_40 = vector.broadcast %max3A : f32 to vector<1000x256xf32>
    %max3A_41 = arith.maximumf %add3A_39, %max3A_40 : vector<1000x256xf32>
    %get3A_42 = arith.constant 0 : index
    %get3A_43 = arith.constant 0 : index
    %get3A_44 = vector.load %arg4[%get3A_42, %get3A_43] : memref<256x256xf32, #tpu.memory_space<vmem>>, vector<256x256xf32>
    %dot_general3A = arith.constant dense<0.000000e+00> : vector<1000x256xf32>
    %dot_general3A_45 = tpu.matmul %max3A_41, %get3A_44, %dot_general3A {dimension_numbers = #tpu.dot_dimension_numbers<[1], [0], [0], [1], [0, 0, 1, 1], [], []>, precision = #tpu.contract_precision<fp32>, transpose_lhs_hint = false} : vector<1000x256xf32>, vector<256x256xf32>, vector<1000x256xf32> -> vector<1000x256xf32>
    %mul3A_46 = vector.broadcast %rsqrt3A : vector<1000x1xf32> to vector<1000x256xf32>
    %mul3A_47 = arith.mulf %dot_general3A_45, %mul3A_46 : vector<1000x256xf32>
    %slice3A = vector.extract_strided_slice %mul3A_47 {offsets = [0, 0], sizes = [1000, 128], strides = [1, 1]} : vector<1000x256xf32> to vector<1000x128xf32>
    %swap3A = arith.constant 0 : index
    %swap3A_48 = arith.constant 0 : index
    %swap3A_49 = arith.constant 0 : index
    %swap3A_50 = vector.load %arg6[%swap3A, %swap3A_48, %swap3A_49] : memref<2x1000x128xf32, #tpu.memory_space<vmem>>, vector<1x1000x128xf32>
    %swap3A_51 = vector.shape_cast %swap3A_50 : vector<1x1000x128xf32> to vector<1000x128xf32>
    %swap3A_52 = vector.shape_cast %slice3A : vector<1000x128xf32> to vector<1x1000x128xf32>
    tpu.vector_store %arg6[%swap3A, %swap3A_48, %swap3A_49], %swap3A_52 {strides = array<i32>} : memref<2x1000x128xf32, #tpu.memory_space<vmem>>, vector<1x1000x128xf32>,
    %slice3A_53 = vector.extract_strided_slice %mul3A_47 {offsets = [0, 128], sizes = [1000, 128], strides = [1, 1]} : vector<1000x256xf32> to vector<1000x128xf32>
    %swap3A_54 = arith.constant 1 : index
    %swap3A_55 = arith.constant 0 : index
    %swap3A_56 = arith.constant 0 : index
    %swap3A_57 = vector.load %arg6[%swap3A_54, %swap3A_55, %swap3A_56] : memref<2x1000x128xf32, #tpu.memory_space<vmem>>, vector<1x1000x128xf32>
    %swap3A_58 = vector.shape_cast %swap3A_57 : vector<1x1000x128xf32> to vector<1000x128xf32>
    %swap3A_59 = vector.shape_cast %slice3A_53 : vector<1000x128xf32> to vector<1x1000x128xf32>
    tpu.vector_store %arg6[%swap3A_54, %swap3A_55, %swap3A_56], %swap3A_59 {strides = array<i32>} : memref<2x1000x128xf32, #tpu.memory_space<vmem>>, vector<1x1000x128xf32>,
    return
  }
  func.func @transform_0(%arg0: i32) -> (i32, i32, i32) {
    %c0_i32 = arith.constant 0 : i32
    %c0_i32_0 = arith.constant 0 : i32
    %c0_i32_1 = arith.constant 0 : i32
    return %c0_i32, %arg0, %c0_i32_0 : i32, i32, i32
  }
  func.func @transform_1(%arg0: i32) -> (i32, i32, i32) {
    %c0_i32 = arith.constant 0 : i32
    %c0_i32_0 = arith.constant 0 : i32
    %c0_i32_1 = arith.constant 0 : i32
    return %c0_i32, %arg0, %c0_i32_0 : i32, i32, i32
  }
  func.func @transform_2(%arg0: i32) -> (i32, i32, i32) {
    %c0_i32 = arith.constant 0 : i32
    %c0_i32_0 = arith.constant 0 : i32
    %c0_i32_1 = arith.constant 0 : i32
    return %c0_i32, %arg0, %c0_i32_0 : i32, i32, i32
  }
  func.func @transform_3(%arg0: i32) -> (i32, i32) {
    %c0_i32 = arith.constant 0 : i32
    %c0_i32_0 = arith.constant 0 : i32
    %c0_i32_1 = arith.constant 0 : i32
    return %c0_i32, %c0_i32_0 : i32, i32
  }
  func.func @transform_4(%arg0: i32) -> (i32, i32) {
    %c0_i32 = arith.constant 0 : i32
    %c0_i32_0 = arith.constant 0 : i32
    %c0_i32_1 = arith.constant 0 : i32
    return %c0_i32, %c0_i32_0 : i32, i32
  }
  func.func @transform_5(%arg0: i32) -> (i32, i32, i32) {
    %c0_i32 = arith.constant 0 : i32
    %c0_i32_0 = arith.constant 0 : i32
    %c0_i32_1 = arith.constant 0 : i32
    return %c0_i32, %arg0, %c0_i32_0 : i32, i32, i32
  }
}

module attributes {stable_mosaic.version = 14 : i64} {
  func.func @_tc3_body(%arg0: i32, %arg1: memref<2x1000x128xf32, #tpu.memory_space<vmem>>, %arg2: memref<2x1000x128xf32, #tpu.memory_space<vmem>>, %arg3: memref<2x1000x1xf32, #tpu.memory_space<vmem>>, %arg4: memref<1x256xf32, #tpu.memory_space<vmem>>, %arg5: memref<256x128xf32, #tpu.memory_space<vmem>>, %arg6: memref<1x128xf32, #tpu.memory_space<vmem>>, %arg7: memref<128x16xf32, #tpu.memory_space<vmem>>, %arg8: memref<1x16xf32, #tpu.memory_space<vmem>>, %arg9: memref<1x16xf32, #tpu.memory_space<vmem>>, %arg10: memref<1x256xf32, #tpu.memory_space<vmem>>) attributes {dimension_semantics = [#tpu.dimension_semantics<arbitrary>], iteration_bounds = array<i64: 10>, scalar_prefetch = 0 : i64, scratch_operands = 1 : i64, tpu.core_type = #tpu.core_type<tc>, window_params = [{transform_indices = @transform_0, window_bounds = array<i64: 2, 1000, 128>}, {transform_indices = @transform_1, window_bounds = array<i64: 2, 1000, 128>}, {transform_indices = @transform_2, window_bounds = array<i64: 2, 1000, 1>}, {pipeline_mode = #tpu.pipeline_mode<synchronous>, transform_indices = @transform_3, window_bounds = array<i64: 1, 256>}, {pipeline_mode = #tpu.pipeline_mode<synchronous>, transform_indices = @transform_4, window_bounds = array<i64: 256, 128>}, {pipeline_mode = #tpu.pipeline_mode<synchronous>, transform_indices = @transform_5, window_bounds = array<i64: 1, 128>}, {pipeline_mode = #tpu.pipeline_mode<synchronous>, transform_indices = @transform_6, window_bounds = array<i64: 128, 16>}, {pipeline_mode = #tpu.pipeline_mode<synchronous>, transform_indices = @transform_7, window_bounds = array<i64: 1, 16>}, {pipeline_mode = #tpu.pipeline_mode<synchronous>, transform_indices = @transform_8, window_bounds = array<i64: 1, 16>}]} {
    %get3A = arith.constant 0 : index
    %get3A_0 = arith.constant 0 : index
    %get3A_1 = arith.constant 0 : index
    %get3A_2 = vector.load %arg3[%get3A, %get3A_0, %get3A_1] : memref<2x1000x1xf32, #tpu.memory_space<vmem>>, vector<1x1000x1xf32>
    %get3A_3 = vector.shape_cast %get3A_2 : vector<1x1000x1xf32> to vector<1000x1xf32>
    %get3A_4 = arith.constant 1 : index
    %get3A_5 = arith.constant 0 : index
    %get3A_6 = arith.constant 0 : index
    %get3A_7 = vector.load %arg3[%get3A_4, %get3A_5, %get3A_6] : memref<2x1000x1xf32, #tpu.memory_space<vmem>>, vector<1x1000x1xf32>
    %get3A_8 = vector.shape_cast %get3A_7 : vector<1x1000x1xf32> to vector<1000x1xf32>
    %add3A = arith.addf %get3A_3, %get3A_8 : vector<1000x1xf32>
    %add3A_9 = arith.constant 1.000000e+00 : f32
    %add3A_10 = vector.broadcast %add3A_9 : f32 to vector<1000x1xf32>
    %add3A_11 = arith.addf %add3A, %add3A_10 : vector<1000x1xf32>
    %rsqrt3A = math.rsqrt %add3A_11 : vector<1000x1xf32>
    %get3A_12 = arith.constant 0 : index
    %get3A_13 = arith.constant 0 : index
    %get3A_14 = arith.constant 0 : index
    %get3A_15 = vector.load %arg1[%get3A_12, %get3A_13, %get3A_14] : memref<2x1000x128xf32, #tpu.memory_space<vmem>>, vector<1x1000x128xf32>
    %get3A_16 = vector.shape_cast %get3A_15 : vector<1x1000x128xf32> to vector<1000x128xf32>
    %get3A_17 = arith.constant 0 : index
    %get3A_18 = arith.constant 0 : index
    %get3A_19 = arith.constant 0 : index
    %get3A_20 = vector.load %arg2[%get3A_17, %get3A_18, %get3A_19] : memref<2x1000x128xf32, #tpu.memory_space<vmem>>, vector<1x1000x128xf32>
    %get3A_21 = vector.shape_cast %get3A_20 : vector<1x1000x128xf32> to vector<1000x128xf32>
    %add3A_22 = arith.addf %get3A_16, %get3A_21 : vector<1000x128xf32>
    %get3A_23 = arith.constant 1 : index
    %get3A_24 = arith.constant 0 : index
    %get3A_25 = arith.constant 0 : index
    %get3A_26 = vector.load %arg1[%get3A_23, %get3A_24, %get3A_25] : memref<2x1000x128xf32, #tpu.memory_space<vmem>>, vector<1x1000x128xf32>
    %get3A_27 = vector.shape_cast %get3A_26 : vector<1x1000x128xf32> to vector<1000x128xf32>
    %get3A_28 = arith.constant 1 : index
    %get3A_29 = arith.constant 0 : index
    %get3A_30 = arith.constant 0 : index
    %get3A_31 = vector.load %arg2[%get3A_28, %get3A_29, %get3A_30] : memref<2x1000x128xf32, #tpu.memory_space<vmem>>, vector<1x1000x128xf32>
    %get3A_32 = vector.shape_cast %get3A_31 : vector<1x1000x128xf32> to vector<1000x128xf32>
    %add3A_33 = arith.addf %get3A_27, %get3A_32 : vector<1000x128xf32>
    %concatenate3A = tpu.concatenate %add3A_22, %add3A_33 in 1 : vector<1000x128xf32>, vector<1000x128xf32> -> vector<1000x256xf32>
    %mul3A = vector.broadcast %rsqrt3A : vector<1000x1xf32> to vector<1000x256xf32>
    %mul3A_34 = arith.mulf %concatenate3A, %mul3A : vector<1000x256xf32>
    %get3A_35 = arith.constant 0 : index
    %get3A_36 = arith.constant 0 : index
    %get3A_37 = vector.load %arg4[%get3A_35, %get3A_36] : memref<1x256xf32, #tpu.memory_space<vmem>>, vector<1x256xf32>
    %add3A_38 = vector.broadcast %get3A_37 : vector<1x256xf32> to vector<1000x256xf32>
    %add3A_39 = arith.addf %mul3A_34, %add3A_38 : vector<1000x256xf32>
    %max3A = arith.constant 0.000000e+00 : f32
    %max3A_40 = vector.broadcast %max3A : f32 to vector<1000x256xf32>
    %max3A_41 = arith.maximumf %add3A_39, %max3A_40 : vector<1000x256xf32>
    %reduce_sum3A = arith.constant dense<0.000000e+00> : vector<256xf32>
    %reduce_sum3A_42 = vector.multi_reduction <add>, %max3A_41, %reduce_sum3A [0] : vector<1000x256xf32> to vector<256xf32>
    %broadcast_in_dim3A = vector.shape_cast %reduce_sum3A_42 : vector<256xf32> to vector<1x256xf32>
    %eq3A = arith.constant 0 : i32
    %eq3A_43 = arith.cmpi eq, %arg0, %eq3A : i32
    %convert_element_type3A = arith.extui %eq3A_43 : i1 to i32
    %cond3A = arith.constant 0 : i32
    %cond3A_44 = arith.cmpi ne, %convert_element_type3A, %cond3A : i32
    scf.if %cond3A_44 {
      %swap3A = arith.constant 0 : index
      %swap3A_54 = arith.constant 0 : index
      %swap3A_55 = vector.load %arg10[%swap3A, %swap3A_54] : memref<1x256xf32, #tpu.memory_space<vmem>>, vector<1x256xf32>
      tpu.vector_store %arg10[%swap3A, %swap3A_54], %broadcast_in_dim3A {strides = array<i32>} : memref<1x256xf32, #tpu.memory_space<vmem>>, vector<1x256xf32>,
    } else {
    }
    %gt3A = arith.constant 0 : i32
    %gt3A_45 = arith.cmpi sgt, %arg0, %gt3A : i32
    %convert_element_type3A_46 = arith.extui %gt3A_45 : i1 to i32
    %cond3A_47 = arith.constant 0 : i32
    %cond3A_48 = arith.cmpi ne, %convert_element_type3A_46, %cond3A_47 : i32
    scf.if %cond3A_48 {
      %get3A_54 = arith.constant 0 : index
      %get3A_55 = arith.constant 0 : index
      %get3A_56 = vector.load %arg10[%get3A_54, %get3A_55] : memref<1x256xf32, #tpu.memory_space<vmem>>, vector<1x256xf32>
      %add3A_57 = arith.addf %get3A_56, %broadcast_in_dim3A : vector<1x256xf32>
      %swap3A = arith.constant 0 : index
      %swap3A_58 = arith.constant 0 : index
      %swap3A_59 = vector.load %arg10[%swap3A, %swap3A_58] : memref<1x256xf32, #tpu.memory_space<vmem>>, vector<1x256xf32>
      tpu.vector_store %arg10[%swap3A, %swap3A_58], %add3A_57 {strides = array<i32>} : memref<1x256xf32, #tpu.memory_space<vmem>>, vector<1x256xf32>,
    } else {
    }
    %eq3A_49 = arith.constant 9 : i32
    %eq3A_50 = arith.cmpi eq, %arg0, %eq3A_49 : i32
    %convert_element_type3A_51 = arith.extui %eq3A_50 : i1 to i32
    %cond3A_52 = arith.constant 0 : i32
    %cond3A_53 = arith.cmpi ne, %convert_element_type3A_51, %cond3A_52 : i32
    scf.if %cond3A_53 {
      %get3A_54 = arith.constant 0 : index
      %get3A_55 = arith.constant 0 : index
      %get3A_56 = vector.load %arg10[%get3A_54, %get3A_55] : memref<1x256xf32, #tpu.memory_space<vmem>>, vector<1x256xf32>
      %mul3A_57 = arith.constant 9.99999974E-5 : f32
      %mul3A_58 = vector.broadcast %mul3A_57 : f32 to vector<1x256xf32>
      %mul3A_59 = arith.mulf %get3A_56, %mul3A_58 : vector<1x256xf32>
      %get3A_60 = arith.constant 0 : index
      %get3A_61 = arith.constant 0 : index
      %get3A_62 = vector.load %arg5[%get3A_60, %get3A_61] : memref<256x128xf32, #tpu.memory_space<vmem>>, vector<256x128xf32>
      %dot_general3A = arith.constant dense<0.000000e+00> : vector<1x128xf32>
      %dot_general3A_63 = tpu.matmul %mul3A_59, %get3A_62, %dot_general3A {dimension_numbers = #tpu.dot_dimension_numbers<[1], [0], [0], [1], [0, 0, 1, 1], [], []>, precision = #tpu.contract_precision<fp32>, transpose_lhs_hint = false} : vector<1x256xf32>, vector<256x128xf32>, vector<1x128xf32> -> vector<1x128xf32>
      %get3A_64 = arith.constant 0 : index
      %get3A_65 = arith.constant 0 : index
      %get3A_66 = vector.load %arg6[%get3A_64, %get3A_65] : memref<1x128xf32, #tpu.memory_space<vmem>>, vector<1x128xf32>
      %add3A_67 = arith.addf %dot_general3A_63, %get3A_66 : vector<1x128xf32>
      %max3A_68 = arith.constant 0.000000e+00 : f32
      %max3A_69 = vector.broadcast %max3A_68 : f32 to vector<1x128xf32>
      %max3A_70 = arith.maximumf %add3A_67, %max3A_69 : vector<1x128xf32>
      %get3A_71 = arith.constant 0 : index
      %get3A_72 = arith.constant 0 : index
      %get3A_73 = vector.load %arg7[%get3A_71, %get3A_72] : memref<128x16xf32, #tpu.memory_space<vmem>>, vector<128x16xf32>
      %dot_general3A_74 = arith.constant dense<0.000000e+00> : vector<1x16xf32>
      %dot_general3A_75 = tpu.matmul %max3A_70, %get3A_73, %dot_general3A_74 {dimension_numbers = #tpu.dot_dimension_numbers<[1], [0], [0], [1], [0, 0, 1, 1], [], []>, precision = #tpu.contract_precision<fp32>, transpose_lhs_hint = false} : vector<1x128xf32>, vector<128x16xf32>, vector<1x16xf32> -> vector<1x16xf32>
      %get3A_76 = arith.constant 0 : index
      %get3A_77 = arith.constant 0 : index
      %get3A_78 = vector.load %arg8[%get3A_76, %get3A_77] : memref<1x16xf32, #tpu.memory_space<vmem>>, vector<1x16xf32>
      %add3A_79 = arith.addf %dot_general3A_75, %get3A_78 : vector<1x16xf32>
      %swap3A = arith.constant 0 : index
      %swap3A_80 = arith.constant 0 : index
      %swap3A_81 = vector.load %arg9[%swap3A, %swap3A_80] : memref<1x16xf32, #tpu.memory_space<vmem>>, vector<1x16xf32>
      tpu.vector_store %arg9[%swap3A, %swap3A_80], %add3A_79 {strides = array<i32>} : memref<1x16xf32, #tpu.memory_space<vmem>>, vector<1x16xf32>,
    } else {
    }
    return
  }
  func.func @transform_0(%arg0: i32) -> (i32, i32, i32) {
    %c0_i32 = arith.constant 0 : i32
    %c0_i32_0 = arith.constant 0 : i32
    %c0_i32_1 = arith.constant 0 : i32
    return %c0_i32, %arg0, %c0_i32_0 : i32, i32, i32
  }
  func.func @transform_1(%arg0: i32) -> (i32, i32, i32) {
    %c0_i32 = arith.constant 0 : i32
    %c0_i32_0 = arith.constant 0 : i32
    %c0_i32_1 = arith.constant 0 : i32
    return %c0_i32, %arg0, %c0_i32_0 : i32, i32, i32
  }
  func.func @transform_2(%arg0: i32) -> (i32, i32, i32) {
    %c0_i32 = arith.constant 0 : i32
    %c0_i32_0 = arith.constant 0 : i32
    %c0_i32_1 = arith.constant 0 : i32
    return %c0_i32, %arg0, %c0_i32_0 : i32, i32, i32
  }
  func.func @transform_3(%arg0: i32) -> (i32, i32) {
    %c0_i32 = arith.constant 0 : i32
    %c0_i32_0 = arith.constant 0 : i32
    %c0_i32_1 = arith.constant 0 : i32
    return %c0_i32, %c0_i32_0 : i32, i32
  }
  func.func @transform_4(%arg0: i32) -> (i32, i32) {
    %c0_i32 = arith.constant 0 : i32
    %c0_i32_0 = arith.constant 0 : i32
    %c0_i32_1 = arith.constant 0 : i32
    return %c0_i32, %c0_i32_0 : i32, i32
  }
  func.func @transform_5(%arg0: i32) -> (i32, i32) {
    %c0_i32 = arith.constant 0 : i32
    %c0_i32_0 = arith.constant 0 : i32
    %c0_i32_1 = arith.constant 0 : i32
    return %c0_i32, %c0_i32_0 : i32, i32
  }
  func.func @transform_6(%arg0: i32) -> (i32, i32) {
    %c0_i32 = arith.constant 0 : i32
    %c0_i32_0 = arith.constant 0 : i32
    %c0_i32_1 = arith.constant 0 : i32
    return %c0_i32, %c0_i32_0 : i32, i32
  }
  func.func @transform_7(%arg0: i32) -> (i32, i32) {
    %c0_i32 = arith.constant 0 : i32
    %c0_i32_0 = arith.constant 0 : i32
    %c0_i32_1 = arith.constant 0 : i32
    return %c0_i32, %c0_i32_0 : i32, i32
  }
  func.func @transform_8(%arg0: i32) -> (i32, i32) {
    %c0_i32 = arith.constant 0 : i32
    %c0_i32_0 = arith.constant 0 : i32
    %c0_i32_1 = arith.constant 0 : i32
    return %c0_i32, %c0_i32_0 : i32, i32
  }
}

</mosaic_0001>

<sc_bundles>
// kernel: kernel.11.cloned.1.call-start
scs
__scs_entry_jumppad:
0x0: {  	(pc) =	sbr.rel $0x88, $3  }
0x1: {  	(tag) =	ssettag $0x0;
	lr =	simm.s32 $0x1  }
0x2: {  	[smem:$0x3F97] =	sst lr;
	_ =	strace $0xD0000000  }
0x3: {  	_ = 	snop  }
0x4: {  	_ = 	snop  }
0x5: {  	_ = 	snop  }
0x6: {  	_ = 	snop  }
0x7: {  	_ = 	snop  }
__scs_overlays_trampoline_lowered:
0x8: {  	[smem:$0x3FA6] =	sst s0  }
0x9: {  	[smem:$0x3FA7] =	sst s1  }
0xa: {  	[smem:$0x3FA8] =	sst s2  }
0xb: {  	[smem:$0x3FA9] =	sst s3  }
0xc: {  	[smem:$0x3FAA] =	sst s4  }
0xd: {  	[smem:$0x3FAB] =	sst s5  }
0xe: {  	[smem:$0x3FAC] =	sst s6  }
0xf: {  	[smem:$0x3FAD] =	sst s7  }
0x10: {  	[smem:$0x3FAE] =	sst s8  }
0x11: {  	[smem:$0x3FAF] =	sst s9;
	s0 =	simm.s32 @!p0 $0x0  }
0x12: {  	s1 =	sld [smem:$0x3F95];
	s0 =	simm.s32 @p0 $0x1  }
0x13: {  	[smem:$0x3FB0] =	sst s0;
	s0 =	simm.s32 @!p1 $0x0  }
0x14: {  	s2 =	sld [smem:$0x3F94];
	s0 =	simm.s32 @p1 $0x1  }
0x15: {  	[smem:$0x3FB1] =	sst s0;
	s0 =	simm.s32 @!p2 $0x0  }
0x16: {  	s3 =	sld [smem:$0x3FDB];
	s0 =	simm.s32 @p2 $0x1  }
0x17: {  	s4 =	simm.s32 $0x1BF5;
	[smem:$0x3FB3] =	sst s0  }
0x18: {  	s0 =	sld [smem:$0x3F96];
	_ =	swait.ge [sflag:s4], $0x0  }
0x19: {  	s7 =	sld [smem:$0x3F97]  }
0x1a: {  	s8 =	sadd.s32 $0xFFFFE003, lr  }
0x1b: {  	s9 =	sadd.s32 $0xFFFFFEF7, lr;
	s5 =	simm.s32 $0xFFFFFFFF;
	p2 =	slt.u32 s8, $0xFFFFF086  }
0x1c: {  	p1 =	slt.u32 s9, $0xF7A;
	s5 =	simm.s32 @!p2 $0x0  }
0x1d: {  	s5 =	simm.s32 @p1 $0x1;
	p0 =	seq.s32 s7, s2  }
0x1e: {  	s7 =	smul.u32 @!p0 $0xF7A, s2;
	p2 =	seq.s32 @!p0 s5, $0x0  }
0x1f: {  	s9 =	smul.u32 $0xF7A, s1;
	s8 =	simm.s32 @!p0 $0x1BF5;
	p2 =	por !p2, p0  }
0x20: {  	[sflag:s8] =	ssyncset.s32 @!p0 $0xFFFFF086;
	s6 =	sadd.s32 @!p0 s3, s7;
	s7 =	simm.s32 @!p0 $0x108  }
0x21: {  	s3 =	sadd.s32 s3, s9;
	s6 =	sadd.s32 @!p0 $0x88, s6;
	s7 =	simm.s32 @p2 $0x1082  }
0x22: {  	[simem:s7], [sflag:s8] =	dma.local @!p0 [hbm:s6], $0xF7A  }
0x23: {  	s9 =	sor.u32 $0xD0000000, s2;
	s6 =	simm.s32 $0x108;
	_ =	swait.ge @!p0 [sflag:s8], $0x0  }
0x24: {  	s3 =	sadd.s32 $0x88, s3;
	s6 =	simm.s32 @!p1 $0x1082;
	[sflag:s4] =	ssyncset.s32 $0xFFFFF086  }
0x25: {  	[simem:s6], [sflag:s4] =	dma.local [hbm:s3], $0xF7A  }
0x26: {  	[smem:$0x3F97] =	sst s1;
	(tag) =	ssettag s2;
	_ =	strace s9  }
0x27: {  	s1 =	sld [smem:$0x3FA7]  }
0x28: {  	s2 =	sld [smem:$0x3FA8]  }
0x29: {  	s4 =	sld [smem:$0x3FAA]  }
0x2a: {  	p0 =	seq.s32 s5, $0x0;
	s5 =	sld [smem:$0x3FAB]  }
0x2b: {  	s6 =	sld [smem:$0x3FAC]  }
0x2c: {  	s7 =	sld [smem:$0x3FAD]  }
0x2d: {  	s3 =	simm.s32 $0x108;
	s8 =	sld [smem:$0x3FAE]  }
0x2e: {  	s3 =	simm.s32 @!p0 $0x1082;
	s9 =	sld [smem:$0x3FAF]  }
0x2f: {  	lr =	sadd.s32 s0, s3;
	s0 =	sld [smem:$0x3FA6]  }
0x30: {  	s3 =	sld [smem:$0x3FA9]  }
0x31: {  	[smem:$0x3FB2] =	sst s10  }
0x32: {  	s10 =	sld [smem:$0x3FB0];
	_ =	sdelay $0x3  }
0x33: {  	p0 =	seq.s32 s10, $0x1;
	s10 =	sld [smem:$0x3FB2];
	_ =	sdelay $0x3  }
0x34: {  	[smem:$0x3FB2] =	sst s10  }
0x35: {  	s10 =	sld [smem:$0x3FB1];
	_ =	sdelay $0x3  }
0x36: {  	p1 =	seq.s32 s10, $0x1;
	s10 =	sld [smem:$0x3FB2];
	_ =	sdelay $0x3  }
0x37: {  	[smem:$0x3FB2] =	sst s10  }
0x38: {  	s10 =	sld [smem:$0x3FB3]  }
0x39: {  	_ = 	snop;
	(pc) =	sbr.ind lr, $3  }
0x3a: {  	_ = 	snop  }
0x3b: {  	_ = 	snop  }
0x3c: {  	p2 =	seq.s32 s10, $0x1;
	s10 =	sld [smem:$0x3FB2]  }
0x3d: {  	_ =	shalt  }
0x3e: {  	_ =	shalt  }
0x3f: {  	_ =	shalt  }
0x40: {  	_ =	shalt  }
0x41: {  	_ =	shalt  }
0x42: {  	_ =	shalt  }
0x43: {  	_ =	shalt  }
0x44: {  	_ =	shalt  }
0x45: {  	_ =	shalt  }
0x46: {  	_ =	shalt  }
0x47: {  	_ =	shalt  }
0x48: {  	_ =	shalt  }
0x49: {  	_ =	shalt  }
0x4a: {  	_ =	shalt  }
0x4b: {  	_ =	shalt  }
0x4c: {  	_ =	shalt  }
0x4d: {  	_ =	shalt  }
0x4e: {  	_ =	shalt  }
0x4f: {  	_ =	shalt  }
0x50: {  	_ =	shalt  }
0x51: {  	_ =	shalt  }
0x52: {  	_ =	shalt  }
0x53: {  	_ =	shalt  }
0x54: {  	_ =	shalt  }
0x55: {  	_ =	shalt  }
0x56: {  	_ =	shalt  }
0x57: {  	_ =	shalt  }
0x58: {  	_ =	shalt  }
0x59: {  	_ =	shalt  }
0x5a: {  	_ =	shalt  }
0x5b: {  	_ =	shalt  }
0x5c: {  	_ =	shalt  }
0x5d: {  	_ =	shalt  }
0x5e: {  	_ =	shalt  }
0x5f: {  	_ =	shalt  }
0x60: {  	_ =	shalt  }
0x61: {  	_ =	shalt  }
0x62: {  	_ =	shalt  }
0x63: {  	_ =	shalt  }
0x64: {  	_ =	shalt  }
0x65: {  	_ =	shalt  }
0x66: {  	_ =	shalt  }
0x67: {  	_ =	shalt  }
0x68: {  	_ =	shalt  }
0x69: {  	_ =	shalt  }
0x6a: {  	_ =	shalt  }
0x6b: {  	_ =	shalt  }
0x6c: {  	_ =	shalt  }
0x6d: {  	_ =	shalt  }
0x6e: {  	_ =	shalt  }
0x6f: {  	_ =	shalt  }
0x70: {  	_ =	shalt  }
0x71: {  	_ =	shalt  }
0x72: {  	_ =	shalt  }
0x73: {  	_ =	shalt  }
0x74: {  	_ =	shalt  }
0x75: {  	_ =	shalt  }
0x76: {  	_ =	shalt  }
0x77: {  	_ =	shalt  }
0x78: {  	_ =	shalt  }
0x79: {  	_ =	shalt  }
0x7a: {  	_ =	shalt  }
0x7b: {  	_ =	shalt  }
0x7c: {  	_ =	shalt  }
0x7d: {  	_ =	shalt  }
0x7e: {  	_ =	shalt  }
0x7f: {  	_ =	shalt  }
0x80: {  	_ =	shalt  }
0x81: {  	_ =	shalt  }
0x82: {  	_ =	shalt  }
0x83: {  	_ =	shalt  }
0x84: {  	_ =	shalt  }
0x85: {  	_ =	shalt  }
0x86: {  	_ =	shalt  }
0x87: {  	_ =	shalt  }
.Lfunc_end0:
.L_simem_size_0:
called_computation.1_lowered:
.L_overlay_start_0:
0x88: {  	s2 =	sld [smem:$0x3FD9]  }
0x89: {  	s3 =	sld [smem:$0x3FFE];
	_ =	sdelay $0x1  }
0x8a: {  	s1 =	srdreg.scid  }
0x8b: {  	s0 =	sand.u32 $0x1, s1  }
0x8c: {  	s17 =	sshll.u32 s0, $0xA;
	s2 =	sadd.s32 s3, s2  }
0x8d: {  	s2 =	sadd.s32 s2, s17  }
0x8e: {  	[smem:$0x3FBE] =	sst s2  }
0x8f: {  	_ = 	snop  }
0x90: {  	s18 =	sld [smem:$0x3FC9];
	(tm) =	ssettm $0x1  }
0x91: {  	s19 =	sld [smem:$0x3FFB];
	_ =	sdelay $0x3  }
0x92: {  	_ =	strace s19  }
0x93: {  	s2 =	sld [smem:$0x3FFC];
	_ =	sdelay $0x3  }
0x94: {  	_ =	strace s2  }
0x95: {  	s2 =	sld [smem:$0x3FFD];
	_ =	sdelay $0x3  }
0x96: {  	_ =	strace s2  }
0x97: {  	_ =	strace $0x8FFFFFFF  }
0x98: {  	s20 =	sld [smem:$0x3FDB];
	_ =	sdelay $0x1  }
0x99: {  	s4 =	simm.s32 $_scs_section_size  }
0x9a: {  	s5 =	simm.s32 $_size__tile_overlayer_lowered;
	s6 =	simm.s32 $_tile_overlayer_lowered  }
0x9b: {  	s7 =	simm.s32 $0x1BFF;
	s21 =	sshll.u32 s6, $0x1;
	s4 =	sadd.s32 s4, s20  }
0x9c: {  	s22 =	simm.s32 $0x0;
	s5 =	sshll.u32 s5, $0x1;
	s6 =	sadd.s32 s21, s4  }
0x9d: {  	[timem:s22], [sflag:s7] =	dma.local [hbm:s6], s5  }
0x9e: {  	_ =	swait.ge [sflag:s7], s5  }
0x9f: {  	s5 =	ssub.s32 $0x0, s5;
	[sflag:s7] =	ssyncset.done $0x0  }
0xa0: {  	[sflag:s7] =	ssyncadd.s32 s5;
	_ =	sdelay $0x1  }
0xa1: {  	s23 =	simm.s32 $0x1B8B  }
0xa2: {  	_ =	swait.ge [sflag:s23], $0x1  }
0xa3: {  	[sflag:s23] =	ssyncset.done $0x0  }
0xa4: {  	[sflag:s23] =	ssyncadd.s32 $0xFFFFFFFF  }
0xa5: {  	s5 =	sld [smem:$0x0]  }
0xa6: {  	s6 =	sand.u32 $0xFFFFFFFE, s1  }
0xa7: {  	p0 =	sne.s32 s1, s6  }
0xa8: {  	s6 =	sshll.u32 @p0 s6, $0xE  }
0xa9: {  	s6 =	sadd.s32 @p0 $0x11B8D, s6;
	s7 =	sshll.u32 @p0 s5, $0x11  }
0xaa: {  	s6 =	sor.u32 @p0 s7, s6  }
0xab: {  	[sflag:s6] =	ssyncadd.remote.s32 @p0 $0x1;
	_ =	sdelay $0x1  }
0xac: {  	s6 =	simm.s32 @p0 $0x1B8D  }
0xad: {  	_ =	swait.eq @p0 [sflag:s6], $0x1  }
0xae: {  	[sflag:s6] =	ssyncadd.s32 @p0 $0xFFFFFFFF  }
0xaf: {  	s7 =	sshll.u32 @!p0 s1, $0xE  }
0xb0: {  	s7 =	sor.u32 @!p0 $0x4000, s7;
	s6 =	simm.s32 @!p0 $0x1B8D  }
0xb1: {  	s5 =	sshll.u32 @!p0 s5, $0x11;
	s7 =	sadd.s32 @!p0 $0x11B8D, s7;
	_ =	swait.eq @!p0 [sflag:s6], $0x1  }
0xb2: {  	s5 =	sor.u32 @!p0 s5, s7;
	[sflag:s6] =	ssyncadd.s32 @!p0 $0xFFFFFFFF  }
0xb3: {  	s25 =	simm.s32 $0x1B8E;
	s24 =	sld [smem:$0x3FFE];
	[sflag:s5] =	ssyncadd.remote.s32 @!p0 $0x1  }
0xb4: {  	s26 =	simm.s32 $execute0_lowered;
	[smem:$0x3FD2] =	sst s25  }
0xb5: {  	s6 =	sshll.u32 s26, $0x1;
	_ =	strace $0x80000049;
	[dreg:$0x1] =	wrdreg $0xFFFFFFFF  }
0xb6: {  	s28 =	simm.s32 $_size_execute0_lowered;
	s4 =	sadd.s32 s4, s6;
	[dreg:$0x0] =	wrdreg $0x0  }
0xb7: {  	s6 =	sshll.u32 s28, $0x1;
	[dreg:$0x2] =	wrdreg s4  }
0xb8: {  	[dreg:$0x3] =	wrdreg s6  }
0xb9: {  	[dreg:$0x4] =	wrdreg $0xC0  }
0xba: {  	_ =	task [dreg:s22], $0x5FFFF  }
0xbb: {  	[dreg:$0x1] =	wrdreg $0xFFFFFFFF  }
0xbc: {  	[dreg:$0x0] =	wrdreg $0x60  }
0xbd: {  	[dreg:$0x2] =	wrdreg s18  }
0xbe: {  	[dreg:$0x3] =	wrdreg s24  }
0xbf: {  	[dreg:$0x4] =	wrdreg $0xB0000  }
0xc0: {  	[dreg:$0x5] =	wrdreg $0xA  }
0xc1: {  	_ =	task.clear_ibuf [dreg:s22], $0x6FFFF;
	_ =	strace $0x90000049  }
0xc2: {  	s29 =	simm.s32 $0xA;
	_ =	strace $0x8000004B  }
0xc3: {  	_ =	swait.ge [sflag:s29], $0x1  }
0xc4: {  	[sflag:s29] =	ssyncadd.s32 $0xFFFFFFFF  }
0xc5: {  	_ =	strace $0x9000004B  }
0xc6: {  	_ =	sfence  }
0xc7: {  	s30 =	sld [smem:$0x0];
	_ =	sdelay $0x2  }
0xc8: {  	s31 =	sshll.u32 s1, $0xD;
	s1 =	sshrl.u32 s1, $0x2  }
0xc9: {  	s4 =	sand.u32 $0x4000, s31;
	s1 =	sadd.s32 s1, s30  }
0xca: {  	s0 =	sor.u32 s4, s0;
	s1 =	sshll.u32 s1, $0x11  }
0xcb: {  	s0 =	sor.u32 s1, s0  }
0xcc: {  	s0 =	sadd.s32 $0x8F2B, s0  }
0xcd: {  	[sflag:s0] =	ssyncadd.remote.s32 $0x1  }
0xce: {  	_ =	sfence.sel $0xFFFF  }
0xcf: {  	[dreg:$0x0] =	wrdreg $0xFFFFFFFF;
	(pc) =	sbr.abs _section_cstart, $3  }
0xd0: {  	[dreg:$0x1] =	wrdreg $0xFFFFFFFF  }
0xd1: {  	_ =	task.clear_ibuf [dreg:s22], $0x2FFFF;
	_ =	strace $0x9FFFFFFF  }
0xd2: {  	(tm) =	ssettm $0x7FFFFFFF  }
0xd3: {  	_ =	shalt  }
tec
execute0_lowered:
.L_overlay_start_1:
0x0: {  	(tag) =	ssettag $0x1  }
0x1: {  	s1 =	rddreg [dreg:$0x0]  }
0x2: {  	s0 =	rddreg [dreg:$0x1]  }
0x3: {  	s3 =	rddreg [dreg:$0x2];
	s2 =	simm.s32 $0x0  }
0x4: {  	s4 =	srdreg.scid;
	s9 =	stileid.u32;
	s13 =	simm.s32 $0x3000  }
0x5: {  	s14 =	simm.s32 $0x3800;
	s15 =	simm.s32 $0x4000;
	s16 =	simm.s32 $0x4800  }
0x6: {  	s17 =	simm.s32 $0x5000;
	s18 =	simm.s32 $0x5800;
	s19 =	simm.s32 $0x6000  }
0x7: {  	s20 =	simm.s32 $0x6800;
	s21 =	simm.s32 $0x7000;
	s22 =	simm.s32 $0x7800  }
0x8: {  	s28 =	simm.s32 $0x8800;
	s29 =	simm.s32 $0x9000;
	s30 =	simm.s32 $0x9800  }
0x9: {  	s31 =	simm.s32 $0xA000;
	s10 =	simm.s32 $0x0;
	[smem:$0x7FF] =	sst s2  }
0xa: {  	s4 =	sand.u32 $0x1, s4;
	s6 =	sshll.u32 s9, $0xC;
	s8 =	smul.u32 $0x4F000, s9  }
0xb: {  	s25 =	smul.u32 $0x2780, s9;
	s9 =	simm.s32 $0x6;
	_ =	strace $0x8000004A  }
0xc: {  	s5 =	smul.u32 $0x27800, s4;
	s4 =	ssub.s32 $0x2, s4;
	s6 =	sadd.s32 s6, s0  }
0xd: {  	s7 =	sshrl.u32 s4, $0x1;
	s24 =	sshrl.u32 s8, $0x2;
	s8 =	simm.s32 $0x2  }
0xe: {  	s0 =	sadd.s32 s5, s0;
	s7 =	ssub.s32 s4, s7;
	s4 =	sadd.s32 $0x17800, s6  }
.Ltmp0:
0xf: {  	s5 =	sadd.s32 $0x7800, s6;
	s3 =	sadd.s32 s24, s3;
	(pc) =	sbr.rel .LBB2_1-.Ltmp0, $4  }
0x10: {  	s24 =	simm.s32 $0x8000;
	s6 =	simm.s32 $0x4;
	s7 =	smax.u32 s7, $0x1  }
0x11: {  	v3 =	vlaneseq.u32;
	s0 =	sadd.s32 $0x27800, s0;
	s26 =	sshrl.u32 s3, $0x3;
	[dreg:$0x4] =	wrdreg s7  }
0x12: {  	v0 =	vimm.f32 $0.0e+00;
	vm0 =	vmmov $0xffff;
	v2 =	vshrl.u32 v3, $0x3;
	s3 =	simm.s32 $0x3;
	s0 =	sadd.s32 s25, s0;
	[dreg:$0x6] =	wrdreg s26  }
0x13: {  	v1 =	vand.u32 $0x7, v3;
	v3 =	vor.u32 $0x8, v3;
	v2 =	vmul.u32 $0x8, v2;
	s26 =	simm.s32 $0x1;
	[dreg:$0x5] =	wrdreg s0;
	s0 =	simm.s32 $0xA800  }
.LBB2_6:
0x14: {  	_ =	swait.ge [sflag:s3], $0x2800  }
0x15: {  	[sflag:s3] =	ssyncset.done $0x0  }
0x16: {  	[sflag:s3] =	ssyncadd.s32 $0xFFFFD800  }
0x17: {  	_ =	swait.ge [sflag:s6], $0x2800  }
0x18: {  	[sflag:s6] =	ssyncset.done $0x0  }
0x19: {  	[sflag:s6] =	ssyncadd.s32 $0xFFFFD800  }
0x1a: {  	s7 =	stileid.u32;
	[bflag:$0x0] =	sbarrier.arrive $0xFFFF  }
0x1b: {  	s7 =	sshll.u32 s7, $0x6;
	s9 =	rddreg [dreg:$0x5]  }
0x1c: {  	s7 =	sor.u32 $0x1C06, s7;
	s10 =	rddreg [dreg:$0x6]  }
0x1d: {  	[hbm:s9], [sflag:s7] =	dma.local [spmem:s10], $0x2780  }
0x1e: {  	s9 =	simm.s32 $0x6  }
0x1f: {  	_ =	swait.ge [sflag:s9], $0x2780  }
0x20: {  	s23 =	rddreg [dreg:$0x7]  }
0x21: {  	s25 =	rddreg [dreg:$0x4];
	s10 =	sadd.s32 $0x1, s23  }
0x22: {  	p0 =	sne.s32 s10, s25  }
.Ltmp1:
0x23: {  	_ = 	snop;
	(pc) =	sbr.rel @!p0 .LBB2_7-.Ltmp1, $3  }
0x24: {  	_ =	sdelay $0x1  }
0x25: {  	[sflag:s9] =	ssyncset.done $0x0  }
0x26: {  	[sflag:s9] =	ssyncadd.s32 $0xFFFFD880  }
.LBB2_1:
0x27: {  	[dreg:$0x7] =	wrdreg s10  }
0x28: {  	[tilespmem:s2], [sflag:$0x6] =	stream.linear.gather [hbm4b:s4+s2], $0x400, $0x38;
	[tilespmem:$0x1EC00] =	vst v63  }
0x29: {  	_ =	swait.ge [sflag:s9], $0x400  }
0x2a: {  	[sflag:s9] =	ssyncset.done $0x0  }
0x2b: {  	s7 =	simm.s32 $0x800;
	[sflag:s9] =	ssyncadd.s32 $0xFFFFFC00  }
0x2c: {  	[tilespmem:s7], [sflag:$0x6] =	stream.linear.gather [hbm4b:s5+s2], $0x400, $0x38;
	[tilespmem:$0x1EC00] =	vst v63  }
0x2d: {  	s12 =	sand.u32 $0x380, s2;
	s23 =	sand.u32 $0x3800, s2;
	_ =	swait.ge [sflag:s9], $0x400  }
0x2e: {  	s25 =	sand.u32 $0x70, s2;
	s7 =	sor.u32 s12, s23;
	[sflag:s9] =	ssyncset.done $0x0  }
0x2f: {  	s23 =	sor.u32 s25, s7;
	[sflag:s9] =	ssyncadd.s32 $0xFFFFFC00  }
0x30: {  	s7 =	simm.s32 $0x10;
	[tilespmem:s23+$0x1000] =	vst v0;
	s23 =	simm.s32 $0x0  }
.LBB2_2:
0x31: {  	s25 =	sand.u32 $0x380, s7;
	p0 =	sne.s32 s7, $0x13F0  }
.Ltmp2:
0x32: {  	s23 =	sadd.s32 $0x20, s23;
	s9 =	smov.u32 s7;
	(pc) =	sbr.rel @p0 .LBB2_2-.Ltmp2, $4  }
0x33: {  	s7 =	sadd.s32 $0x10, s7;
	s10 =	sand.u32 $0x3800, s23  }
0x34: {  	s9 =	sand.u32 $0x70, s9;
	s10 =	sor.u32 s25, s10  }
0x35: {  	s9 =	sor.u32 s9, s10  }
0x36: {  	[tilespmem:s9+$0x1000] =	vst v0  }
0x37: {  	[bflag:$0x0] =	sbarrier.arrive $0xFFFF  }
0x38: {  	v4 =	vld [tilespmem:$0x0];
	_ =	sdelay $0x4  }
0x39: {  	v5 =	vshll.u32 v4, $0x1  }
0x3a: {  	v4 =	vand.u32 $0x7, v4;
	v5 =	vand.u32 $0xFFFFFFF0, v5  }
0x3b: {  	v4 =	vor.u32 v4, v5  }
0x3c: {  	v5 =	vperm.xlane v4, v1;
	_ =	sdelay $0x1  }
0x3d: {  	v4 =	vperm.xlane v4, v3;
	v5 =	vadd.s32 v2, v5;
	_ =	sdelay $0x1  }
0x3e: {  	v4 =	vadd.s32 v2, v4;
	_ =	sdelay $0x1  }
0x3f: {  	s23 =	simm.s32 $0x0;
	s7 =	simm.s32 $0x1000  }
0x40: {  	[tilespmem:s7], [sflag:$0x1] =	stream.indirect_vreg.gather [hbm4b:s1+s23], $0x80, v5, vm0, $0xb8;
	[tilespmem:$0x1EC00] =	vst v63  }
0x41: {  	s11 =	simm.s32 $0x1800  }
0x42: {  	[tilespmem:s11], [sflag:$0x1] =	stream.indirect_vreg.gather [hbm4b:s1+s23], $0x80, v4, vm0, $0xb8;
	[tilespmem:$0x1EC00] =	vst v63  }
0x43: {  	v4 =	vld [tilespmem:$0x10];
	_ =	sdelay $0x4  }
0x44: {  	v5 =	vshll.u32 v4, $0x1  }
0x45: {  	v4 =	vand.u32 $0x7, v4;
	v5 =	vand.u32 $0xFFFFFFF0, v5  }
0x46: {  	v4 =	vor.u32 v4, v5  }
0x47: {  	v5 =	vperm.xlane v4, v1;
	_ =	sdelay $0x1  }
0x48: {  	v4 =	vperm.xlane v4, v3;
	v5 =	vadd.s32 v2, v5;
	_ =	sdelay $0x1  }
0x49: {  	v4 =	vadd.s32 v2, v4;
	_ =	sdelay $0x1  }
0x4a: {  	s12 =	simm.s32 $0x2000  }
0x4b: {  	[tilespmem:s12], [sflag:$0x1] =	stream.indirect_vreg.gather [hbm4b:s1+s23], $0x80, v5, vm0, $0xb8;
	[tilespmem:$0x1EC00] =	vst v63  }
0x4c: {  	s25 =	simm.s32 $0x2800  }
0x4d: {  	[tilespmem:s25], [sflag:$0x1] =	stream.indirect_vreg.gather [hbm4b:s1+s23], $0x80, v4, vm0, $0xb8;
	[tilespmem:$0x1EC00] =	vst v63  }
0x4e: {  	v4 =	vld.msk [tilespmem:$0x20], $0xff;
	_ =	sdelay $0x4  }
0x4f: {  	v5 =	vshll.u32 v4, $0x1  }
0x50: {  	v4 =	vand.u32 $0x7, v4;
	v5 =	vand.u32 $0xFFFFFFF0, v5  }
0x51: {  	v4 =	vor.u32 v4, v5  }
0x52: {  	v4 =	vperm.xlane v4, v1;
	_ =	sdelay $0x1  }
0x53: {  	v4 =	vadd.s32 v2, v4;
	_ =	sdelay $0x4  }
0x54: {  	[tilespmem:s13], [sflag:$0x1] =	stream.indirect_vreg.gather [hbm4b:s1+s23], $0x80, v4, vm0, $0xb8;
	[tilespmem:$0x1EC00] =	vst v63  }
0x55: {  	v4 =	vld [tilespmem:$0x80];
	_ =	sdelay $0x4  }
0x56: {  	v5 =	vshll.u32 v4, $0x1  }
0x57: {  	v4 =	vand.u32 $0x7, v4;
	v5 =	vand.u32 $0xFFFFFFF0, v5  }
0x58: {  	v4 =	vor.u32 v4, v5  }
0x59: {  	v5 =	vperm.xlane v4, v1;
	_ =	sdelay $0x1  }
0x5a: {  	v4 =	vperm.xlane v4, v3;
	v5 =	vadd.s32 v2, v5;
	_ =	sdelay $0x1  }
0x5b: {  	v4 =	vadd.s32 v2, v4;
	_ =	sdelay $0x2  }
0x5c: {  	[tilespmem:s14], [sflag:$0x2] =	stream.indirect_vreg.gather [hbm4b:s1+s23], $0x80, v5, vm0, $0xb8;
	[tilespmem:$0x1EC00] =	vst v63  }
0x5d: {  	_ = 	snop  }
0x5e: {  	[tilespmem:s15], [sflag:$0x2] =	stream.indirect_vreg.gather [hbm4b:s1+s23], $0x80, v4, vm0, $0xb8;
	[tilespmem:$0x1EC00] =	vst v63  }
0x5f: {  	v4 =	vld [tilespmem:$0x90];
	_ =	sdelay $0x4  }
0x60: {  	v5 =	vshll.u32 v4, $0x1  }
0x61: {  	v4 =	vand.u32 $0x7, v4;
	v5 =	vand.u32 $0xFFFFFFF0, v5  }
0x62: {  	v4 =	vor.u32 v4, v5  }
0x63: {  	v5 =	vperm.xlane v4, v1;
	_ =	sdelay $0x1  }
0x64: {  	v4 =	vperm.xlane v4, v3;
	v5 =	vadd.s32 v2, v5;
	_ =	sdelay $0x1  }
0x65: {  	v4 =	vadd.s32 v2, v4;
	_ =	sdelay $0x2  }
0x66: {  	[tilespmem:s16], [sflag:$0x2] =	stream.indirect_vreg.gather [hbm4b:s1+s23], $0x80, v5, vm0, $0xb8;
	[tilespmem:$0x1EC00] =	vst v63  }
0x67: {  	_ = 	snop  }
0x68: {  	[tilespmem:s17], [sflag:$0x2] =	stream.indirect_vreg.gather [hbm4b:s1+s23], $0x80, v4, vm0, $0xb8;
	[tilespmem:$0x1EC00] =	vst v63  }
0x69: {  	v4 =	vld.msk [tilespmem:$0xA0], $0xff;
	_ =	sdelay $0x4  }
0x6a: {  	v5 =	vshll.u32 v4, $0x1  }
0x6b: {  	v4 =	vand.u32 $0x7, v4;
	v5 =	vand.u32 $0xFFFFFFF0, v5  }
0x6c: {  	v4 =	vor.u32 v4, v5  }
0x6d: {  	v4 =	vperm.xlane v4, v1;
	_ =	sdelay $0x1  }
0x6e: {  	v4 =	vadd.s32 v2, v4;
	_ =	sdelay $0x4  }
0x6f: {  	[tilespmem:s18], [sflag:$0x2] =	stream.indirect_vreg.gather [hbm4b:s1+s23], $0x80, v4, vm0, $0xb8;
	[tilespmem:$0x1EC00] =	vst v63  }
0x70: {  	v4 =	vld [tilespmem:$0x100];
	_ =	sdelay $0x4  }
0x71: {  	v5 =	vshll.u32 v4, $0x1  }
0x72: {  	v4 =	vand.u32 $0x7, v4;
	v5 =	vand.u32 $0xFFFFFFF0, v5  }
0x73: {  	v4 =	vor.u32 v4, v5  }
0x74: {  	v5 =	vperm.xlane v4, v1;
	_ =	sdelay $0x1  }
0x75: {  	v4 =	vperm.xlane v4, v3;
	v5 =	vadd.s32 v2, v5;
	_ =	sdelay $0x1  }
0x76: {  	v4 =	vadd.s32 v2, v4;
	_ =	sdelay $0x2  }
0x77: {  	[tilespmem:s19], [sflag:$0x3] =	stream.indirect_vreg.gather [hbm4b:s1+s23], $0x80, v5, vm0, $0xb8;
	[tilespmem:$0x1EC00] =	vst v63  }
0x78: {  	_ = 	snop  }
0x79: {  	[tilespmem:s20], [sflag:$0x3] =	stream.indirect_vreg.gather [hbm4b:s1+s23], $0x80, v4, vm0, $0xb8;
	[tilespmem:$0x1EC00] =	vst v63  }
0x7a: {  	v4 =	vld [tilespmem:$0x110];
	_ =	sdelay $0x4  }
0x7b: {  	v5 =	vshll.u32 v4, $0x1  }
0x7c: {  	v4 =	vand.u32 $0x7, v4;
	v5 =	vand.u32 $0xFFFFFFF0, v5  }
0x7d: {  	v4 =	vor.u32 v4, v5  }
0x7e: {  	v5 =	vperm.xlane v4, v1;
	_ =	sdelay $0x1  }
0x7f: {  	v4 =	vperm.xlane v4, v3;
	v5 =	vadd.s32 v2, v5;
	_ =	sdelay $0x1  }
0x80: {  	v4 =	vadd.s32 v2, v4;
	_ =	sdelay $0x2  }
0x81: {  	[tilespmem:s21], [sflag:$0x3] =	stream.indirect_vreg.gather [hbm4b:s1+s23], $0x80, v5, vm0, $0xb8;
	[tilespmem:$0x1EC00] =	vst v63  }
0x82: {  	_ = 	snop  }
0x83: {  	[tilespmem:s22], [sflag:$0x3] =	stream.indirect_vreg.gather [hbm4b:s1+s23], $0x80, v4, vm0, $0xb8;
	[tilespmem:$0x1EC00] =	vst v63  }
0x84: {  	v4 =	vld.msk [tilespmem:$0x120], $0xff;
	_ =	sdelay $0x4  }
0x85: {  	v5 =	vshll.u32 v4, $0x1  }
0x86: {  	v4 =	vand.u32 $0x7, v4;
	v5 =	vand.u32 $0xFFFFFFF0, v5  }
0x87: {  	v4 =	vor.u32 v4, v5  }
0x88: {  	v4 =	vperm.xlane v4, v1;
	_ =	sdelay $0x1  }
0x89: {  	v4 =	vadd.s32 v2, v4;
	_ =	sdelay $0x3  }
0x8a: {  	s7 =	simm.s32 $0x0  }
0x8b: {  	[tilespmem:s24], [sflag:$0x3] =	stream.indirect_vreg.gather [hbm4b:s1+s23], $0x80, v4, vm0, $0xb8;
	[tilespmem:$0x1EC00] =	vst v63  }
.LBB2_4:
0x8c: {  	s9 =	sand.u32 $0x1, s7;
	p0 =	sgt.u32 s7, $0x3D  }
0x8d: {  	p1 =	sne.s32 @!p0 s9, $0x0  }
0x8e: {  	p1 =	por p1, p0  }
0x8f: {  	s10 =	sshrl.u32 @!p1 s7, $0x1  }
0x90: {  	p6 =	seq.s32 s9, $0x1;
	s10 =	sadd.s32 @!p1 $0x1, s10  }
0x91: {  	p0 =	por !p6, p0;
	s25 =	sshll.u32 @!p1 s10, $0xA;
	s10 =	sshll.u32 @!p1 s10, $0x7  }
0x92: {  	s12 =	simm.s32 @!p1 $0x0;
	s25 =	sand.u32 @!p1 $0x400, s25;
	s11 =	sadd.s32 @!p1 s4, s10  }
0x93: {  	[tilespmem:s25], [sflag:$0x5] =	stream.linear.gather @!p1 [hbm4b:s11+s12], $0x400, $0x38;
	[tilespmem:$0x1EC00] =	vst v63  }
0x94: {  	s9 =	simm.s32 @!p0 $0x5;
	s10 =	sadd.s32 @!p1 s5, s10;
	s11 =	sor.u32 @!p1 $0x800, s25  }
0x95: {  	[tilespmem:s11], [sflag:$0x5] =	stream.linear.gather @!p1 [hbm4b:s10+s12], $0x400, $0x38;
	[tilespmem:$0x1EC00] =	vst v63  }
0x96: {  	_ =	swait.ge @!p0 [sflag:s9], $0x400  }
0x97: {  	[sflag:s9] =	ssyncset.done @!p0 $0x0  }
0x98: {  	[sflag:s9] =	ssyncadd.s32 @!p0 $0xFFFFFC00  }
0x99: {  	_ =	swait.ge @!p0 [sflag:s9], $0x400  }
0x9a: {  	[sflag:s9] =	ssyncset.done @!p0 $0x0  }
0x9b: {  	[sflag:s9] =	ssyncadd.s32 @!p0 $0xFFFFFC00  }
0x9c: {  	_ =	swait.ge [sflag:s26], $0x2800  }
0x9d: {  	[sflag:s26] =	ssyncset.done $0x0  }
0x9e: {  	s25 =	sand.u32 $0x600, s23;
	[sflag:s26] =	ssyncadd.s32 $0xFFFFD800  }
0x9f: {  	v4 =	vld [tilespmem:s25+$0x180];
	_ =	sdelay $0x4  }
0xa0: {  	v5 =	vshll.u32 v4, $0x1  }
0xa1: {  	v4 =	vand.u32 $0x7, v4;
	v5 =	vand.u32 $0xFFFFFFF0, v5  }
0xa2: {  	v4 =	vor.u32 v4, v5  }
0xa3: {  	v5 =	vperm.xlane v4, v1;
	_ =	sdelay $0x1  }
0xa4: {  	v4 =	vperm.xlane v4, v3;
	v5 =	vadd.s32 v2, v5;
	_ =	sdelay $0x1  }
0xa5: {  	v4 =	vadd.s32 v2, v4;
	_ =	sdelay $0x2  }
0xa6: {  	[tilespmem:s28], [sflag:$0x4] =	stream.indirect_vreg.gather [hbm4b:s1+s2], $0x80, v5, vm0, $0xb8;
	[tilespmem:$0x1EC00] =	vst v63  }
0xa7: {  	_ = 	snop  }
0xa8: {  	[tilespmem:s29], [sflag:$0x4] =	stream.indirect_vreg.gather [hbm4b:s1+s2], $0x80, v4, vm0, $0xb8;
	[tilespmem:$0x1EC00] =	vst v63  }
0xa9: {  	v4 =	vld [tilespmem:s25+$0x190];
	_ =	sdelay $0x4  }
0xaa: {  	v5 =	vshll.u32 v4, $0x1  }
0xab: {  	v4 =	vand.u32 $0x7, v4;
	v5 =	vand.u32 $0xFFFFFFF0, v5  }
0xac: {  	v4 =	vor.u32 v4, v5  }
0xad: {  	v5 =	vperm.xlane v4, v1;
	_ =	sdelay $0x1  }
0xae: {  	v4 =	vperm.xlane v4, v3;
	v5 =	vadd.s32 v2, v5;
	_ =	sdelay $0x1  }
0xaf: {  	v4 =	vadd.s32 v2, v4;
	_ =	sdelay $0x2  }
0xb0: {  	[tilespmem:s30], [sflag:$0x4] =	stream.indirect_vreg.gather [hbm4b:s1+s2], $0x80, v5, vm0, $0xb8;
	[tilespmem:$0x1EC00] =	vst v63  }
0xb1: {  	s9 =	sor.u32 $0x1A0, s25  }
0xb2: {  	[tilespmem:s31], [sflag:$0x4] =	stream.indirect_vreg.gather [hbm4b:s1+s2], $0x80, v4, vm0, $0xb8;
	[tilespmem:$0x1EC00] =	vst v63  }
0xb3: {  	v4 =	vld.msk [tilespmem:s9+$0x0], $0xff;
	_ =	sdelay $0x4  }
0xb4: {  	v5 =	vshll.u32 v4, $0x1  }
0xb5: {  	v4 =	vand.u32 $0x7, v4;
	v5 =	vand.u32 $0xFFFFFFF0, v5  }
0xb6: {  	v4 =	vor.u32 v4, v5  }
0xb7: {  	v4 =	vperm.xlane v4, v1;
	_ =	sdelay $0x1  }
0xb8: {  	v4 =	vadd.s32 v2, v4;
	_ =	sdelay $0x2  }
0xb9: {  	p0 =	seq.s32 s7, $0x3F  }
.Ltmp3:
0xba: {  	_ = 	snop;
	(pc) =	sbr.rel @p0 .LBB2_6-.Ltmp3, $4  }
0xbb: {  	[tilespmem:s0], [sflag:$0x4] =	stream.indirect_vreg.gather [hbm4b:s1+s2], $0x80, v4, vm0, $0xb8;
	[tilespmem:$0x1EC00] =	vst v63  }
0xbc: {  	_ =	swait.ge [sflag:s8], $0x2800  }
0xbd: {  	[sflag:s8] =	ssyncset.done $0x0  }
0xbe: {  	[sflag:s8] =	ssyncadd.s32 $0xFFFFD800  }
0xbf: {  	s25 =	sadd.s32 $0x200, s23  }
0xc0: {  	s9 =	sand.u32 $0x600, s25  }
0xc1: {  	v4 =	vld [tilespmem:s9+$0x0];
	_ =	sdelay $0x4  }
0xc2: {  	v5 =	vshll.u32 v4, $0x1  }
0xc3: {  	v4 =	vand.u32 $0x7, v4;
	v5 =	vand.u32 $0xFFFFFFF0, v5  }
0xc4: {  	v4 =	vor.u32 v4, v5  }
0xc5: {  	v5 =	vperm.xlane v4, v1;
	_ =	sdelay $0x1  }
0xc6: {  	v4 =	vperm.xlane v4, v3;
	v5 =	vadd.s32 v2, v5;
	_ =	sdelay $0x1  }
0xc7: {  	v4 =	vadd.s32 v2, v4;
	_ =	sdelay $0x1  }
0xc8: {  	s10 =	simm.s32 $0x1000  }
0xc9: {  	[tilespmem:s10], [sflag:$0x1] =	stream.indirect_vreg.gather [hbm4b:s1+s2], $0x80, v5, vm0, $0xb8;
	[tilespmem:$0x1EC00] =	vst v63  }
0xca: {  	s11 =	simm.s32 $0x1800  }
0xcb: {  	[tilespmem:s11], [sflag:$0x1] =	stream.indirect_vreg.gather [hbm4b:s1+s2], $0x80, v4, vm0, $0xb8;
	[tilespmem:$0x1EC00] =	vst v63  }
0xcc: {  	v4 =	vld [tilespmem:s9+$0x10];
	_ =	sdelay $0x4  }
0xcd: {  	v5 =	vshll.u32 v4, $0x1  }
0xce: {  	v4 =	vand.u32 $0x7, v4;
	v5 =	vand.u32 $0xFFFFFFF0, v5  }
0xcf: {  	v4 =	vor.u32 v4, v5  }
0xd0: {  	v5 =	vperm.xlane v4, v1;
	_ =	sdelay $0x1  }
0xd1: {  	v4 =	vperm.xlane v4, v3;
	v5 =	vadd.s32 v2, v5;
	_ =	sdelay $0x1  }
0xd2: {  	v4 =	vadd.s32 v2, v4;
	_ =	sdelay $0x1  }
0xd3: {  	s12 =	simm.s32 $0x2000  }
0xd4: {  	[tilespmem:s12], [sflag:$0x1] =	stream.indirect_vreg.gather [hbm4b:s1+s2], $0x80, v5, vm0, $0xb8;
	[tilespmem:$0x1EC00] =	vst v63  }
0xd5: {  	s11 =	simm.s32 $0x2800;
	s9 =	sor.u32 $0x20, s9  }
0xd6: {  	[tilespmem:s11], [sflag:$0x1] =	stream.indirect_vreg.gather [hbm4b:s1+s2], $0x80, v4, vm0, $0xb8;
	[tilespmem:$0x1EC00] =	vst v63  }
0xd7: {  	v4 =	vld.msk [tilespmem:s9+$0x0], $0xff;
	_ =	sdelay $0x4  }
0xd8: {  	v5 =	vshll.u32 v4, $0x1  }
0xd9: {  	v4 =	vand.u32 $0x7, v4;
	v5 =	vand.u32 $0xFFFFFFF0, v5  }
0xda: {  	v4 =	vor.u32 v4, v5  }
0xdb: {  	v4 =	vperm.xlane v4, v1;
	_ =	sdelay $0x1  }
0xdc: {  	v4 =	vadd.s32 v2, v4;
	_ =	sdelay $0x4  }
0xdd: {  	[tilespmem:s13], [sflag:$0x1] =	stream.indirect_vreg.gather [hbm4b:s1+s2], $0x80, v4, vm0, $0xb8;
	[tilespmem:$0x1EC00] =	vst v63  }
0xde: {  	_ =	swait.ge [sflag:s3], $0x2800  }
0xdf: {  	s12 =	sadd.s32 $0x280, s23;
	[sflag:s3] =	ssyncset.done $0x0  }
0xe0: {  	s9 =	sand.u32 $0x680, s12;
	[sflag:s3] =	ssyncadd.s32 $0xFFFFD800  }
0xe1: {  	v4 =	vld [tilespmem:s9+$0x0];
	_ =	sdelay $0x4  }
0xe2: {  	v5 =	vshll.u32 v4, $0x1  }
0xe3: {  	v4 =	vand.u32 $0x7, v4;
	v5 =	vand.u32 $0xFFFFFFF0, v5  }
0xe4: {  	v4 =	vor.u32 v4, v5  }
0xe5: {  	v5 =	vperm.xlane v4, v1;
	_ =	sdelay $0x1  }
0xe6: {  	v4 =	vperm.xlane v4, v3;
	v5 =	vadd.s32 v2, v5;
	_ =	sdelay $0x1  }
0xe7: {  	v4 =	vadd.s32 v2, v4;
	_ =	sdelay $0x2  }
0xe8: {  	[tilespmem:s14], [sflag:$0x2] =	stream.indirect_vreg.gather [hbm4b:s1+s2], $0x80, v5, vm0, $0xb8;
	[tilespmem:$0x1EC00] =	vst v63  }
0xe9: {  	_ = 	snop  }
0xea: {  	[tilespmem:s15], [sflag:$0x2] =	stream.indirect_vreg.gather [hbm4b:s1+s2], $0x80, v4, vm0, $0xb8;
	[tilespmem:$0x1EC00] =	vst v63  }
0xeb: {  	v4 =	vld [tilespmem:s9+$0x10];
	_ =	sdelay $0x4  }
0xec: {  	v5 =	vshll.u32 v4, $0x1  }
0xed: {  	v4 =	vand.u32 $0x7, v4;
	v5 =	vand.u32 $0xFFFFFFF0, v5  }
0xee: {  	v4 =	vor.u32 v4, v5  }
0xef: {  	v5 =	vperm.xlane v4, v1;
	_ =	sdelay $0x1  }
0xf0: {  	v4 =	vperm.xlane v4, v3;
	v5 =	vadd.s32 v2, v5;
	_ =	sdelay $0x1  }
0xf1: {  	v4 =	vadd.s32 v2, v4;
	_ =	sdelay $0x2  }
0xf2: {  	[tilespmem:s16], [sflag:$0x2] =	stream.indirect_vreg.gather [hbm4b:s1+s2], $0x80, v5, vm0, $0xb8;
	[tilespmem:$0x1EC00] =	vst v63  }
0xf3: {  	s9 =	sor.u32 $0x20, s9  }
0xf4: {  	[tilespmem:s17], [sflag:$0x2] =	stream.indirect_vreg.gather [hbm4b:s1+s2], $0x80, v4, vm0, $0xb8;
	[tilespmem:$0x1EC00] =	vst v63  }
0xf5: {  	v4 =	vld.msk [tilespmem:s9+$0x0], $0xff;
	_ =	sdelay $0x4  }
0xf6: {  	v5 =	vshll.u32 v4, $0x1  }
0xf7: {  	v4 =	vand.u32 $0x7, v4;
	v5 =	vand.u32 $0xFFFFFFF0, v5  }
0xf8: {  	v4 =	vor.u32 v4, v5  }
0xf9: {  	v4 =	vperm.xlane v4, v1;
	_ =	sdelay $0x1  }
0xfa: {  	v4 =	vadd.s32 v2, v4;
	_ =	sdelay $0x4  }
0xfb: {  	[tilespmem:s18], [sflag:$0x2] =	stream.indirect_vreg.gather [hbm4b:s1+s2], $0x80, v4, vm0, $0xb8;
	[tilespmem:$0x1EC00] =	vst v63  }
0xfc: {  	_ =	swait.ge [sflag:s6], $0x2800  }
0xfd: {  	s23 =	sadd.s32 $0x300, s23;
	[sflag:s6] =	ssyncset.done $0x0  }
0xfe: {  	s9 =	sand.u32 $0x700, s23;
	[sflag:s6] =	ssyncadd.s32 $0xFFFFD800  }
0xff: {  	v4 =	vld [tilespmem:s9+$0x0];
	_ =	sdelay $0x4  }
0x100: {  	v5 =	vshll.u32 v4, $0x1  }
0x101: {  	v4 =	vand.u32 $0x7, v4;
	v5 =	vand.u32 $0xFFFFFFF0, v5  }
0x102: {  	v4 =	vor.u32 v4, v5  }
0x103: {  	v5 =	vperm.xlane v4, v1;
	_ =	sdelay $0x1  }
0x104: {  	v4 =	vperm.xlane v4, v3;
	v5 =	vadd.s32 v2, v5;
	_ =	sdelay $0x1  }
0x105: {  	v4 =	vadd.s32 v2, v4;
	_ =	sdelay $0x2  }
0x106: {  	[tilespmem:s19], [sflag:$0x3] =	stream.indirect_vreg.gather [hbm4b:s1+s2], $0x80, v5, vm0, $0xb8;
	[tilespmem:$0x1EC00] =	vst v63  }
0x107: {  	_ = 	snop  }
0x108: {  	[tilespmem:s20], [sflag:$0x3] =	stream.indirect_vreg.gather [hbm4b:s1+s2], $0x80, v4, vm0, $0xb8;
	[tilespmem:$0x1EC00] =	vst v63  }
0x109: {  	v4 =	vld [tilespmem:s9+$0x10];
	_ =	sdelay $0x4  }
0x10a: {  	v5 =	vshll.u32 v4, $0x1  }
0x10b: {  	v4 =	vand.u32 $0x7, v4;
	v5 =	vand.u32 $0xFFFFFFF0, v5  }
0x10c: {  	v4 =	vor.u32 v4, v5  }
0x10d: {  	v5 =	vperm.xlane v4, v1;
	_ =	sdelay $0x1  }
0x10e: {  	v4 =	vperm.xlane v4, v3;
	v5 =	vadd.s32 v2, v5;
	_ =	sdelay $0x1  }
0x10f: {  	v4 =	vadd.s32 v2, v4;
	_ =	sdelay $0x2  }
0x110: {  	[tilespmem:s21], [sflag:$0x3] =	stream.indirect_vreg.gather [hbm4b:s1+s2], $0x80, v5, vm0, $0xb8;
	[tilespmem:$0x1EC00] =	vst v63  }
0x111: {  	s9 =	sor.u32 $0x20, s9  }
0x112: {  	[tilespmem:s22], [sflag:$0x3] =	stream.indirect_vreg.gather [hbm4b:s1+s2], $0x80, v4, vm0, $0xb8;
	[tilespmem:$0x1EC00] =	vst v63  }
0x113: {  	v4 =	vld.msk [tilespmem:s9+$0x0], $0xff;
	_ =	sdelay $0x4  }
0x114: {  	v5 =	vshll.u32 v4, $0x1  }
0x115: {  	v4 =	vand.u32 $0x7, v4;
	v5 =	vand.u32 $0xFFFFFFF0, v5  }
0x116: {  	v4 =	vor.u32 v4, v5  }
0x117: {  	v4 =	vperm.xlane v4, v1;
	_ =	sdelay $0x1  }
0x118: {  	v4 =	vadd.s32 v2, v4  }
.Ltmp4:
0x119: {  	_ = 	snop;
	(pc) =	sbr.rel .LBB2_4-.Ltmp4, $3  }
0x11a: {  	_ =	sdelay $0x1  }
0x11b: {  	s7 =	sadd.s32 $0x1, s7;
	s23 =	smov.u32 s25  }
0x11c: {  	[tilespmem:s24], [sflag:$0x3] =	stream.indirect_vreg.gather [hbm4b:s1+s2], $0x80, v4, vm0, $0xb8;
	[tilespmem:$0x1EC00] =	vst v63  }
.LBB2_7:
0x11d: {  	_ =	sfence.sel $0x180000  }
0x11e: {  	[bflag:$0x0] =	sbarrier.arrive $0xFFFF  }
0x11f: {  	_ =	strace $0x9000004A  }
0x120: {  	s0 =	stileid.u32;
	[bflag:$0x2] =	sbarrier.arrive $0xFFFF  }
0x121: {  	p0 =	sne.s32 s0, $0x0;
	s0 =	rddreg [dreg:$0x3]  }
0x122: {  	s0 =	sadd.s32 @!p0 $0x100000, s0  }
0x123: {  	[sflag:s0] =	ssyncadd.tile.s32 @!p0 $0x1;
	_ =	shalt  }
.Lfunc_end2:
_tile_overlayer_lowered:
.L_overlay_start_2:
0x124: {  	(tag) =	ssettag $0x2  }
0x125: {  	s0 =	rddreg [dreg:$0x0];
	s2 =	stileid.u32  }
0x126: {  	s1 =	rddreg [dreg:$0x1];
	p0 =	sne.s32 s2, $0x0  }
0x127: {  	s3 =	rddreg [dreg:$0x2];
	[bflag:$0x3] =	sbarrier.arrive $0xFFFF;
	s2 =	simm.s32 @!p0 $0x1C06  }
0x128: {  	[timem:s3], [sflag:s2] =	dma.local @!p0 [hbm:s0], s1  }
0x129: {  	s0 =	simm.s32 @!p0 $0x6  }
0x12a: {  	_ =	swait.ge @!p0 [sflag:s0], s1  }
0x12b: {  	s1 =	ssub.s32 @!p0 $0x0, s1;
	[sflag:s0] =	ssyncset.done @!p0 $0x0  }
0x12c: {  	[sflag:s0] =	ssyncadd.s32 @!p0 s1  }
0x12d: {  	[bflag:$0x3] =	sbarrier.arrive $0xFFFF  }
0x12e: {  	_ =	shalt  }

// kernel: kernel.8.cloned.1.call-start
scs
__scs_entry_jumppad:
0x0: {  	(pc) =	sbr.rel $0x88, $3  }
0x1: {  	(tag) =	ssettag $0x0;
	lr =	simm.s32 $0x1  }
0x2: {  	[smem:$0x3F97] =	sst lr;
	_ =	strace $0xD0000000  }
0x3: {  	_ = 	snop  }
0x4: {  	_ = 	snop  }
0x5: {  	_ = 	snop  }
0x6: {  	_ = 	snop  }
0x7: {  	_ = 	snop  }
__scs_overlays_trampoline_lowered:
0x8: {  	[smem:$0x3FA6] =	sst s0  }
0x9: {  	[smem:$0x3FA7] =	sst s1  }
0xa: {  	[smem:$0x3FA8] =	sst s2  }
0xb: {  	[smem:$0x3FA9] =	sst s3  }
0xc: {  	[smem:$0x3FAA] =	sst s4  }
0xd: {  	[smem:$0x3FAB] =	sst s5  }
0xe: {  	[smem:$0x3FAC] =	sst s6  }
0xf: {  	[smem:$0x3FAD] =	sst s7  }
0x10: {  	[smem:$0x3FAE] =	sst s8  }
0x11: {  	[smem:$0x3FAF] =	sst s9;
	s0 =	simm.s32 @!p0 $0x0  }
0x12: {  	s1 =	sld [smem:$0x3F95];
	s0 =	simm.s32 @p0 $0x1  }
0x13: {  	[smem:$0x3FB0] =	sst s0;
	s0 =	simm.s32 @!p1 $0x0  }
0x14: {  	s2 =	sld [smem:$0x3F94];
	s0 =	simm.s32 @p1 $0x1  }
0x15: {  	[smem:$0x3FB1] =	sst s0;
	s0 =	simm.s32 @!p2 $0x0  }
0x16: {  	s3 =	sld [smem:$0x3FDB];
	s0 =	simm.s32 @p2 $0x1  }
0x17: {  	s4 =	simm.s32 $0x1BF5;
	[smem:$0x3FB3] =	sst s0  }
0x18: {  	s0 =	sld [smem:$0x3F96];
	_ =	swait.ge [sflag:s4], $0x0  }
0x19: {  	s7 =	sld [smem:$0x3F97]  }
0x1a: {  	s8 =	sadd.s32 $0xFFFFE003, lr  }
0x1b: {  	s9 =	sadd.s32 $0xFFFFFEF7, lr;
	s5 =	simm.s32 $0xFFFFFFFF;
	p2 =	slt.u32 s8, $0xFFFFF086  }
0x1c: {  	p1 =	slt.u32 s9, $0xF7A;
	s5 =	simm.s32 @!p2 $0x0  }
0x1d: {  	s5 =	simm.s32 @p1 $0x1;
	p0 =	seq.s32 s7, s2  }
0x1e: {  	s7 =	smul.u32 @!p0 $0xF7A, s2;
	p2 =	seq.s32 @!p0 s5, $0x0  }
0x1f: {  	s9 =	smul.u32 $0xF7A, s1;
	s8 =	simm.s32 @!p0 $0x1BF5;
	p2 =	por !p2, p0  }
0x20: {  	[sflag:s8] =	ssyncset.s32 @!p0 $0xFFFFF086;
	s6 =	sadd.s32 @!p0 s3, s7;
	s7 =	simm.s32 @!p0 $0x108  }
0x21: {  	s3 =	sadd.s32 s3, s9;
	s6 =	sadd.s32 @!p0 $0x88, s6;
	s7 =	simm.s32 @p2 $0x1082  }
0x22: {  	[simem:s7], [sflag:s8] =	dma.local @!p0 [hbm:s6], $0xF7A  }
0x23: {  	s9 =	sor.u32 $0xD0000000, s2;
	s6 =	simm.s32 $0x108;
	_ =	swait.ge @!p0 [sflag:s8], $0x0  }
0x24: {  	s3 =	sadd.s32 $0x88, s3;
	s6 =	simm.s32 @!p1 $0x1082;
	[sflag:s4] =	ssyncset.s32 $0xFFFFF086  }
0x25: {  	[simem:s6], [sflag:s4] =	dma.local [hbm:s3], $0xF7A  }
0x26: {  	[smem:$0x3F97] =	sst s1;
	(tag) =	ssettag s2;
	_ =	strace s9  }
0x27: {  	s1 =	sld [smem:$0x3FA7]  }
0x28: {  	s2 =	sld [smem:$0x3FA8]  }
0x29: {  	s4 =	sld [smem:$0x3FAA]  }
0x2a: {  	p0 =	seq.s32 s5, $0x0;
	s5 =	sld [smem:$0x3FAB]  }
0x2b: {  	s6 =	sld [smem:$0x3FAC]  }
0x2c: {  	s7 =	sld [smem:$0x3FAD]  }
0x2d: {  	s3 =	simm.s32 $0x108;
	s8 =	sld [smem:$0x3FAE]  }
0x2e: {  	s3 =	simm.s32 @!p0 $0x1082;
	s9 =	sld [smem:$0x3FAF]  }
0x2f: {  	lr =	sadd.s32 s0, s3;
	s0 =	sld [smem:$0x3FA6]  }
0x30: {  	s3 =	sld [smem:$0x3FA9]  }
0x31: {  	[smem:$0x3FB2] =	sst s10  }
0x32: {  	s10 =	sld [smem:$0x3FB0];
	_ =	sdelay $0x3  }
0x33: {  	p0 =	seq.s32 s10, $0x1;
	s10 =	sld [smem:$0x3FB2];
	_ =	sdelay $0x3  }
0x34: {  	[smem:$0x3FB2] =	sst s10  }
0x35: {  	s10 =	sld [smem:$0x3FB1];
	_ =	sdelay $0x3  }
0x36: {  	p1 =	seq.s32 s10, $0x1;
	s10 =	sld [smem:$0x3FB2];
	_ =	sdelay $0x3  }
0x37: {  	[smem:$0x3FB2] =	sst s10  }
0x38: {  	s10 =	sld [smem:$0x3FB3]  }
0x39: {  	_ = 	snop;
	(pc) =	sbr.ind lr, $3  }
0x3a: {  	_ = 	snop  }
0x3b: {  	_ = 	snop  }
0x3c: {  	p2 =	seq.s32 s10, $0x1;
	s10 =	sld [smem:$0x3FB2]  }
0x3d: {  	_ =	shalt  }
0x3e: {  	_ =	shalt  }
0x3f: {  	_ =	shalt  }
0x40: {  	_ =	shalt  }
0x41: {  	_ =	shalt  }
0x42: {  	_ =	shalt  }
0x43: {  	_ =	shalt  }
0x44: {  	_ =	shalt  }
0x45: {  	_ =	shalt  }
0x46: {  	_ =	shalt  }
0x47: {  	_ =	shalt  }
0x48: {  	_ =	shalt  }
0x49: {  	_ =	shalt  }
0x4a: {  	_ =	shalt  }
0x4b: {  	_ =	shalt  }
0x4c: {  	_ =	shalt  }
0x4d: {  	_ =	shalt  }
0x4e: {  	_ =	shalt  }
0x4f: {  	_ =	shalt  }
0x50: {  	_ =	shalt  }
0x51: {  	_ =	shalt  }
0x52: {  	_ =	shalt  }
0x53: {  	_ =	shalt  }
0x54: {  	_ =	shalt  }
0x55: {  	_ =	shalt  }
0x56: {  	_ =	shalt  }
0x57: {  	_ =	shalt  }
0x58: {  	_ =	shalt  }
0x59: {  	_ =	shalt  }
0x5a: {  	_ =	shalt  }
0x5b: {  	_ =	shalt  }
0x5c: {  	_ =	shalt  }
0x5d: {  	_ =	shalt  }
0x5e: {  	_ =	shalt  }
0x5f: {  	_ =	shalt  }
0x60: {  	_ =	shalt  }
0x61: {  	_ =	shalt  }
0x62: {  	_ =	shalt  }
0x63: {  	_ =	shalt  }
0x64: {  	_ =	shalt  }
0x65: {  	_ =	shalt  }
0x66: {  	_ =	shalt  }
0x67: {  	_ =	shalt  }
0x68: {  	_ =	shalt  }
0x69: {  	_ =	shalt  }
0x6a: {  	_ =	shalt  }
0x6b: {  	_ =	shalt  }
0x6c: {  	_ =	shalt  }
0x6d: {  	_ =	shalt  }
0x6e: {  	_ =	shalt  }
0x6f: {  	_ =	shalt  }
0x70: {  	_ =	shalt  }
0x71: {  	_ =	shalt  }
0x72: {  	_ =	shalt  }
0x73: {  	_ =	shalt  }
0x74: {  	_ =	shalt  }
0x75: {  	_ =	shalt  }
0x76: {  	_ =	shalt  }
0x77: {  	_ =	shalt  }
0x78: {  	_ =	shalt  }
0x79: {  	_ =	shalt  }
0x7a: {  	_ =	shalt  }
0x7b: {  	_ =	shalt  }
0x7c: {  	_ =	shalt  }
0x7d: {  	_ =	shalt  }
0x7e: {  	_ =	shalt  }
0x7f: {  	_ =	shalt  }
0x80: {  	_ =	shalt  }
0x81: {  	_ =	shalt  }
0x82: {  	_ =	shalt  }
0x83: {  	_ =	shalt  }
0x84: {  	_ =	shalt  }
0x85: {  	_ =	shalt  }
0x86: {  	_ =	shalt  }
0x87: {  	_ =	shalt  }
.Lfunc_end0:
.L_simem_size_0:
called_computation_lowered:
.L_overlay_start_0:
0x88: {  	s2 =	sld [smem:$0x3FD9]  }
0x89: {  	s3 =	sld [smem:$0x3FFE];
	_ =	sdelay $0x1  }
0x8a: {  	s1 =	srdreg.scid  }
0x8b: {  	s0 =	sand.u32 $0x1, s1  }
0x8c: {  	s16 =	sshll.u32 s0, $0xA;
	s2 =	sadd.s32 s3, s2  }
0x8d: {  	s2 =	sadd.s32 s2, s16  }
0x8e: {  	[smem:$0x3FBE] =	sst s2  }
0x8f: {  	_ = 	snop  }
0x90: {  	(tm) =	ssettm $0x1  }
0x91: {  	s17 =	sld [smem:$0x3FFB];
	_ =	sdelay $0x3  }
0x92: {  	_ =	strace s17  }
0x93: {  	s2 =	sld [smem:$0x3FFC];
	_ =	sdelay $0x3  }
0x94: {  	_ =	strace s2  }
0x95: {  	s2 =	sld [smem:$0x3FFD];
	_ =	sdelay $0x3  }
0x96: {  	_ =	strace s2  }
0x97: {  	_ =	strace $0x8FFFFFFF  }
0x98: {  	s18 =	sld [smem:$0x3FDB];
	_ =	sdelay $0x1  }
0x99: {  	s19 =	simm.s32 $_scs_section_size  }
0x9a: {  	s4 =	simm.s32 $_size__tile_overlayer_lowered;
	s5 =	simm.s32 $_tile_overlayer_lowered  }
0x9b: {  	s22 =	simm.s32 $0x1BFF;
	s21 =	sshll.u32 s5, $0x1;
	s2 =	sadd.s32 s19, s18  }
0x9c: {  	s6 =	simm.s32 $0x0;
	s20 =	sshll.u32 s4, $0x1;
	s4 =	sadd.s32 s21, s2  }
0x9d: {  	[timem:s6], [sflag:s22] =	dma.local [hbm:s4], s20  }
0x9e: {  	_ =	swait.ge [sflag:s22], s20  }
0x9f: {  	s3 =	ssub.s32 $0x0, s20;
	[sflag:s22] =	ssyncset.done $0x0  }
0xa0: {  	[sflag:s22] =	ssyncadd.s32 s3;
	_ =	sdelay $0x1  }
0xa1: {  	s23 =	simm.s32 $0x1B8B  }
0xa2: {  	_ =	swait.ge [sflag:s23], $0x1  }
0xa3: {  	[sflag:s23] =	ssyncset.done $0x0  }
0xa4: {  	s25 =	simm.s32 $0x1B8E;
	s24 =	sld [smem:$0x3FFE];
	[sflag:s23] =	ssyncadd.s32 $0xFFFFFFFF  }
0xa5: {  	s26 =	simm.s32 $execute0_lowered;
	[smem:$0x3FD2] =	sst s25  }
0xa6: {  	s4 =	sshll.u32 s26, $0x1;
	_ =	strace $0x80000046;
	[dreg:$0x1] =	wrdreg $0xFFFFFFFF  }
0xa7: {  	s28 =	simm.s32 $_size_execute0_lowered;
	s2 =	sadd.s32 s2, s4;
	[dreg:$0x0] =	wrdreg $0x0  }
0xa8: {  	s4 =	sshll.u32 s28, $0x1;
	[dreg:$0x2] =	wrdreg s2  }
0xa9: {  	[dreg:$0x3] =	wrdreg s4  }
0xaa: {  	[dreg:$0x4] =	wrdreg $0xC0  }
0xab: {  	_ =	task [dreg:s6], $0x5FFFF  }
0xac: {  	[dreg:$0x1] =	wrdreg $0xFFFFFFFF  }
0xad: {  	[dreg:$0x0] =	wrdreg $0x60  }
0xae: {  	[dreg:$0x2] =	wrdreg s24  }
0xaf: {  	[dreg:$0x3] =	wrdreg $0x41000  }
0xb0: {  	[dreg:$0x4] =	wrdreg $0x9  }
0xb1: {  	_ =	task.clear_ibuf [dreg:s6], $0x5FFFF;
	_ =	strace $0x90000046  }
0xb2: {  	s29 =	simm.s32 $0x9;
	_ =	strace $0x80000048  }
0xb3: {  	_ =	swait.ge [sflag:s29], $0x1  }
0xb4: {  	[sflag:s29] =	ssyncadd.s32 $0xFFFFFFFF  }
0xb5: {  	_ =	strace $0x90000048  }
0xb6: {  	_ =	sfence  }
0xb7: {  	s30 =	sld [smem:$0x0];
	_ =	sdelay $0x2  }
0xb8: {  	s31 =	sshll.u32 s1, $0xD;
	s1 =	sshrl.u32 s1, $0x2  }
0xb9: {  	s3 =	sand.u32 $0x4000, s31;
	s1 =	sadd.s32 s1, s30  }
0xba: {  	s0 =	sor.u32 s3, s0;
	s1 =	sshll.u32 s1, $0x11  }
0xbb: {  	s0 =	sor.u32 s1, s0  }
0xbc: {  	s0 =	sadd.s32 $0x8F2B, s0  }
0xbd: {  	[sflag:s0] =	ssyncadd.remote.s32 $0x1  }
0xbe: {  	_ =	sfence.sel $0xFFFF  }
0xbf: {  	[dreg:$0x0] =	wrdreg $0xFFFFFFFF;
	(pc) =	sbr.abs _section_cstart, $3  }
0xc0: {  	[dreg:$0x1] =	wrdreg $0xFFFFFFFF  }
0xc1: {  	_ =	task.clear_ibuf [dreg:s6], $0x2FFFF;
	_ =	strace $0x9FFFFFFF  }
0xc2: {  	(tm) =	ssettm $0x7FFFFFFF  }
0xc3: {  	_ =	shalt  }
tec
execute0_lowered:
.L_overlay_start_1:
0x0: {  	(tag) =	ssettag $0x1  }
0x1: {  	s0 =	rddreg [dreg:$0x0]  }
0x2: {  	s1 =	rddreg [dreg:$0x1]  }
0x3: {  	s3 =	srdreg.scid;
	s20 =	stileid.u32;
	s2 =	simm.s32 $0x0  }
0x4: {  	s23 =	simm.s32 $0x1;
	s28 =	simm.s32 $0x3C00;
	s29 =	simm.s32 $0x100  }
0x5: {  	s30 =	simm.s32 $0x3E80;
	s31 =	simm.s32 $0x0;
	s3 =	sand.u32 $0x1, s3  }
0x6: {  	s4 =	sshll.u32 s20, $0x1;
	[smem:$0x7FF] =	sst s2;
	s8 =	smul.u32 $0x1400, s20  }
0x7: {  	s5 =	sshrl.u32 s20, $0x3;
	s7 =	sshll.u32 s20, $0x7;
	s26 =	smul.u32 $0xA0, s20  }
0x8: {  	s4 =	sor.u32 s3, s4;
	_ =	strace $0x80000047;
	s5 =	smul.u32 $0x50000, s5  }
0x9: {  	s6 =	sshll.u32 s3, $0x4;
	s3 =	ssub.s32 $0x2, s3;
	s4 =	smul.u32 $0x280, s4  }
0xa: {  	s25 =	sand.u32 $0x380, s7;
	s24 =	sshrl.u32 s3, $0x1;
	s5 =	sshrl.u32 s5, $0x2  }
0xb: {  	s21 =	ssub.s32 s3, s24;
	s4 =	sadd.s32 s4, s0;
	s0 =	sadd.s32 s6, s0  }
0xc: {  	s5 =	sadd.s32 s5, s1;
	s21 =	smax.u32 s21, $0x1;
	s3 =	sadd.s32 $0x1E00, s4  }
0xd: {  	s4 =	sadd.s32 s25, s5;
	s5 =	sadd.s32 s8, s1;
	s0 =	sadd.s32 $0x6E00, s0  }
0xe: {  	s25 =	simm.s32 $0x80;
	s6 =	sadd.s32 $0x80, s5;
	s7 =	sadd.s32 $0x100, s5  }
0xf: {  	s8 =	sadd.s32 $0x180, s5;
	s9 =	sadd.s32 $0x200, s5;
	s10 =	sadd.s32 $0x280, s5  }
0x10: {  	s11 =	sadd.s32 $0x300, s5;
	s12 =	sadd.s32 $0x380, s5;
	s13 =	sadd.s32 $0x14000, s5  }
0x11: {  	s14 =	sadd.s32 $0x14080, s5;
	s15 =	sadd.s32 $0x14100, s5;
	s16 =	sadd.s32 $0x14180, s5  }
0x12: {  	s17 =	sadd.s32 $0x14200, s5;
	s18 =	sadd.s32 $0x14280, s5;
	s19 =	sadd.s32 $0x14300, s5  }
0x13: {  	v0 =	vimm.f32 $0.0e+00;
	v1 =	vimm.f32 $1.000000000e+00;
	s20 =	sadd.s32 $0x14380, s5;
	s24 =	sadd.s32 s26, s0;
	s26 =	simm.s32 $0x400  }
.LBB2_1:
0x14: {  	s0 =	simm.s32 $0x40;
	s1 =	simm.s32 $0x0  }
.LBB2_2:
0x15: {  	p0 =	sne.s32 s0, $0x9FC0;
	[tilespmem:s1+$0x0] =	vst v0;
	s1 =	smov.u32 s0;
	s0 =	sadd.s32 $0x40, s0  }
.Ltmp0:
0x16: {  	(pc) =	sbr.rel @p0 .LBB2_2-.Ltmp0, $2  }
0x17: {  	_ =	sdelay $0x2  }
0x18: {  	s1 =	sshra.s32 s1, $0x2  }
0x19: {  	[tilespmem:s1+$0x0] =	vst v0;
	s0 =	simm.s32 $0x0;
	s22 =	simm.s32 $0x2800  }
0x1a: {  	[tilespmem:s22], [sflag:$0x1] =	stream.linear.gather [hbm4b:s3+s0], $0x1400, $0x38;
	[tilespmem:$0x6900] =	vst v63  }
0x1b: {  	_ =	swait.ge [sflag:s23], $0x1400  }
0x1c: {  	[sflag:s23] =	ssyncset.done $0x0  }
0x1d: {  	s1 =	simm.s32 $0x0;
	s0 =	simm.s32 $0x40;
	[sflag:s23] =	ssyncadd.s32 $0xFFFFEC00  }
.LBB2_4:
0x1e: {  	p0 =	sne.s32 s0, $0x4FC0;
	v2 =	vld [tilespmem:s1+$0x2800];
	_ =	sdelay $0x3  }
.Ltmp1:
0x1f: {  	(pc) =	sbr.rel @p0 .LBB2_4-.Ltmp1, $2  }
0x20: {  	_ =	sdelay $0x2  }
0x21: {  	s1 =	sshra.s32 s0, $0x2;
	s0 =	sadd.s32 $0x40, s0;
	[tilespmem:v2+s2+$0x0] =	vst.idx.add.f32.msk $0xffff, v1  }
0x22: {  	v2 =	vld [tilespmem:s1+$0x2800];
	_ =	sdelay $0x7  }
0x23: {  	s0 =	simm.s32 $0x0;
	[tilespmem:v2+s2+$0x0] =	vst.idx.add.f32.msk $0xffff, v1  }
0x24: {  	[spmem:s4] =	stream.strided.scatter [tilespmem:s0], [sflag:$0x1], $0x2800, s26, s25, $0x38;
	[tilespmem:$0x6900] =	vst v63  }
0x25: {  	_ =	swait.ge [sflag:s23], $0x2800  }
0x26: {  	[sflag:s23] =	ssyncset.done $0x0  }
0x27: {  	[sflag:s23] =	ssyncadd.s32 $0xFFFFD800  }
0x28: {  	[bflag:$0x0] =	sbarrier.arrive $0xFFFF  }
0x29: {  	[tilespmem:$0x3E80] =	vst v0  }
0x2a: {  	[tilespmem:$0x3E90] =	vst v0  }
0x2b: {  	[tilespmem:$0x3EA0] =	vst v0  }
0x2c: {  	[tilespmem:$0x3EB0] =	vst v0  }
0x2d: {  	[tilespmem:$0x3EC0] =	vst v0  }
0x2e: {  	[tilespmem:$0x3ED0] =	vst v0  }
0x2f: {  	[tilespmem:$0x3EE0] =	vst v0  }
0x30: {  	[tilespmem:$0x3EF0] =	vst v0  }
0x31: {  	[tilespmem:$0x3F00] =	vst v0  }
0x32: {  	[tilespmem:$0x3F10] =	vst v0  }
0x33: {  	[tilespmem:$0x3F20] =	vst v0  }
0x34: {  	[tilespmem:$0x3F30] =	vst v0  }
0x35: {  	[tilespmem:$0x3F40] =	vst v0  }
0x36: {  	[tilespmem:$0x3F50] =	vst v0  }
0x37: {  	[tilespmem:$0x3F60] =	vst v0  }
0x38: {  	[tilespmem:$0x3F70] =	vst v0  }
0x39: {  	[tilespmem:$0x3F80] =	vst v0  }
0x3a: {  	[tilespmem:$0x3F90] =	vst v0  }
0x3b: {  	[tilespmem:$0x3FA0] =	vst v0  }
0x3c: {  	[tilespmem:$0x3FB0] =	vst v0  }
0x3d: {  	[tilespmem:$0x3FC0] =	vst v0  }
0x3e: {  	[tilespmem:$0x3FD0] =	vst v0  }
0x3f: {  	[tilespmem:$0x3FE0] =	vst v0  }
0x40: {  	[tilespmem:$0x3FF0] =	vst v0  }
0x41: {  	[tilespmem:$0x4000] =	vst v0  }
0x42: {  	[tilespmem:$0x4010] =	vst v0  }
0x43: {  	[tilespmem:$0x4020] =	vst v0  }
0x44: {  	[tilespmem:$0x4030] =	vst v0  }
0x45: {  	[tilespmem:$0x4040] =	vst v0  }
0x46: {  	[tilespmem:$0x4050] =	vst v0  }
0x47: {  	[tilespmem:$0x4060] =	vst v0  }
0x48: {  	[tilespmem:$0x4070] =	vst v0  }
0x49: {  	[tilespmem:$0x4080] =	vst v0  }
0x4a: {  	[tilespmem:$0x4090] =	vst v0  }
0x4b: {  	[tilespmem:$0x40A0] =	vst v0  }
0x4c: {  	[tilespmem:$0x40B0] =	vst v0  }
0x4d: {  	[tilespmem:$0x40C0] =	vst v0  }
0x4e: {  	[tilespmem:$0x40D0] =	vst v0  }
0x4f: {  	[tilespmem:$0x40E0] =	vst v0  }
0x50: {  	[tilespmem:$0x40F0] =	vst v0  }
0x51: {  	[tilespmem:s28], [sflag:$0x1] =	stream.strided.gather [spmem:s5], $0x280, s26, s25, $0x38;
	[tilespmem:$0x6900] =	vst v63  }
0x52: {  	_ =	swait.ge [sflag:s23], $0x280  }
0x53: {  	[sflag:s23] =	ssyncset.done $0x0  }
0x54: {  	s0 =	simm.s32 $0x0;
	[sflag:s23] =	ssyncadd.s32 $0xFFFFFD80  }
0x55: {  	s1 =	simm.s32 $0x40;
	v2 =	vld [tilespmem:s0+$0x3C00]  }
.LBB2_6:
0x56: {  	p0 =	sne.s32 s1, $0x9C0;
	v3 =	vld [tilespmem:s0+$0x3E80];
	_ =	sdelay $0x2  }
.Ltmp2:
0x57: {  	(pc) =	sbr.rel @p0 .LBB2_6-.Ltmp2, $4  }
0x58: {  	_ = 	snop  }
0x59: {  	v3 =	vadd.f32 v2, v3  }
0x5a: {  	s22 =	sshra.s32 s1, $0x2  }
0x5b: {  	s1 =	sadd.s32 $0x40, s1;
	v2 =	vld [tilespmem:s22+$0x3C00];
	[tilespmem:s0+$0x3E80] =	vst v3;
	s0 =	smov.u32 s22  }
0x5c: {  	v3 =	vld [tilespmem:s0+$0x3E80];
	_ =	sdelay $0x4  }
0x5d: {  	v2 =	vadd.f32 v2, v3;
	_ =	sdelay $0x1  }
0x5e: {  	[tilespmem:s0+$0x3E80] =	vst v2  }
0x5f: {  	[tilespmem:s28], [sflag:$0x1] =	stream.strided.gather [spmem:s6], $0x280, s26, s25, $0x38;
	[tilespmem:$0x6900] =	vst v63  }
0x60: {  	_ =	swait.ge [sflag:s23], $0x280  }
0x61: {  	[sflag:s23] =	ssyncset.done $0x0  }
0x62: {  	s0 =	simm.s32 $0x0;
	[sflag:s23] =	ssyncadd.s32 $0xFFFFFD80  }
0x63: {  	s1 =	simm.s32 $0x40;
	v2 =	vld [tilespmem:s0+$0x3C00]  }
.LBB2_8:
0x64: {  	p0 =	sne.s32 s1, $0x9C0;
	v3 =	vld [tilespmem:s0+$0x3E80];
	_ =	sdelay $0x2  }
.Ltmp3:
0x65: {  	(pc) =	sbr.rel @p0 .LBB2_8-.Ltmp3, $4  }
0x66: {  	_ = 	snop  }
0x67: {  	v3 =	vadd.f32 v2, v3  }
0x68: {  	s22 =	sshra.s32 s1, $0x2  }
0x69: {  	s1 =	sadd.s32 $0x40, s1;
	v2 =	vld [tilespmem:s22+$0x3C00];
	[tilespmem:s0+$0x3E80] =	vst v3;
	s0 =	smov.u32 s22  }
0x6a: {  	v3 =	vld [tilespmem:s0+$0x3E80];
	_ =	sdelay $0x4  }
0x6b: {  	v2 =	vadd.f32 v2, v3;
	_ =	sdelay $0x1  }
0x6c: {  	[tilespmem:s0+$0x3E80] =	vst v2  }
0x6d: {  	[tilespmem:s28], [sflag:$0x1] =	stream.strided.gather [spmem:s7], $0x280, s26, s25, $0x38;
	[tilespmem:$0x6900] =	vst v63  }
0x6e: {  	_ =	swait.ge [sflag:s23], $0x280  }
0x6f: {  	[sflag:s23] =	ssyncset.done $0x0  }
0x70: {  	s0 =	simm.s32 $0x0;
	[sflag:s23] =	ssyncadd.s32 $0xFFFFFD80  }
0x71: {  	s1 =	simm.s32 $0x40;
	v2 =	vld [tilespmem:s0+$0x3C00]  }
.LBB2_10:
0x72: {  	p0 =	sne.s32 s1, $0x9C0;
	v3 =	vld [tilespmem:s0+$0x3E80];
	_ =	sdelay $0x2  }
.Ltmp4:
0x73: {  	(pc) =	sbr.rel @p0 .LBB2_10-.Ltmp4, $4  }
0x74: {  	_ = 	snop  }
0x75: {  	v3 =	vadd.f32 v2, v3  }
0x76: {  	s22 =	sshra.s32 s1, $0x2  }
0x77: {  	s1 =	sadd.s32 $0x40, s1;
	v2 =	vld [tilespmem:s22+$0x3C00];
	[tilespmem:s0+$0x3E80] =	vst v3;
	s0 =	smov.u32 s22  }
0x78: {  	v3 =	vld [tilespmem:s0+$0x3E80];
	_ =	sdelay $0x4  }
0x79: {  	v2 =	vadd.f32 v2, v3;
	_ =	sdelay $0x1  }
0x7a: {  	[tilespmem:s0+$0x3E80] =	vst v2  }
0x7b: {  	[tilespmem:s28], [sflag:$0x1] =	stream.strided.gather [spmem:s8], $0x280, s26, s25, $0x38;
	[tilespmem:$0x6900] =	vst v63  }
0x7c: {  	_ =	swait.ge [sflag:s23], $0x280  }
0x7d: {  	[sflag:s23] =	ssyncset.done $0x0  }
0x7e: {  	s0 =	simm.s32 $0x0;
	[sflag:s23] =	ssyncadd.s32 $0xFFFFFD80  }
0x7f: {  	s1 =	simm.s32 $0x40;
	v2 =	vld [tilespmem:s0+$0x3C00]  }
.LBB2_12:
0x80: {  	p0 =	sne.s32 s1, $0x9C0;
	v3 =	vld [tilespmem:s0+$0x3E80];
	_ =	sdelay $0x2  }
.Ltmp5:
0x81: {  	(pc) =	sbr.rel @p0 .LBB2_12-.Ltmp5, $4  }
0x82: {  	_ = 	snop  }
0x83: {  	v3 =	vadd.f32 v2, v3  }
0x84: {  	s22 =	sshra.s32 s1, $0x2  }
0x85: {  	s1 =	sadd.s32 $0x40, s1;
	v2 =	vld [tilespmem:s22+$0x3C00];
	[tilespmem:s0+$0x3E80] =	vst v3;
	s0 =	smov.u32 s22  }
0x86: {  	v3 =	vld [tilespmem:s0+$0x3E80];
	_ =	sdelay $0x4  }
0x87: {  	v2 =	vadd.f32 v2, v3;
	_ =	sdelay $0x1  }
0x88: {  	[tilespmem:s0+$0x3E80] =	vst v2  }
0x89: {  	[tilespmem:s28], [sflag:$0x1] =	stream.strided.gather [spmem:s9], $0x280, s26, s25, $0x38;
	[tilespmem:$0x6900] =	vst v63  }
0x8a: {  	_ =	swait.ge [sflag:s23], $0x280  }
0x8b: {  	[sflag:s23] =	ssyncset.done $0x0  }
0x8c: {  	s0 =	simm.s32 $0x0;
	[sflag:s23] =	ssyncadd.s32 $0xFFFFFD80  }
0x8d: {  	s1 =	simm.s32 $0x40;
	v2 =	vld [tilespmem:s0+$0x3C00]  }
.LBB2_14:
0x8e: {  	p0 =	sne.s32 s1, $0x9C0;
	v3 =	vld [tilespmem:s0+$0x3E80];
	_ =	sdelay $0x2  }
.Ltmp6:
0x8f: {  	(pc) =	sbr.rel @p0 .LBB2_14-.Ltmp6, $4  }
0x90: {  	_ = 	snop  }
0x91: {  	v3 =	vadd.f32 v2, v3  }
0x92: {  	s22 =	sshra.s32 s1, $0x2  }
0x93: {  	s1 =	sadd.s32 $0x40, s1;
	v2 =	vld [tilespmem:s22+$0x3C00];
	[tilespmem:s0+$0x3E80] =	vst v3;
	s0 =	smov.u32 s22  }
0x94: {  	v3 =	vld [tilespmem:s0+$0x3E80];
	_ =	sdelay $0x4  }
0x95: {  	v2 =	vadd.f32 v2, v3;
	_ =	sdelay $0x1  }
0x96: {  	[tilespmem:s0+$0x3E80] =	vst v2  }
0x97: {  	[tilespmem:s28], [sflag:$0x1] =	stream.strided.gather [spmem:s10], $0x280, s26, s25, $0x38;
	[tilespmem:$0x6900] =	vst v63  }
0x98: {  	_ =	swait.ge [sflag:s23], $0x280  }
0x99: {  	[sflag:s23] =	ssyncset.done $0x0  }
0x9a: {  	s0 =	simm.s32 $0x0;
	[sflag:s23] =	ssyncadd.s32 $0xFFFFFD80  }
0x9b: {  	s1 =	simm.s32 $0x40;
	v2 =	vld [tilespmem:s0+$0x3C00]  }
.LBB2_16:
0x9c: {  	p0 =	sne.s32 s1, $0x9C0;
	v3 =	vld [tilespmem:s0+$0x3E80];
	_ =	sdelay $0x2  }
.Ltmp7:
0x9d: {  	(pc) =	sbr.rel @p0 .LBB2_16-.Ltmp7, $4  }
0x9e: {  	_ = 	snop  }
0x9f: {  	v3 =	vadd.f32 v2, v3  }
0xa0: {  	s22 =	sshra.s32 s1, $0x2  }
0xa1: {  	s1 =	sadd.s32 $0x40, s1;
	v2 =	vld [tilespmem:s22+$0x3C00];
	[tilespmem:s0+$0x3E80] =	vst v3;
	s0 =	smov.u32 s22  }
0xa2: {  	v3 =	vld [tilespmem:s0+$0x3E80];
	_ =	sdelay $0x4  }
0xa3: {  	v2 =	vadd.f32 v2, v3;
	_ =	sdelay $0x1  }
0xa4: {  	[tilespmem:s0+$0x3E80] =	vst v2  }
0xa5: {  	[tilespmem:s28], [sflag:$0x1] =	stream.strided.gather [spmem:s11], $0x280, s26, s25, $0x38;
	[tilespmem:$0x6900] =	vst v63  }
0xa6: {  	_ =	swait.ge [sflag:s23], $0x280  }
0xa7: {  	[sflag:s23] =	ssyncset.done $0x0  }
0xa8: {  	s0 =	simm.s32 $0x0;
	[sflag:s23] =	ssyncadd.s32 $0xFFFFFD80  }
0xa9: {  	s1 =	simm.s32 $0x40;
	v2 =	vld [tilespmem:s0+$0x3C00]  }
.LBB2_18:
0xaa: {  	p0 =	sne.s32 s1, $0x9C0;
	v3 =	vld [tilespmem:s0+$0x3E80];
	_ =	sdelay $0x2  }
.Ltmp8:
0xab: {  	(pc) =	sbr.rel @p0 .LBB2_18-.Ltmp8, $4  }
0xac: {  	_ = 	snop  }
0xad: {  	v3 =	vadd.f32 v2, v3  }
0xae: {  	s22 =	sshra.s32 s1, $0x2  }
0xaf: {  	s1 =	sadd.s32 $0x40, s1;
	v2 =	vld [tilespmem:s22+$0x3C00];
	[tilespmem:s0+$0x3E80] =	vst v3;
	s0 =	smov.u32 s22  }
0xb0: {  	v3 =	vld [tilespmem:s0+$0x3E80];
	_ =	sdelay $0x4  }
0xb1: {  	v2 =	vadd.f32 v2, v3;
	_ =	sdelay $0x1  }
0xb2: {  	[tilespmem:s0+$0x3E80] =	vst v2  }
0xb3: {  	[tilespmem:s28], [sflag:$0x1] =	stream.strided.gather [spmem:s12], $0x280, s26, s25, $0x38;
	[tilespmem:$0x6900] =	vst v63  }
0xb4: {  	_ =	swait.ge [sflag:s23], $0x280  }
0xb5: {  	[sflag:s23] =	ssyncset.done $0x0  }
0xb6: {  	s0 =	simm.s32 $0x0;
	[sflag:s23] =	ssyncadd.s32 $0xFFFFFD80  }
0xb7: {  	s1 =	simm.s32 $0x40;
	v2 =	vld [tilespmem:s0+$0x3C00]  }
.LBB2_20:
0xb8: {  	p0 =	sne.s32 s1, $0x9C0;
	v3 =	vld [tilespmem:s0+$0x3E80];
	_ =	sdelay $0x2  }
.Ltmp9:
0xb9: {  	(pc) =	sbr.rel @p0 .LBB2_20-.Ltmp9, $4  }
0xba: {  	_ = 	snop  }
0xbb: {  	v3 =	vadd.f32 v2, v3  }
0xbc: {  	s22 =	sshra.s32 s1, $0x2  }
0xbd: {  	s1 =	sadd.s32 $0x40, s1;
	v2 =	vld [tilespmem:s22+$0x3C00];
	[tilespmem:s0+$0x3E80] =	vst v3;
	s0 =	smov.u32 s22  }
0xbe: {  	v3 =	vld [tilespmem:s0+$0x3E80];
	_ =	sdelay $0x4  }
0xbf: {  	v2 =	vadd.f32 v2, v3;
	_ =	sdelay $0x1  }
0xc0: {  	[tilespmem:s0+$0x3E80] =	vst v2  }
0xc1: {  	[tilespmem:s28], [sflag:$0x1] =	stream.strided.gather [spmem:s13], $0x280, s26, s25, $0x38;
	[tilespmem:$0x6900] =	vst v63  }
0xc2: {  	_ =	swait.ge [sflag:s23], $0x280  }
0xc3: {  	[sflag:s23] =	ssyncset.done $0x0  }
0xc4: {  	s0 =	simm.s32 $0x0;
	[sflag:s23] =	ssyncadd.s32 $0xFFFFFD80  }
0xc5: {  	s1 =	simm.s32 $0x40;
	v2 =	vld [tilespmem:s0+$0x3C00]  }
.LBB2_22:
0xc6: {  	p0 =	sne.s32 s1, $0x9C0;
	v3 =	vld [tilespmem:s0+$0x3E80];
	_ =	sdelay $0x2  }
.Ltmp10:
0xc7: {  	(pc) =	sbr.rel @p0 .LBB2_22-.Ltmp10, $4  }
0xc8: {  	_ = 	snop  }
0xc9: {  	v3 =	vadd.f32 v2, v3  }
0xca: {  	s22 =	sshra.s32 s1, $0x2  }
0xcb: {  	s1 =	sadd.s32 $0x40, s1;
	v2 =	vld [tilespmem:s22+$0x3C00];
	[tilespmem:s0+$0x3E80] =	vst v3;
	s0 =	smov.u32 s22  }
0xcc: {  	v3 =	vld [tilespmem:s0+$0x3E80];
	_ =	sdelay $0x4  }
0xcd: {  	v2 =	vadd.f32 v2, v3;
	_ =	sdelay $0x1  }
0xce: {  	[tilespmem:s0+$0x3E80] =	vst v2  }
0xcf: {  	[tilespmem:s28], [sflag:$0x1] =	stream.strided.gather [spmem:s14], $0x280, s26, s25, $0x38;
	[tilespmem:$0x6900] =	vst v63  }
0xd0: {  	_ =	swait.ge [sflag:s23], $0x280  }
0xd1: {  	[sflag:s23] =	ssyncset.done $0x0  }
0xd2: {  	s0 =	simm.s32 $0x0;
	[sflag:s23] =	ssyncadd.s32 $0xFFFFFD80  }
0xd3: {  	s1 =	simm.s32 $0x40;
	v2 =	vld [tilespmem:s0+$0x3C00]  }
.LBB2_24:
0xd4: {  	p0 =	sne.s32 s1, $0x9C0;
	v3 =	vld [tilespmem:s0+$0x3E80];
	_ =	sdelay $0x2  }
.Ltmp11:
0xd5: {  	(pc) =	sbr.rel @p0 .LBB2_24-.Ltmp11, $4  }
0xd6: {  	_ = 	snop  }
0xd7: {  	v3 =	vadd.f32 v2, v3  }
0xd8: {  	s22 =	sshra.s32 s1, $0x2  }
0xd9: {  	s1 =	sadd.s32 $0x40, s1;
	v2 =	vld [tilespmem:s22+$0x3C00];
	[tilespmem:s0+$0x3E80] =	vst v3;
	s0 =	smov.u32 s22  }
0xda: {  	v3 =	vld [tilespmem:s0+$0x3E80];
	_ =	sdelay $0x4  }
0xdb: {  	v2 =	vadd.f32 v2, v3;
	_ =	sdelay $0x1  }
0xdc: {  	[tilespmem:s0+$0x3E80] =	vst v2  }
0xdd: {  	[tilespmem:s28], [sflag:$0x1] =	stream.strided.gather [spmem:s15], $0x280, s26, s25, $0x38;
	[tilespmem:$0x6900] =	vst v63  }
0xde: {  	_ =	swait.ge [sflag:s23], $0x280  }
0xdf: {  	[sflag:s23] =	ssyncset.done $0x0  }
0xe0: {  	s0 =	simm.s32 $0x0;
	[sflag:s23] =	ssyncadd.s32 $0xFFFFFD80  }
0xe1: {  	s1 =	simm.s32 $0x40;
	v2 =	vld [tilespmem:s0+$0x3C00]  }
.LBB2_26:
0xe2: {  	p0 =	sne.s32 s1, $0x9C0;
	v3 =	vld [tilespmem:s0+$0x3E80];
	_ =	sdelay $0x2  }
.Ltmp12:
0xe3: {  	(pc) =	sbr.rel @p0 .LBB2_26-.Ltmp12, $4  }
0xe4: {  	_ = 	snop  }
0xe5: {  	v3 =	vadd.f32 v2, v3  }
0xe6: {  	s22 =	sshra.s32 s1, $0x2  }
0xe7: {  	s1 =	sadd.s32 $0x40, s1;
	v2 =	vld [tilespmem:s22+$0x3C00];
	[tilespmem:s0+$0x3E80] =	vst v3;
	s0 =	smov.u32 s22  }
0xe8: {  	v3 =	vld [tilespmem:s0+$0x3E80];
	_ =	sdelay $0x4  }
0xe9: {  	v2 =	vadd.f32 v2, v3;
	_ =	sdelay $0x1  }
0xea: {  	[tilespmem:s0+$0x3E80] =	vst v2  }
0xeb: {  	[tilespmem:s28], [sflag:$0x1] =	stream.strided.gather [spmem:s16], $0x280, s26, s25, $0x38;
	[tilespmem:$0x6900] =	vst v63  }
0xec: {  	_ =	swait.ge [sflag:s23], $0x280  }
0xed: {  	[sflag:s23] =	ssyncset.done $0x0  }
0xee: {  	s0 =	simm.s32 $0x0;
	[sflag:s23] =	ssyncadd.s32 $0xFFFFFD80  }
0xef: {  	s1 =	simm.s32 $0x40;
	v2 =	vld [tilespmem:s0+$0x3C00]  }
.LBB2_28:
0xf0: {  	p0 =	sne.s32 s1, $0x9C0;
	v3 =	vld [tilespmem:s0+$0x3E80];
	_ =	sdelay $0x2  }
.Ltmp13:
0xf1: {  	(pc) =	sbr.rel @p0 .LBB2_28-.Ltmp13, $4  }
0xf2: {  	_ = 	snop  }
0xf3: {  	v3 =	vadd.f32 v2, v3  }
0xf4: {  	s22 =	sshra.s32 s1, $0x2  }
0xf5: {  	s1 =	sadd.s32 $0x40, s1;
	v2 =	vld [tilespmem:s22+$0x3C00];
	[tilespmem:s0+$0x3E80] =	vst v3;
	s0 =	smov.u32 s22  }
0xf6: {  	v3 =	vld [tilespmem:s0+$0x3E80];
	_ =	sdelay $0x4  }
0xf7: {  	v2 =	vadd.f32 v2, v3;
	_ =	sdelay $0x1  }
0xf8: {  	[tilespmem:s0+$0x3E80] =	vst v2  }
0xf9: {  	[tilespmem:s28], [sflag:$0x1] =	stream.strided.gather [spmem:s17], $0x280, s26, s25, $0x38;
	[tilespmem:$0x6900] =	vst v63  }
0xfa: {  	_ =	swait.ge [sflag:s23], $0x280  }
0xfb: {  	[sflag:s23] =	ssyncset.done $0x0  }
0xfc: {  	s0 =	simm.s32 $0x0;
	[sflag:s23] =	ssyncadd.s32 $0xFFFFFD80  }
0xfd: {  	s1 =	simm.s32 $0x40;
	v2 =	vld [tilespmem:s0+$0x3C00]  }
.LBB2_30:
0xfe: {  	p0 =	sne.s32 s1, $0x9C0;
	v3 =	vld [tilespmem:s0+$0x3E80];
	_ =	sdelay $0x2  }
.Ltmp14:
0xff: {  	(pc) =	sbr.rel @p0 .LBB2_30-.Ltmp14, $4  }
0x100: {  	_ = 	snop  }
0x101: {  	v3 =	vadd.f32 v2, v3  }
0x102: {  	s22 =	sshra.s32 s1, $0x2  }
0x103: {  	s1 =	sadd.s32 $0x40, s1;
	v2 =	vld [tilespmem:s22+$0x3C00];
	[tilespmem:s0+$0x3E80] =	vst v3;
	s0 =	smov.u32 s22  }
0x104: {  	v3 =	vld [tilespmem:s0+$0x3E80];
	_ =	sdelay $0x4  }
0x105: {  	v2 =	vadd.f32 v2, v3;
	_ =	sdelay $0x1  }
0x106: {  	[tilespmem:s0+$0x3E80] =	vst v2  }
0x107: {  	[tilespmem:s28], [sflag:$0x1] =	stream.strided.gather [spmem:s18], $0x280, s26, s25, $0x38;
	[tilespmem:$0x6900] =	vst v63  }
0x108: {  	_ =	swait.ge [sflag:s23], $0x280  }
0x109: {  	[sflag:s23] =	ssyncset.done $0x0  }
0x10a: {  	s0 =	simm.s32 $0x0;
	[sflag:s23] =	ssyncadd.s32 $0xFFFFFD80  }
0x10b: {  	s1 =	simm.s32 $0x40;
	v2 =	vld [tilespmem:s0+$0x3C00]  }
.LBB2_32:
0x10c: {  	p0 =	sne.s32 s1, $0x9C0;
	v3 =	vld [tilespmem:s0+$0x3E80];
	_ =	sdelay $0x2  }
.Ltmp15:
0x10d: {  	(pc) =	sbr.rel @p0 .LBB2_32-.Ltmp15, $4  }
0x10e: {  	_ = 	snop  }
0x10f: {  	v3 =	vadd.f32 v2, v3  }
0x110: {  	s22 =	sshra.s32 s1, $0x2  }
0x111: {  	s1 =	sadd.s32 $0x40, s1;
	v2 =	vld [tilespmem:s22+$0x3C00];
	[tilespmem:s0+$0x3E80] =	vst v3;
	s0 =	smov.u32 s22  }
0x112: {  	v3 =	vld [tilespmem:s0+$0x3E80];
	_ =	sdelay $0x4  }
0x113: {  	v2 =	vadd.f32 v2, v3;
	_ =	sdelay $0x1  }
0x114: {  	[tilespmem:s0+$0x3E80] =	vst v2  }
0x115: {  	[tilespmem:s28], [sflag:$0x1] =	stream.strided.gather [spmem:s19], $0x280, s26, s25, $0x38;
	[tilespmem:$0x6900] =	vst v63  }
0x116: {  	_ =	swait.ge [sflag:s23], $0x280  }
0x117: {  	[sflag:s23] =	ssyncset.done $0x0  }
0x118: {  	s0 =	simm.s32 $0x0;
	[sflag:s23] =	ssyncadd.s32 $0xFFFFFD80  }
0x119: {  	s1 =	simm.s32 $0x40;
	v2 =	vld [tilespmem:s0+$0x3C00]  }
.LBB2_34:
0x11a: {  	p0 =	sne.s32 s1, $0x9C0;
	v3 =	vld [tilespmem:s0+$0x3E80];
	_ =	sdelay $0x2  }
.Ltmp16:
0x11b: {  	(pc) =	sbr.rel @p0 .LBB2_34-.Ltmp16, $4  }
0x11c: {  	_ = 	snop  }
0x11d: {  	v3 =	vadd.f32 v2, v3  }
0x11e: {  	s22 =	sshra.s32 s1, $0x2  }
0x11f: {  	s1 =	sadd.s32 $0x40, s1;
	v2 =	vld [tilespmem:s22+$0x3C00];
	[tilespmem:s0+$0x3E80] =	vst v3;
	s0 =	smov.u32 s22  }
0x120: {  	v3 =	vld [tilespmem:s0+$0x3E80];
	_ =	sdelay $0x4  }
0x121: {  	v2 =	vadd.f32 v2, v3;
	_ =	sdelay $0x1  }
0x122: {  	[tilespmem:s0+$0x3E80] =	vst v2  }
0x123: {  	[tilespmem:s28], [sflag:$0x1] =	stream.strided.gather [spmem:s20], $0x280, s26, s25, $0x38;
	[tilespmem:$0x6900] =	vst v63  }
0x124: {  	_ =	swait.ge [sflag:s23], $0x280  }
0x125: {  	[sflag:s23] =	ssyncset.done $0x0  }
0x126: {  	s0 =	simm.s32 $0x0;
	[sflag:s23] =	ssyncadd.s32 $0xFFFFFD80  }
0x127: {  	s1 =	simm.s32 $0x40;
	v2 =	vld [tilespmem:s0+$0x3C00]  }
.LBB2_36:
0x128: {  	p0 =	sne.s32 s1, $0x9C0;
	v3 =	vld [tilespmem:s0+$0x3E80];
	_ =	sdelay $0x2  }
.Ltmp17:
0x129: {  	(pc) =	sbr.rel @p0 .LBB2_36-.Ltmp17, $4  }
0x12a: {  	_ = 	snop  }
0x12b: {  	v3 =	vadd.f32 v2, v3  }
0x12c: {  	s22 =	sshra.s32 s1, $0x2  }
0x12d: {  	s1 =	sadd.s32 $0x40, s1;
	v2 =	vld [tilespmem:s22+$0x3C00];
	[tilespmem:s0+$0x3E80] =	vst v3;
	s0 =	smov.u32 s22  }
0x12e: {  	v3 =	vld [tilespmem:s0+$0x3E80];
	_ =	sdelay $0x4  }
0x12f: {  	s31 =	sadd.s32 $0x1, s31;
	v2 =	vadd.f32 v2, v3  }
0x130: {  	p0 =	sne.s32 s31, s21  }
.Ltmp18:
0x131: {  	[tilespmem:s0+$0x3E80] =	vst v2;
	(pc) =	sbr.rel @p0 .LBB2_1-.Ltmp18, $4  }
0x132: {  	[hbm4b:s24+s25] =	stream.strided.scatter [tilespmem:s30], [sflag:$0x1], $0x280, s29, s25, $0x38;
	[tilespmem:$0x6900] =	vst v63  }
0x133: {  	_ =	swait.ge [sflag:s23], $0x280  }
0x134: {  	[sflag:s23] =	ssyncset.done $0x0  }
0x135: {  	[sflag:s23] =	ssyncadd.s32 $0xFFFFFD80  }
0x136: {  	_ =	sfence.sel $0x180000  }
0x137: {  	[bflag:$0x0] =	sbarrier.arrive $0xFFFF  }
0x138: {  	_ =	strace $0x90000047  }
0x139: {  	s0 =	stileid.u32;
	[bflag:$0x2] =	sbarrier.arrive $0xFFFF  }
0x13a: {  	p0 =	sne.s32 s0, $0x0;
	s0 =	rddreg [dreg:$0x2]  }
0x13b: {  	s0 =	sadd.s32 @!p0 $0x100000, s0  }
0x13c: {  	[sflag:s0] =	ssyncadd.tile.s32 @!p0 $0x1;
	_ =	shalt  }
.Lfunc_end2:
_tile_overlayer_lowered:
.L_overlay_start_2:
0x13d: {  	(tag) =	ssettag $0x2  }
0x13e: {  	s0 =	rddreg [dreg:$0x0];
	s2 =	stileid.u32  }
0x13f: {  	s1 =	rddreg [dreg:$0x1];
	p0 =	sne.s32 s2, $0x0  }
0x140: {  	s3 =	rddreg [dreg:$0x2];
	[bflag:$0x3] =	sbarrier.arrive $0xFFFF;
	s2 =	simm.s32 @!p0 $0x1C01  }
0x141: {  	[timem:s3], [sflag:s2] =	dma.local @!p0 [hbm:s0], s1  }
0x142: {  	s0 =	simm.s32 @!p0 $0x1  }
0x143: {  	_ =	swait.ge @!p0 [sflag:s0], s1  }
0x144: {  	s1 =	ssub.s32 @!p0 $0x0, s1;
	[sflag:s0] =	ssyncset.done @!p0 $0x0  }
0x145: {  	[sflag:s0] =	ssyncadd.s32 @!p0 s1  }
0x146: {  	[bflag:$0x3] =	sbarrier.arrive $0xFFFF  }
0x147: {  	_ =	shalt  }

</sc_bundles>
